<compile_context>
chip_gen: v7x
topology: tpu7x:2x2x1
jax: 0.10.2.dev20260603
libtpu: 0.0.44.dev20260713+nightly
codegen_flags: <defaults>
</compile_context>

<pallas_src>
import jax
import jax.numpy as jnp
from jax import lax
from jax.experimental import pallas as pl
from jax.experimental.pallas import tpu as pltpu
from jax.experimental.pallas import tpu_sc as plsc

_Q = 16
_K = 4096
_D = 768
_C = 256
_CB = 64
_CS = 32
_HALF = _K // 2
_N_STRUCT = 17
_N_BC0 = 5
_N_BC1 = 9


def _body(emb_hbm, out_hbm, idx_v, sidx_v, bcast_v, rows_a, rows_b,
          bcast_sh, gsem, bsem, wsem):
    cid = lax.axis_index("c")
    sid = lax.axis_index("s")
    i = sid
    half = (sid + cid) & 1
    base = i * _K
    s_end = ((i + 513 + 7) >> 3) << 3

    @pl.when(sid == 0)
    def _():
        for q in range(4):
            idx_v[pl.ds(q * 16, 16)] = jnp.zeros((16,), jnp.int32)
        pltpu.async_copy(emb_hbm.at[idx_v], bcast_v, gsem).wait()
        for r in range(_C // _CB):
            pltpu.sync_copy(bcast_v, bcast_sh.at[pl.ds(r * _CB, _CB)])

    plsc.subcore_barrier()

    @pl.when(half == 0)
    def _():
        bufs = (rows_a, rows_b)

        def fill_idx(k):
            j0 = jnp.minimum(_CS * k, s_end - _CS)
            top = i + 512 - j0
            for q in range(_CS // 16):
                sidx_v[pl.ds(q * 16, 16)] = jnp.maximum(
                    (top - q * 16) - lax.iota(jnp.int32, 16), 0)
            return j0

        j0_prev = fill_idx(0)
        pltpu.async_copy(emb_hbm.at[sidx_v], bufs[0], gsem).wait()
        for k in range(1, _N_STRUCT + 1):
            wr = pltpu.async_copy(
                bufs[(k - 1) % 2],
                out_hbm.at[pl.ds(pl.multiple_of(base + j0_prev, 8), _CS)],
                wsem)
            if k < _N_STRUCT:
                j0_prev = fill_idx(k)
                pltpu.async_copy(emb_hbm.at[sidx_v], bufs[k % 2], gsem).wait()
            wr.wait()

    pend = []
    for k in range(_N_BC0):
        j0 = jnp.where(
            half == 0,
            s_end + _C * k,
            jnp.minimum(s_end + _C * (_N_BC0 + k), _K - _C),
        )
        pend.append(
            pltpu.async_copy(
                bcast_sh,
                out_hbm.at[pl.ds(pl.multiple_of(base + j0, 8), _C)], bsem))

    @pl.when(half == 1)
    def _():
        extra = [
            pltpu.async_copy(
                bcast_sh,
                out_hbm.at[pl.ds(
                    pl.multiple_of(
                        base + jnp.minimum(
                            s_end + _C * (_N_BC0 + k), _K - _C), 8),
                    _C)], bsem)
            for k in range(_N_BC0, _N_BC1)
        ]
        for p in extra:
            p.wait()

    for p in pend:
        p.wait()


@jax.jit
def _rpe(emb_weight):
    mesh = plsc.VectorSubcoreMesh(core_axis_name="c", subcore_axis_name="s")
    run = pl.kernel(
        _body,
        out_type=jax.ShapeDtypeStruct((_Q * _K, _D), jnp.float32),
        mesh=mesh,
        scratch_types=[
            pltpu.VMEM((_CB,), jnp.int32),
            pltpu.VMEM((_CS,), jnp.int32),
            pltpu.VMEM((_CB, _D), jnp.float32),
            pltpu.VMEM((_CS, _D), jnp.float32),
            pltpu.VMEM((_CS, _D), jnp.float32),
            pltpu.VMEM_SHARED((_C, _D), jnp.float32),
            pltpu.SemaphoreType.DMA,
            pltpu.SemaphoreType.DMA,
            pltpu.SemaphoreType.DMA,
        ],
    )
    return run(emb_weight).reshape(_Q, _K, _D)


def kernel(q_len, k_len, emb_weight):
    return _rpe(emb_weight)

# --- scband reference (transcript-rebuilt; emitter-appended) ---
"""Pipeline reference for scband-relative-position-encoding-31593779429392 (READ-ONLY COPY).

The authoritative reference and input builder live on the scoring server;
editing this copy changes nothing except your own understanding.
"""

import jax, jax.numpy as jnp
import numpy as np

D_MODEL = 768
MAX_REL_POS = 512
Q_LEN = 16
K_LEN = 4096

def setup_inputs(seed: int = 0) -> dict:
    key = jax.random.key(seed)
    emb_weight = jax.random.normal(key, (2 * MAX_REL_POS + 1, D_MODEL), dtype=jnp.float32) * 0.02
    return {"q_len": 16, "k_len": 4096, "emb_weight": emb_weight}

def reference(q_len, k_len, emb_weight):
    # Transformer-XL style relative position encoding
    range_q = (jnp.arange(Q_LEN) + 0 * q_len)[:, None]
    range_k = (jnp.arange(K_LEN) + 0 * k_len)[None, :]
    distance = range_q - range_k
    distance = jnp.clip(distance, -MAX_REL_POS, MAX_REL_POS)
    distance = distance + MAX_REL_POS
    # embedding lookup: gather rows of the table -> [q_len, k_len, d_model]
    return jnp.take(emb_weight, distance, axis=0)

if __name__ == "__main__":
    import jax
    _d = setup_inputs()
    print(jax.jit(kernel)(*tuple(_d.values())))

</pallas_src>

<mosaic_0001>
#map = affine_map<(d0, d1) -> (0, 0)>
module attributes {stable_mosaic.version = 14 : i64} {
  func.func @_body(%arg0: i32, %arg1: i32, %arg2: memref<1025x768xf32, #tpu.memory_space<hbm>>, %arg3: memref<65536x768xf32, #tpu.memory_space<hbm>>, %arg4: memref<64xi32, #tpu.memory_space<vmem>>, %arg5: memref<32xi32, #tpu.memory_space<vmem>>, %arg6: memref<64x768xf32, #tpu.memory_space<vmem>>, %arg7: memref<32x768xf32, #tpu.memory_space<vmem>>, %arg8: memref<32x768xf32, #tpu.memory_space<vmem>>, %arg9: memref<256x768xf32, #tpu.memory_space<vmem_shared>>, %arg10: memref<!tpu.dma_semaphore, #tpu.memory_space<semaphore_mem>>, %arg11: memref<!tpu.dma_semaphore, #tpu.memory_space<semaphore_mem>>, %arg12: memref<!tpu.dma_semaphore, #tpu.memory_space<semaphore_mem>>) attributes {dimension_semantics = [#tpu.dimension_semantics<core_parallel>, #tpu.dimension_semantics<subcore_parallel>], iteration_bounds = array<i64: 2, 16>, scalar_prefetch = 0 : i64, scratch_operands = 9 : i64, tpu.core_type = #tpu.core_type<sc_vector_subcore>, window_params = [{transform_indices = #map}, {transform_indices = #map}]} {
    %add3A = arith.addi %arg1, %arg0 : i32
    %and3A = arith.constant 1 : i32
    %and3A_0 = arith.andi %add3A, %and3A : i32
    %mul3A = arith.constant 4096 : i32
    %mul3A_1 = arith.muli %arg1, %mul3A : i32
    %add3A_2 = arith.constant 513 : i32
    %add3A_3 = arith.addi %arg1, %add3A_2 : i32
    %add3A_4 = arith.constant 7 : i32
    %add3A_5 = arith.addi %add3A_3, %add3A_4 : i32
    %shift_right_arithmetic3A = arith.constant 3 : i32
    %shift_right_arithmetic3A_6 = arith.shrsi %add3A_5, %shift_right_arithmetic3A : i32
    %shift_left3A = arith.constant 3 : i32
    %shift_left3A_7 = arith.shli %shift_right_arithmetic3A_6, %shift_left3A : i32
    %eq3A = arith.constant 0 : i32
    %eq3A_8 = arith.cmpi eq, %arg1, %eq3A : i32
    %convert_element_type3A = arith.extui %eq3A_8 : i1 to i32
    %cond3A = arith.constant 0 : i32
    %cond3A_9 = arith.cmpi ne, %convert_element_type3A, %cond3A : i32
    scf.if %cond3A_9 {
      %broadcast_in_dim3A = arith.constant 0 : i32
      %broadcast_in_dim3A_90 = vector.broadcast %broadcast_in_dim3A : i32 to vector<16xi32>
      %swap3A = arith.constant 0 : index
      %swap3A_91 = tpu.vector_load %arg4[%swap3A] {strides = array<i32>} : memref<64xi32, #tpu.memory_space<vmem>>, vector<16xi32>,
      %swap3A_92 = vector.shape_cast %swap3A_91 : vector<16xi32> to vector<16xi32>
      %swap3A_93 = vector.shape_cast %broadcast_in_dim3A_90 : vector<16xi32> to vector<16xi32>
      tpu.vector_store %arg4[%swap3A], %swap3A_93 {strides = array<i32>} : memref<64xi32, #tpu.memory_space<vmem>>, vector<16xi32>,
      %broadcast_in_dim3A_94 = arith.constant 0 : i32
      %broadcast_in_dim3A_95 = vector.broadcast %broadcast_in_dim3A_94 : i32 to vector<16xi32>
      %swap3A_96 = arith.constant 16 : index
      %swap3A_97 = tpu.vector_load %arg4[%swap3A_96] {strides = array<i32>} : memref<64xi32, #tpu.memory_space<vmem>>, vector<16xi32>,
      %swap3A_98 = vector.shape_cast %swap3A_97 : vector<16xi32> to vector<16xi32>
      %swap3A_99 = vector.shape_cast %broadcast_in_dim3A_95 : vector<16xi32> to vector<16xi32>
      tpu.vector_store %arg4[%swap3A_96], %swap3A_99 {strides = array<i32>} : memref<64xi32, #tpu.memory_space<vmem>>, vector<16xi32>,
      %broadcast_in_dim3A_100 = arith.constant 0 : i32
      %broadcast_in_dim3A_101 = vector.broadcast %broadcast_in_dim3A_100 : i32 to vector<16xi32>
      %swap3A_102 = arith.constant 32 : index
      %swap3A_103 = tpu.vector_load %arg4[%swap3A_102] {strides = array<i32>} : memref<64xi32, #tpu.memory_space<vmem>>, vector<16xi32>,
      %swap3A_104 = vector.shape_cast %swap3A_103 : vector<16xi32> to vector<16xi32>
      %swap3A_105 = vector.shape_cast %broadcast_in_dim3A_101 : vector<16xi32> to vector<16xi32>
      tpu.vector_store %arg4[%swap3A_102], %swap3A_105 {strides = array<i32>} : memref<64xi32, #tpu.memory_space<vmem>>, vector<16xi32>,
      %broadcast_in_dim3A_106 = arith.constant 0 : i32
      %broadcast_in_dim3A_107 = vector.broadcast %broadcast_in_dim3A_106 : i32 to vector<16xi32>
      %swap3A_108 = arith.constant 48 : index
      %swap3A_109 = tpu.vector_load %arg4[%swap3A_108] {strides = array<i32>} : memref<64xi32, #tpu.memory_space<vmem>>, vector<16xi32>,
      %swap3A_110 = vector.shape_cast %swap3A_109 : vector<16xi32> to vector<16xi32>
      %swap3A_111 = vector.shape_cast %broadcast_in_dim3A_107 : vector<16xi32> to vector<16xi32>
      tpu.vector_store %arg4[%swap3A_108], %swap3A_111 {strides = array<i32>} : memref<64xi32, #tpu.memory_space<vmem>>, vector<16xi32>,
      %dma_start3A_112 = arith.constant 0 : i32
      %dma_start3A_113 = arith.constant 0 : i32
      %dma_start3A_114 = tpu.memref_slice %arg2[%dma_start3A_112, %dma_start3A_113] : memref<1025x768xf32, #tpu.memory_space<hbm>> -> memref<1025x768xf32, #tpu.memory_space<hbm>>
      tpu.enqueue_indirect_dma source(%dma_start3A_114 : memref<1025x768xf32, #tpu.memory_space<hbm>>) target(%arg6 : memref<64x768xf32, #tpu.memory_space<vmem>>) offsets(%arg4 : memref<64xi32, #tpu.memory_space<vmem>>) semaphore(%arg10 : memref<!tpu.dma_semaphore, #tpu.memory_space<semaphore_mem>>)
      %dma_wait3A_115 = arith.constant 0 : i32
      %dma_wait3A_116 = arith.constant 0 : i32
      %dma_wait3A_117 = tpu.memref_slice %arg2[%dma_wait3A_115, %dma_wait3A_116] : memref<1025x768xf32, #tpu.memory_space<hbm>> -> memref<1025x768xf32, #tpu.memory_space<hbm>>
      tpu.wait_indirect_dma semaphore(%arg10 : memref<!tpu.dma_semaphore, #tpu.memory_space<semaphore_mem>>) src(%dma_wait3A_117 : memref<1025x768xf32, #tpu.memory_space<hbm>>) dst(%arg6 : memref<64x768xf32, #tpu.memory_space<vmem>>)
      "tpu.region"() ({
        %run_scoped3A = tpu.sem_alloc : memref<!tpu.dma_semaphore, #tpu.memory_space<semaphore_mem>>
        %dma_start3A_118 = arith.constant 0 : i32
        %dma_start3A_119 = arith.constant 0 : i32
        %dma_start3A_120 = tpu.memref_slice %arg9[%dma_start3A_118, %dma_start3A_119] : memref<256x768xf32, #tpu.memory_space<vmem_shared>> -> memref<64x768xf32, #tpu.memory_space<vmem_shared>>
        %dma_start3A_121 = arith.constant 0 : i32
        %dma_start3A_122 = arith.constant 0 : i32
        %dma_start3A_123 = tpu.memref_slice %arg9[%dma_start3A_121, %dma_start3A_122] : memref<256x768xf32, #tpu.memory_space<vmem_shared>> -> memref<64x768xf32, #tpu.memory_space<vmem_shared>>
        tpu.enqueue_dma source(%arg6 : memref<64x768xf32, #tpu.memory_space<vmem>>) target(%dma_start3A_123 : memref<64x768xf32, #tpu.memory_space<vmem_shared>>) target_semaphore(%run_scoped3A : memref<!tpu.dma_semaphore, #tpu.memory_space<semaphore_mem>>)
        %dma_wait3A_124 = arith.constant 0 : i32
        %dma_wait3A_125 = arith.constant 0 : i32
        %dma_wait3A_126 = tpu.memref_slice %arg9[%dma_wait3A_124, %dma_wait3A_125] : memref<256x768xf32, #tpu.memory_space<vmem_shared>> -> memref<64x768xf32, #tpu.memory_space<vmem_shared>>
        %dma_wait3A_127 = arith.constant 0 : i32
        %dma_wait3A_128 = arith.constant 0 : i32
        %dma_wait3A_129 = tpu.memref_slice %arg9[%dma_wait3A_127, %dma_wait3A_128] : memref<256x768xf32, #tpu.memory_space<vmem_shared>> -> memref<64x768xf32, #tpu.memory_space<vmem_shared>>
        tpu.wait_dma2 semaphore(%run_scoped3A : memref<!tpu.dma_semaphore, #tpu.memory_space<semaphore_mem>>) src(%arg6 : memref<64x768xf32, #tpu.memory_space<vmem>>) dst(%dma_wait3A_129 : memref<64x768xf32, #tpu.memory_space<vmem_shared>>)
        tpu.yield
      }) : () -> ()
      "tpu.region"() ({
        %run_scoped3A = tpu.sem_alloc : memref<!tpu.dma_semaphore, #tpu.memory_space<semaphore_mem>>
        %dma_start3A_118 = arith.constant 64 : i32
        %dma_start3A_119 = arith.constant 0 : i32
        %dma_start3A_120 = tpu.memref_slice %arg9[%dma_start3A_118, %dma_start3A_119] : memref<256x768xf32, #tpu.memory_space<vmem_shared>> -> memref<64x768xf32, #tpu.memory_space<vmem_shared>>
        %dma_start3A_121 = arith.constant 64 : i32
        %dma_start3A_122 = arith.constant 0 : i32
        %dma_start3A_123 = tpu.memref_slice %arg9[%dma_start3A_121, %dma_start3A_122] : memref<256x768xf32, #tpu.memory_space<vmem_shared>> -> memref<64x768xf32, #tpu.memory_space<vmem_shared>>
        tpu.enqueue_dma source(%arg6 : memref<64x768xf32, #tpu.memory_space<vmem>>) target(%dma_start3A_123 : memref<64x768xf32, #tpu.memory_space<vmem_shared>>) target_semaphore(%run_scoped3A : memref<!tpu.dma_semaphore, #tpu.memory_space<semaphore_mem>>)
        %dma_wait3A_124 = arith.constant 64 : i32
        %dma_wait3A_125 = arith.constant 0 : i32
        %dma_wait3A_126 = tpu.memref_slice %arg9[%dma_wait3A_124, %dma_wait3A_125] : memref<256x768xf32, #tpu.memory_space<vmem_shared>> -> memref<64x768xf32, #tpu.memory_space<vmem_shared>>
        %dma_wait3A_127 = arith.constant 64 : i32
        %dma_wait3A_128 = arith.constant 0 : i32
        %dma_wait3A_129 = tpu.memref_slice %arg9[%dma_wait3A_127, %dma_wait3A_128] : memref<256x768xf32, #tpu.memory_space<vmem_shared>> -> memref<64x768xf32, #tpu.memory_space<vmem_shared>>
        tpu.wait_dma2 semaphore(%run_scoped3A : memref<!tpu.dma_semaphore, #tpu.memory_space<semaphore_mem>>) src(%arg6 : memref<64x768xf32, #tpu.memory_space<vmem>>) dst(%dma_wait3A_129 : memref<64x768xf32, #tpu.memory_space<vmem_shared>>)
        tpu.yield
      }) : () -> ()
      "tpu.region"() ({
        %run_scoped3A = tpu.sem_alloc : memref<!tpu.dma_semaphore, #tpu.memory_space<semaphore_mem>>
        %dma_start3A_118 = arith.constant 128 : i32
        %dma_start3A_119 = arith.constant 0 : i32
        %dma_start3A_120 = tpu.memref_slice %arg9[%dma_start3A_118, %dma_start3A_119] : memref<256x768xf32, #tpu.memory_space<vmem_shared>> -> memref<64x768xf32, #tpu.memory_space<vmem_shared>>
        %dma_start3A_121 = arith.constant 128 : i32
        %dma_start3A_122 = arith.constant 0 : i32
        %dma_start3A_123 = tpu.memref_slice %arg9[%dma_start3A_121, %dma_start3A_122] : memref<256x768xf32, #tpu.memory_space<vmem_shared>> -> memref<64x768xf32, #tpu.memory_space<vmem_shared>>
        tpu.enqueue_dma source(%arg6 : memref<64x768xf32, #tpu.memory_space<vmem>>) target(%dma_start3A_123 : memref<64x768xf32, #tpu.memory_space<vmem_shared>>) target_semaphore(%run_scoped3A : memref<!tpu.dma_semaphore, #tpu.memory_space<semaphore_mem>>)
        %dma_wait3A_124 = arith.constant 128 : i32
        %dma_wait3A_125 = arith.constant 0 : i32
        %dma_wait3A_126 = tpu.memref_slice %arg9[%dma_wait3A_124, %dma_wait3A_125] : memref<256x768xf32, #tpu.memory_space<vmem_shared>> -> memref<64x768xf32, #tpu.memory_space<vmem_shared>>
        %dma_wait3A_127 = arith.constant 128 : i32
        %dma_wait3A_128 = arith.constant 0 : i32
        %dma_wait3A_129 = tpu.memref_slice %arg9[%dma_wait3A_127, %dma_wait3A_128] : memref<256x768xf32, #tpu.memory_space<vmem_shared>> -> memref<64x768xf32, #tpu.memory_space<vmem_shared>>
        tpu.wait_dma2 semaphore(%run_scoped3A : memref<!tpu.dma_semaphore, #tpu.memory_space<semaphore_mem>>) src(%arg6 : memref<64x768xf32, #tpu.memory_space<vmem>>) dst(%dma_wait3A_129 : memref<64x768xf32, #tpu.memory_space<vmem_shared>>)
        tpu.yield
      }) : () -> ()
      "tpu.region"() ({
        %run_scoped3A = tpu.sem_alloc : memref<!tpu.dma_semaphore, #tpu.memory_space<semaphore_mem>>
        %dma_start3A_118 = arith.constant 192 : i32
        %dma_start3A_119 = arith.constant 0 : i32
        %dma_start3A_120 = tpu.memref_slice %arg9[%dma_start3A_118, %dma_start3A_119] : memref<256x768xf32, #tpu.memory_space<vmem_shared>> -> memref<64x768xf32, #tpu.memory_space<vmem_shared>>
        %dma_start3A_121 = arith.constant 192 : i32
        %dma_start3A_122 = arith.constant 0 : i32
        %dma_start3A_123 = tpu.memref_slice %arg9[%dma_start3A_121, %dma_start3A_122] : memref<256x768xf32, #tpu.memory_space<vmem_shared>> -> memref<64x768xf32, #tpu.memory_space<vmem_shared>>
        tpu.enqueue_dma source(%arg6 : memref<64x768xf32, #tpu.memory_space<vmem>>) target(%dma_start3A_123 : memref<64x768xf32, #tpu.memory_space<vmem_shared>>) target_semaphore(%run_scoped3A : memref<!tpu.dma_semaphore, #tpu.memory_space<semaphore_mem>>)
        %dma_wait3A_124 = arith.constant 192 : i32
        %dma_wait3A_125 = arith.constant 0 : i32
        %dma_wait3A_126 = tpu.memref_slice %arg9[%dma_wait3A_124, %dma_wait3A_125] : memref<256x768xf32, #tpu.memory_space<vmem_shared>> -> memref<64x768xf32, #tpu.memory_space<vmem_shared>>
        %dma_wait3A_127 = arith.constant 192 : i32
        %dma_wait3A_128 = arith.constant 0 : i32
        %dma_wait3A_129 = tpu.memref_slice %arg9[%dma_wait3A_127, %dma_wait3A_128] : memref<256x768xf32, #tpu.memory_space<vmem_shared>> -> memref<64x768xf32, #tpu.memory_space<vmem_shared>>
        tpu.wait_dma2 semaphore(%run_scoped3A : memref<!tpu.dma_semaphore, #tpu.memory_space<semaphore_mem>>) src(%arg6 : memref<64x768xf32, #tpu.memory_space<vmem>>) dst(%dma_wait3A_129 : memref<64x768xf32, #tpu.memory_space<vmem_shared>>)
        tpu.yield
      }) : () -> ()
    } else {
    }
    %barrier3A = arith.constant 0 : index
    tpu.barrier barrier_id(%barrier3A)
    %eq3A_10 = arith.constant 0 : i32
    %eq3A_11 = arith.cmpi eq, %and3A_0, %eq3A_10 : i32
    %convert_element_type3A_12 = arith.extui %eq3A_11 : i1 to i32
    %cond3A_13 = arith.constant 0 : i32
    %cond3A_14 = arith.cmpi ne, %convert_element_type3A_12, %cond3A_13 : i32
    scf.if %cond3A_14 {
      %sub3A = arith.constant 32 : i32
      %sub3A_90 = arith.subi %shift_left3A_7, %sub3A : i32
      %min3A_91 = arith.constant 0 : i32
      %min3A_92 = arith.minsi %min3A_91, %sub3A_90 : i32
      %add3A_93 = arith.constant 512 : i32
      %add3A_94 = arith.addi %arg1, %add3A_93 : i32
      %sub3A_95 = arith.subi %add3A_94, %min3A_92 : i32
      %sub3A_96 = arith.constant 0 : i32
      %sub3A_97 = arith.subi %sub3A_95, %sub3A_96 : i32
      %iota3A = tpu.iota {dimensions = array<i32: 0>} : vector<16xi32>
      %sub3A_98 = vector.broadcast %sub3A_97 : i32 to vector<16xi32>
      %sub3A_99 = arith.subi %sub3A_98, %iota3A : vector<16xi32>
      %max3A = arith.constant 0 : i32
      %max3A_100 = vector.broadcast %max3A : i32 to vector<16xi32>
      %max3A_101 = arith.maxsi %sub3A_99, %max3A_100 : vector<16xi32>
      %swap3A = arith.constant 0 : index
      %swap3A_102 = tpu.vector_load %arg5[%swap3A] {strides = array<i32>} : memref<32xi32, #tpu.memory_space<vmem>>, vector<16xi32>,
      %swap3A_103 = vector.shape_cast %swap3A_102 : vector<16xi32> to vector<16xi32>
      %swap3A_104 = vector.shape_cast %max3A_101 : vector<16xi32> to vector<16xi32>
      tpu.vector_store %arg5[%swap3A], %swap3A_104 {strides = array<i32>} : memref<32xi32, #tpu.memory_space<vmem>>, vector<16xi32>,
      %sub3A_105 = arith.constant 16 : i32
      %sub3A_106 = arith.subi %sub3A_95, %sub3A_105 : i32
      %iota3A_107 = tpu.iota {dimensions = array<i32: 0>} : vector<16xi32>
      %sub3A_108 = vector.broadcast %sub3A_106 : i32 to vector<16xi32>
      %sub3A_109 = arith.subi %sub3A_108, %iota3A_107 : vector<16xi32>
      %max3A_110 = arith.constant 0 : i32
      %max3A_111 = vector.broadcast %max3A_110 : i32 to vector<16xi32>
      %max3A_112 = arith.maxsi %sub3A_109, %max3A_111 : vector<16xi32>
      %swap3A_113 = arith.constant 16 : index
      %swap3A_114 = tpu.vector_load %arg5[%swap3A_113] {strides = array<i32>} : memref<32xi32, #tpu.memory_space<vmem>>, vector<16xi32>,
      %swap3A_115 = vector.shape_cast %swap3A_114 : vector<16xi32> to vector<16xi32>
      %swap3A_116 = vector.shape_cast %max3A_112 : vector<16xi32> to vector<16xi32>
      tpu.vector_store %arg5[%swap3A_113], %swap3A_116 {strides = array<i32>} : memref<32xi32, #tpu.memory_space<vmem>>, vector<16xi32>,
      %dma_start3A_117 = arith.constant 0 : i32
      %dma_start3A_118 = arith.constant 0 : i32
      %dma_start3A_119 = tpu.memref_slice %arg2[%dma_start3A_117, %dma_start3A_118] : memref<1025x768xf32, #tpu.memory_space<hbm>> -> memref<1025x768xf32, #tpu.memory_space<hbm>>
      tpu.enqueue_indirect_dma source(%dma_start3A_119 : memref<1025x768xf32, #tpu.memory_space<hbm>>) target(%arg7 : memref<32x768xf32, #tpu.memory_space<vmem>>) offsets(%arg5 : memref<32xi32, #tpu.memory_space<vmem>>) semaphore(%arg10 : memref<!tpu.dma_semaphore, #tpu.memory_space<semaphore_mem>>)
      %dma_wait3A_120 = arith.constant 0 : i32
      %dma_wait3A_121 = arith.constant 0 : i32
      %dma_wait3A_122 = tpu.memref_slice %arg2[%dma_wait3A_120, %dma_wait3A_121] : memref<1025x768xf32, #tpu.memory_space<hbm>> -> memref<1025x768xf32, #tpu.memory_space<hbm>>
      tpu.wait_indirect_dma semaphore(%arg10 : memref<!tpu.dma_semaphore, #tpu.memory_space<semaphore_mem>>) src(%dma_wait3A_122 : memref<1025x768xf32, #tpu.memory_space<hbm>>) dst(%arg7 : memref<32x768xf32, #tpu.memory_space<vmem>>)
      %add3A_123 = arith.addi %mul3A_1, %min3A_92 : i32
      %multiple_of3A_124 = tpu.assume_multiple %add3A_123, 8 : i32
      %dma_start3A_125 = arith.constant 0 : i32
      %dma_start3A_126 = tpu.memref_slice %arg3[%multiple_of3A_124, %dma_start3A_125] : memref<65536x768xf32, #tpu.memory_space<hbm>> -> memref<32x768xf32, #tpu.memory_space<hbm>>
      %dma_start3A_127 = arith.constant 0 : i32
      %dma_start3A_128 = tpu.memref_slice %arg3[%multiple_of3A_124, %dma_start3A_127] : memref<65536x768xf32, #tpu.memory_space<hbm>> -> memref<32x768xf32, #tpu.memory_space<hbm>>
      tpu.enqueue_dma source(%arg7 : memref<32x768xf32, #tpu.memory_space<vmem>>) target(%dma_start3A_128 : memref<32x768xf32, #tpu.memory_space<hbm>>) target_semaphore(%arg12 : memref<!tpu.dma_semaphore, #tpu.memory_space<semaphore_mem>>)
      %sub3A_129 = arith.constant 32 : i32
      %sub3A_130 = arith.subi %shift_left3A_7, %sub3A_129 : i32
      %min3A_131 = arith.constant 32 : i32
      %min3A_132 = arith.minsi %min3A_131, %sub3A_130 : i32
      %add3A_133 = arith.constant 512 : i32
      %add3A_134 = arith.addi %arg1, %add3A_133 : i32
      %sub3A_135 = arith.subi %add3A_134, %min3A_132 : i32
      %sub3A_136 = arith.constant 0 : i32
      %sub3A_137 = arith.subi %sub3A_135, %sub3A_136 : i32
      %iota3A_138 = tpu.iota {dimensions = array<i32: 0>} : vector<16xi32>
      %sub3A_139 = vector.broadcast %sub3A_137 : i32 to vector<16xi32>
      %sub3A_140 = arith.subi %sub3A_139, %iota3A_138 : vector<16xi32>
      %max3A_141 = arith.constant 0 : i32
      %max3A_142 = vector.broadcast %max3A_141 : i32 to vector<16xi32>
      %max3A_143 = arith.maxsi %sub3A_140, %max3A_142 : vector<16xi32>
      %swap3A_144 = arith.constant 0 : index
      %swap3A_145 = tpu.vector_load %arg5[%swap3A_144] {strides = array<i32>} : memref<32xi32, #tpu.memory_space<vmem>>, vector<16xi32>,
      %swap3A_146 = vector.shape_cast %swap3A_145 : vector<16xi32> to vector<16xi32>
      %swap3A_147 = vector.shape_cast %max3A_143 : vector<16xi32> to vector<16xi32>
      tpu.vector_store %arg5[%swap3A_144], %swap3A_147 {strides = array<i32>} : memref<32xi32, #tpu.memory_space<vmem>>, vector<16xi32>,
      %sub3A_148 = arith.constant 16 : i32
      %sub3A_149 = arith.subi %sub3A_135, %sub3A_148 : i32
      %iota3A_150 = tpu.iota {dimensions = array<i32: 0>} : vector<16xi32>
      %sub3A_151 = vector.broadcast %sub3A_149 : i32 to vector<16xi32>
      %sub3A_152 = arith.subi %sub3A_151, %iota3A_150 : vector<16xi32>
      %max3A_153 = arith.constant 0 : i32
      %max3A_154 = vector.broadcast %max3A_153 : i32 to vector<16xi32>
      %max3A_155 = arith.maxsi %sub3A_152, %max3A_154 : vector<16xi32>
      %swap3A_156 = arith.constant 16 : index
      %swap3A_157 = tpu.vector_load %arg5[%swap3A_156] {strides = array<i32>} : memref<32xi32, #tpu.memory_space<vmem>>, vector<16xi32>,
      %swap3A_158 = vector.shape_cast %swap3A_157 : vector<16xi32> to vector<16xi32>
      %swap3A_159 = vector.shape_cast %max3A_155 : vector<16xi32> to vector<16xi32>
      tpu.vector_store %arg5[%swap3A_156], %swap3A_159 {strides = array<i32>} : memref<32xi32, #tpu.memory_space<vmem>>, vector<16xi32>,
      %dma_start3A_160 = arith.constant 0 : i32
      %dma_start3A_161 = arith.constant 0 : i32
      %dma_start3A_162 = tpu.memref_slice %arg2[%dma_start3A_160, %dma_start3A_161] : memref<1025x768xf32, #tpu.memory_space<hbm>> -> memref<1025x768xf32, #tpu.memory_space<hbm>>
      tpu.enqueue_indirect_dma source(%dma_start3A_162 : memref<1025x768xf32, #tpu.memory_space<hbm>>) target(%arg8 : memref<32x768xf32, #tpu.memory_space<vmem>>) offsets(%arg5 : memref<32xi32, #tpu.memory_space<vmem>>) semaphore(%arg10 : memref<!tpu.dma_semaphore, #tpu.memory_space<semaphore_mem>>)
      %dma_wait3A_163 = arith.constant 0 : i32
      %dma_wait3A_164 = arith.constant 0 : i32
      %dma_wait3A_165 = tpu.memref_slice %arg2[%dma_wait3A_163, %dma_wait3A_164] : memref<1025x768xf32, #tpu.memory_space<hbm>> -> memref<1025x768xf32, #tpu.memory_space<hbm>>
      tpu.wait_indirect_dma semaphore(%arg10 : memref<!tpu.dma_semaphore, #tpu.memory_space<semaphore_mem>>) src(%dma_wait3A_165 : memref<1025x768xf32, #tpu.memory_space<hbm>>) dst(%arg8 : memref<32x768xf32, #tpu.memory_space<vmem>>)
      %dma_wait3A_166 = arith.constant 0 : i32
      %dma_wait3A_167 = tpu.memref_slice %arg3[%multiple_of3A_124, %dma_wait3A_166] : memref<65536x768xf32, #tpu.memory_space<hbm>> -> memref<32x768xf32, #tpu.memory_space<hbm>>
      %dma_wait3A_168 = arith.constant 0 : i32
      %dma_wait3A_169 = tpu.memref_slice %arg3[%multiple_of3A_124, %dma_wait3A_168] : memref<65536x768xf32, #tpu.memory_space<hbm>> -> memref<32x768xf32, #tpu.memory_space<hbm>>
      tpu.wait_dma2 semaphore(%arg12 : memref<!tpu.dma_semaphore, #tpu.memory_space<semaphore_mem>>) src(%arg7 : memref<32x768xf32, #tpu.memory_space<vmem>>) dst(%dma_wait3A_169 : memref<32x768xf32, #tpu.memory_space<hbm>>)
      %add3A_170 = arith.addi %mul3A_1, %min3A_132 : i32
      %multiple_of3A_171 = tpu.assume_multiple %add3A_170, 8 : i32
      %dma_start3A_172 = arith.constant 0 : i32
      %dma_start3A_173 = tpu.memref_slice %arg3[%multiple_of3A_171, %dma_start3A_172] : memref<65536x768xf32, #tpu.memory_space<hbm>> -> memref<32x768xf32, #tpu.memory_space<hbm>>
      %dma_start3A_174 = arith.constant 0 : i32
      %dma_start3A_175 = tpu.memref_slice %arg3[%multiple_of3A_171, %dma_start3A_174] : memref<65536x768xf32, #tpu.memory_space<hbm>> -> memref<32x768xf32, #tpu.memory_space<hbm>>
      tpu.enqueue_dma source(%arg8 : memref<32x768xf32, #tpu.memory_space<vmem>>) target(%dma_start3A_175 : memref<32x768xf32, #tpu.memory_space<hbm>>) target_semaphore(%arg12 : memref<!tpu.dma_semaphore, #tpu.memory_space<semaphore_mem>>)
      %sub3A_176 = arith.constant 32 : i32
      %sub3A_177 = arith.subi %shift_left3A_7, %sub3A_176 : i32
      %min3A_178 = arith.constant 64 : i32
      %min3A_179 = arith.minsi %min3A_178, %sub3A_177 : i32
      %add3A_180 = arith.constant 512 : i32
      %add3A_181 = arith.addi %arg1, %add3A_180 : i32
      %sub3A_182 = arith.subi %add3A_181, %min3A_179 : i32
      %sub3A_183 = arith.constant 0 : i32
      %sub3A_184 = arith.subi %sub3A_182, %sub3A_183 : i32
      %iota3A_185 = tpu.iota {dimensions = array<i32: 0>} : vector<16xi32>
      %sub3A_186 = vector.broadcast %sub3A_184 : i32 to vector<16xi32>
      %sub3A_187 = arith.subi %sub3A_186, %iota3A_185 : vector<16xi32>
      %max3A_188 = arith.constant 0 : i32
      %max3A_189 = vector.broadcast %max3A_188 : i32 to vector<16xi32>
      %max3A_190 = arith.maxsi %sub3A_187, %max3A_189 : vector<16xi32>
      %swap3A_191 = arith.constant 0 : index
      %swap3A_192 = tpu.vector_load %arg5[%swap3A_191] {strides = array<i32>} : memref<32xi32, #tpu.memory_space<vmem>>, vector<16xi32>,
      %swap3A_193 = vector.shape_cast %swap3A_192 : vector<16xi32> to vector<16xi32>
      %swap3A_194 = vector.shape_cast %max3A_190 : vector<16xi32> to vector<16xi32>
      tpu.vector_store %arg5[%swap3A_191], %swap3A_194 {strides = array<i32>} : memref<32xi32, #tpu.memory_space<vmem>>, vector<16xi32>,
      %sub3A_195 = arith.constant 16 : i32
      %sub3A_196 = arith.subi %sub3A_182, %sub3A_195 : i32
      %iota3A_197 = tpu.iota {dimensions = array<i32: 0>} : vector<16xi32>
      %sub3A_198 = vector.broadcast %sub3A_196 : i32 to vector<16xi32>
      %sub3A_199 = arith.subi %sub3A_198, %iota3A_197 : vector<16xi32>
      %max3A_200 = arith.constant 0 : i32
      %max3A_201 = vector.broadcast %max3A_200 : i32 to vector<16xi32>
      %max3A_202 = arith.maxsi %sub3A_199, %max3A_201 : vector<16xi32>
      %swap3A_203 = arith.constant 16 : index
      %swap3A_204 = tpu.vector_load %arg5[%swap3A_203] {strides = array<i32>} : memref<32xi32, #tpu.memory_space<vmem>>, vector<16xi32>,
      %swap3A_205 = vector.shape_cast %swap3A_204 : vector<16xi32> to vector<16xi32>
      %swap3A_206 = vector.shape_cast %max3A_202 : vector<16xi32> to vector<16xi32>
      tpu.vector_store %arg5[%swap3A_203], %swap3A_206 {strides = array<i32>} : memref<32xi32, #tpu.memory_space<vmem>>, vector<16xi32>,
      %dma_start3A_207 = arith.constant 0 : i32
      %dma_start3A_208 = arith.constant 0 : i32
      %dma_start3A_209 = tpu.memref_slice %arg2[%dma_start3A_207, %dma_start3A_208] : memref<1025x768xf32, #tpu.memory_space<hbm>> -> memref<1025x768xf32, #tpu.memory_space<hbm>>
      tpu.enqueue_indirect_dma source(%dma_start3A_209 : memref<1025x768xf32, #tpu.memory_space<hbm>>) target(%arg7 : memref<32x768xf32, #tpu.memory_space<vmem>>) offsets(%arg5 : memref<32xi32, #tpu.memory_space<vmem>>) semaphore(%arg10 : memref<!tpu.dma_semaphore, #tpu.memory_space<semaphore_mem>>)
      %dma_wait3A_210 = arith.constant 0 : i32
      %dma_wait3A_211 = arith.constant 0 : i32
      %dma_wait3A_212 = tpu.memref_slice %arg2[%dma_wait3A_210, %dma_wait3A_211] : memref<1025x768xf32, #tpu.memory_space<hbm>> -> memref<1025x768xf32, #tpu.memory_space<hbm>>
      tpu.wait_indirect_dma semaphore(%arg10 : memref<!tpu.dma_semaphore, #tpu.memory_space<semaphore_mem>>) src(%dma_wait3A_212 : memref<1025x768xf32, #tpu.memory_space<hbm>>) dst(%arg7 : memref<32x768xf32, #tpu.memory_space<vmem>>)
      %dma_wait3A_213 = arith.constant 0 : i32
      %dma_wait3A_214 = tpu.memref_slice %arg3[%multiple_of3A_171, %dma_wait3A_213] : memref<65536x768xf32, #tpu.memory_space<hbm>> -> memref<32x768xf32, #tpu.memory_space<hbm>>
      %dma_wait3A_215 = arith.constant 0 : i32
      %dma_wait3A_216 = tpu.memref_slice %arg3[%multiple_of3A_171, %dma_wait3A_215] : memref<65536x768xf32, #tpu.memory_space<hbm>> -> memref<32x768xf32, #tpu.memory_space<hbm>>
      tpu.wait_dma2 semaphore(%arg12 : memref<!tpu.dma_semaphore, #tpu.memory_space<semaphore_mem>>) src(%arg8 : memref<32x768xf32, #tpu.memory_space<vmem>>) dst(%dma_wait3A_216 : memref<32x768xf32, #tpu.memory_space<hbm>>)
      %add3A_217 = arith.addi %mul3A_1, %min3A_179 : i32
      %multiple_of3A_218 = tpu.assume_multiple %add3A_217, 8 : i32
      %dma_start3A_219 = arith.constant 0 : i32
      %dma_start3A_220 = tpu.memref_slice %arg3[%multiple_of3A_218, %dma_start3A_219] : memref<65536x768xf32, #tpu.memory_space<hbm>> -> memref<32x768xf32, #tpu.memory_space<hbm>>
      %dma_start3A_221 = arith.constant 0 : i32
      %dma_start3A_222 = tpu.memref_slice %arg3[%multiple_of3A_218, %dma_start3A_221] : memref<65536x768xf32, #tpu.memory_space<hbm>> -> memref<32x768xf32, #tpu.memory_space<hbm>>
      tpu.enqueue_dma source(%arg7 : memref<32x768xf32, #tpu.memory_space<vmem>>) target(%dma_start3A_222 : memref<32x768xf32, #tpu.memory_space<hbm>>) target_semaphore(%arg12 : memref<!tpu.dma_semaphore, #tpu.memory_space<semaphore_mem>>)
      %sub3A_223 = arith.constant 32 : i32
      %sub3A_224 = arith.subi %shift_left3A_7, %sub3A_223 : i32
      %min3A_225 = arith.constant 96 : i32
      %min3A_226 = arith.minsi %min3A_225, %sub3A_224 : i32
      %add3A_227 = arith.constant 512 : i32
      %add3A_228 = arith.addi %arg1, %add3A_227 : i32
      %sub3A_229 = arith.subi %add3A_228, %min3A_226 : i32
      %sub3A_230 = arith.constant 0 : i32
      %sub3A_231 = arith.subi %sub3A_229, %sub3A_230 : i32
      %iota3A_232 = tpu.iota {dimensions = array<i32: 0>} : vector<16xi32>
      %sub3A_233 = vector.broadcast %sub3A_231 : i32 to vector<16xi32>
      %sub3A_234 = arith.subi %sub3A_233, %iota3A_232 : vector<16xi32>
      %max3A_235 = arith.constant 0 : i32
      %max3A_236 = vector.broadcast %max3A_235 : i32 to vector<16xi32>
      %max3A_237 = arith.maxsi %sub3A_234, %max3A_236 : vector<16xi32>
      %swap3A_238 = arith.constant 0 : index
      %swap3A_239 = tpu.vector_load %arg5[%swap3A_238] {strides = array<i32>} : memref<32xi32, #tpu.memory_space<vmem>>, vector<16xi32>,
      %swap3A_240 = vector.shape_cast %swap3A_239 : vector<16xi32> to vector<16xi32>
      %swap3A_241 = vector.shape_cast %max3A_237 : vector<16xi32> to vector<16xi32>
      tpu.vector_store %arg5[%swap3A_238], %swap3A_241 {strides = array<i32>} : memref<32xi32, #tpu.memory_space<vmem>>, vector<16xi32>,
      %sub3A_242 = arith.constant 16 : i32
      %sub3A_243 = arith.subi %sub3A_229, %sub3A_242 : i32
      %iota3A_244 = tpu.iota {dimensions = array<i32: 0>} : vector<16xi32>
      %sub3A_245 = vector.broadcast %sub3A_243 : i32 to vector<16xi32>
      %sub3A_246 = arith.subi %sub3A_245, %iota3A_244 : vector<16xi32>
      %max3A_247 = arith.constant 0 : i32
      %max3A_248 = vector.broadcast %max3A_247 : i32 to vector<16xi32>
      %max3A_249 = arith.maxsi %sub3A_246, %max3A_248 : vector<16xi32>
      %swap3A_250 = arith.constant 16 : index
      %swap3A_251 = tpu.vector_load %arg5[%swap3A_250] {strides = array<i32>} : memref<32xi32, #tpu.memory_space<vmem>>, vector<16xi32>,
      %swap3A_252 = vector.shape_cast %swap3A_251 : vector<16xi32> to vector<16xi32>
      %swap3A_253 = vector.shape_cast %max3A_249 : vector<16xi32> to vector<16xi32>
      tpu.vector_store %arg5[%swap3A_250], %swap3A_253 {strides = array<i32>} : memref<32xi32, #tpu.memory_space<vmem>>, vector<16xi32>,
      %dma_start3A_254 = arith.constant 0 : i32
      %dma_start3A_255 = arith.constant 0 : i32
      %dma_start3A_256 = tpu.memref_slice %arg2[%dma_start3A_254, %dma_start3A_255] : memref<1025x768xf32, #tpu.memory_space<hbm>> -> memref<1025x768xf32, #tpu.memory_space<hbm>>
      tpu.enqueue_indirect_dma source(%dma_start3A_256 : memref<1025x768xf32, #tpu.memory_space<hbm>>) target(%arg8 : memref<32x768xf32, #tpu.memory_space<vmem>>) offsets(%arg5 : memref<32xi32, #tpu.memory_space<vmem>>) semaphore(%arg10 : memref<!tpu.dma_semaphore, #tpu.memory_space<semaphore_mem>>)
      %dma_wait3A_257 = arith.constant 0 : i32
      %dma_wait3A_258 = arith.constant 0 : i32
      %dma_wait3A_259 = tpu.memref_slice %arg2[%dma_wait3A_257, %dma_wait3A_258] : memref<1025x768xf32, #tpu.memory_space<hbm>> -> memref<1025x768xf32, #tpu.memory_space<hbm>>
      tpu.wait_indirect_dma semaphore(%arg10 : memref<!tpu.dma_semaphore, #tpu.memory_space<semaphore_mem>>) src(%dma_wait3A_259 : memref<1025x768xf32, #tpu.memory_space<hbm>>) dst(%arg8 : memref<32x768xf32, #tpu.memory_space<vmem>>)
      %dma_wait3A_260 = arith.constant 0 : i32
      %dma_wait3A_261 = tpu.memref_slice %arg3[%multiple_of3A_218, %dma_wait3A_260] : memref<65536x768xf32, #tpu.memory_space<hbm>> -> memref<32x768xf32, #tpu.memory_space<hbm>>
      %dma_wait3A_262 = arith.constant 0 : i32
      %dma_wait3A_263 = tpu.memref_slice %arg3[%multiple_of3A_218, %dma_wait3A_262] : memref<65536x768xf32, #tpu.memory_space<hbm>> -> memref<32x768xf32, #tpu.memory_space<hbm>>
      tpu.wait_dma2 semaphore(%arg12 : memref<!tpu.dma_semaphore, #tpu.memory_space<semaphore_mem>>) src(%arg7 : memref<32x768xf32, #tpu.memory_space<vmem>>) dst(%dma_wait3A_263 : memref<32x768xf32, #tpu.memory_space<hbm>>)
      %add3A_264 = arith.addi %mul3A_1, %min3A_226 : i32
      %multiple_of3A_265 = tpu.assume_multiple %add3A_264, 8 : i32
      %dma_start3A_266 = arith.constant 0 : i32
      %dma_start3A_267 = tpu.memref_slice %arg3[%multiple_of3A_265, %dma_start3A_266] : memref<65536x768xf32, #tpu.memory_space<hbm>> -> memref<32x768xf32, #tpu.memory_space<hbm>>
      %dma_start3A_268 = arith.constant 0 : i32
      %dma_start3A_269 = tpu.memref_slice %arg3[%multiple_of3A_265, %dma_start3A_268] : memref<65536x768xf32, #tpu.memory_space<hbm>> -> memref<32x768xf32, #tpu.memory_space<hbm>>
      tpu.enqueue_dma source(%arg8 : memref<32x768xf32, #tpu.memory_space<vmem>>) target(%dma_start3A_269 : memref<32x768xf32, #tpu.memory_space<hbm>>) target_semaphore(%arg12 : memref<!tpu.dma_semaphore, #tpu.memory_space<semaphore_mem>>)
      %sub3A_270 = arith.constant 32 : i32
      %sub3A_271 = arith.subi %shift_left3A_7, %sub3A_270 : i32
      %min3A_272 = arith.constant 128 : i32
      %min3A_273 = arith.minsi %min3A_272, %sub3A_271 : i32
      %add3A_274 = arith.constant 512 : i32
      %add3A_275 = arith.addi %arg1, %add3A_274 : i32
      %sub3A_276 = arith.subi %add3A_275, %min3A_273 : i32
      %sub3A_277 = arith.constant 0 : i32
      %sub3A_278 = arith.subi %sub3A_276, %sub3A_277 : i32
      %iota3A_279 = tpu.iota {dimensions = array<i32: 0>} : vector<16xi32>
      %sub3A_280 = vector.broadcast %sub3A_278 : i32 to vector<16xi32>
      %sub3A_281 = arith.subi %sub3A_280, %iota3A_279 : vector<16xi32>
      %max3A_282 = arith.constant 0 : i32
      %max3A_283 = vector.broadcast %max3A_282 : i32 to vector<16xi32>
      %max3A_284 = arith.maxsi %sub3A_281, %max3A_283 : vector<16xi32>
      %swap3A_285 = arith.constant 0 : index
      %swap3A_286 = tpu.vector_load %arg5[%swap3A_285] {strides = array<i32>} : memref<32xi32, #tpu.memory_space<vmem>>, vector<16xi32>,
      %swap3A_287 = vector.shape_cast %swap3A_286 : vector<16xi32> to vector<16xi32>
      %swap3A_288 = vector.shape_cast %max3A_284 : vector<16xi32> to vector<16xi32>
      tpu.vector_store %arg5[%swap3A_285], %swap3A_288 {strides = array<i32>} : memref<32xi32, #tpu.memory_space<vmem>>, vector<16xi32>,
      %sub3A_289 = arith.constant 16 : i32
      %sub3A_290 = arith.subi %sub3A_276, %sub3A_289 : i32
      %iota3A_291 = tpu.iota {dimensions = array<i32: 0>} : vector<16xi32>
      %sub3A_292 = vector.broadcast %sub3A_290 : i32 to vector<16xi32>
      %sub3A_293 = arith.subi %sub3A_292, %iota3A_291 : vector<16xi32>
      %max3A_294 = arith.constant 0 : i32
      %max3A_295 = vector.broadcast %max3A_294 : i32 to vector<16xi32>
      %max3A_296 = arith.maxsi %sub3A_293, %max3A_295 : vector<16xi32>
      %swap3A_297 = arith.constant 16 : index
      %swap3A_298 = tpu.vector_load %arg5[%swap3A_297] {strides = array<i32>} : memref<32xi32, #tpu.memory_space<vmem>>, vector<16xi32>,
      %swap3A_299 = vector.shape_cast %swap3A_298 : vector<16xi32> to vector<16xi32>
      %swap3A_300 = vector.shape_cast %max3A_296 : vector<16xi32> to vector<16xi32>
      tpu.vector_store %arg5[%swap3A_297], %swap3A_300 {strides = array<i32>} : memref<32xi32, #tpu.memory_space<vmem>>, vector<16xi32>,
      %dma_start3A_301 = arith.constant 0 : i32
      %dma_start3A_302 = arith.constant 0 : i32
      %dma_start3A_303 = tpu.memref_slice %arg2[%dma_start3A_301, %dma_start3A_302] : memref<1025x768xf32, #tpu.memory_space<hbm>> -> memref<1025x768xf32, #tpu.memory_space<hbm>>
      tpu.enqueue_indirect_dma source(%dma_start3A_303 : memref<1025x768xf32, #tpu.memory_space<hbm>>) target(%arg7 : memref<32x768xf32, #tpu.memory_space<vmem>>) offsets(%arg5 : memref<32xi32, #tpu.memory_space<vmem>>) semaphore(%arg10 : memref<!tpu.dma_semaphore, #tpu.memory_space<semaphore_mem>>)
      %dma_wait3A_304 = arith.constant 0 : i32
      %dma_wait3A_305 = arith.constant 0 : i32
      %dma_wait3A_306 = tpu.memref_slice %arg2[%dma_wait3A_304, %dma_wait3A_305] : memref<1025x768xf32, #tpu.memory_space<hbm>> -> memref<1025x768xf32, #tpu.memory_space<hbm>>
      tpu.wait_indirect_dma semaphore(%arg10 : memref<!tpu.dma_semaphore, #tpu.memory_space<semaphore_mem>>) src(%dma_wait3A_306 : memref<1025x768xf32, #tpu.memory_space<hbm>>) dst(%arg7 : memref<32x768xf32, #tpu.memory_space<vmem>>)
      %dma_wait3A_307 = arith.constant 0 : i32
      %dma_wait3A_308 = tpu.memref_slice %arg3[%multiple_of3A_265, %dma_wait3A_307] : memref<65536x768xf32, #tpu.memory_space<hbm>> -> memref<32x768xf32, #tpu.memory_space<hbm>>
      %dma_wait3A_309 = arith.constant 0 : i32
      %dma_wait3A_310 = tpu.memref_slice %arg3[%multiple_of3A_265, %dma_wait3A_309] : memref<65536x768xf32, #tpu.memory_space<hbm>> -> memref<32x768xf32, #tpu.memory_space<hbm>>
      tpu.wait_dma2 semaphore(%arg12 : memref<!tpu.dma_semaphore, #tpu.memory_space<semaphore_mem>>) src(%arg8 : memref<32x768xf32, #tpu.memory_space<vmem>>) dst(%dma_wait3A_310 : memref<32x768xf32, #tpu.memory_space<hbm>>)
      %add3A_311 = arith.addi %mul3A_1, %min3A_273 : i32
      %multiple_of3A_312 = tpu.assume_multiple %add3A_311, 8 : i32
      %dma_start3A_313 = arith.constant 0 : i32
      %dma_start3A_314 = tpu.memref_slice %arg3[%multiple_of3A_312, %dma_start3A_313] : memref<65536x768xf32, #tpu.memory_space<hbm>> -> memref<32x768xf32, #tpu.memory_space<hbm>>
      %dma_start3A_315 = arith.constant 0 : i32
      %dma_start3A_316 = tpu.memref_slice %arg3[%multiple_of3A_312, %dma_start3A_315] : memref<65536x768xf32, #tpu.memory_space<hbm>> -> memref<32x768xf32, #tpu.memory_space<hbm>>
      tpu.enqueue_dma source(%arg7 : memref<32x768xf32, #tpu.memory_space<vmem>>) target(%dma_start3A_316 : memref<32x768xf32, #tpu.memory_space<hbm>>) target_semaphore(%arg12 : memref<!tpu.dma_semaphore, #tpu.memory_space<semaphore_mem>>)
      %sub3A_317 = arith.constant 32 : i32
      %sub3A_318 = arith.subi %shift_left3A_7, %sub3A_317 : i32
      %min3A_319 = arith.constant 160 : i32
      %min3A_320 = arith.minsi %min3A_319, %sub3A_318 : i32
      %add3A_321 = arith.constant 512 : i32
      %add3A_322 = arith.addi %arg1, %add3A_321 : i32
      %sub3A_323 = arith.subi %add3A_322, %min3A_320 : i32
      %sub3A_324 = arith.constant 0 : i32
      %sub3A_325 = arith.subi %sub3A_323, %sub3A_324 : i32
      %iota3A_326 = tpu.iota {dimensions = array<i32: 0>} : vector<16xi32>
      %sub3A_327 = vector.broadcast %sub3A_325 : i32 to vector<16xi32>
      %sub3A_328 = arith.subi %sub3A_327, %iota3A_326 : vector<16xi32>
      %max3A_329 = arith.constant 0 : i32
      %max3A_330 = vector.broadcast %max3A_329 : i32 to vector<16xi32>
      %max3A_331 = arith.maxsi %sub3A_328, %max3A_330 : vector<16xi32>
      %swap3A_332 = arith.constant 0 : index
      %swap3A_333 = tpu.vector_load %arg5[%swap3A_332] {strides = array<i32>} : memref<32xi32, #tpu.memory_space<vmem>>, vector<16xi32>,
      %swap3A_334 = vector.shape_cast %swap3A_333 : vector<16xi32> to vector<16xi32>
      %swap3A_335 = vector.shape_cast %max3A_331 : vector<16xi32> to vector<16xi32>
      tpu.vector_store %arg5[%swap3A_332], %swap3A_335 {strides = array<i32>} : memref<32xi32, #tpu.memory_space<vmem>>, vector<16xi32>,
      %sub3A_336 = arith.constant 16 : i32
      %sub3A_337 = arith.subi %sub3A_323, %sub3A_336 : i32
      %iota3A_338 = tpu.iota {dimensions = array<i32: 0>} : vector<16xi32>
      %sub3A_339 = vector.broadcast %sub3A_337 : i32 to vector<16xi32>
      %sub3A_340 = arith.subi %sub3A_339, %iota3A_338 : vector<16xi32>
      %max3A_341 = arith.constant 0 : i32
      %max3A_342 = vector.broadcast %max3A_341 : i32 to vector<16xi32>
      %max3A_343 = arith.maxsi %sub3A_340, %max3A_342 : vector<16xi32>
      %swap3A_344 = arith.constant 16 : index
      %swap3A_345 = tpu.vector_load %arg5[%swap3A_344] {strides = array<i32>} : memref<32xi32, #tpu.memory_space<vmem>>, vector<16xi32>,
      %swap3A_346 = vector.shape_cast %swap3A_345 : vector<16xi32> to vector<16xi32>
      %swap3A_347 = vector.shape_cast %max3A_343 : vector<16xi32> to vector<16xi32>
      tpu.vector_store %arg5[%swap3A_344], %swap3A_347 {strides = array<i32>} : memref<32xi32, #tpu.memory_space<vmem>>, vector<16xi32>,
      %dma_start3A_348 = arith.constant 0 : i32
      %dma_start3A_349 = arith.constant 0 : i32
      %dma_start3A_350 = tpu.memref_slice %arg2[%dma_start3A_348, %dma_start3A_349] : memref<1025x768xf32, #tpu.memory_space<hbm>> -> memref<1025x768xf32, #tpu.memory_space<hbm>>
      tpu.enqueue_indirect_dma source(%dma_start3A_350 : memref<1025x768xf32, #tpu.memory_space<hbm>>) target(%arg8 : memref<32x768xf32, #tpu.memory_space<vmem>>) offsets(%arg5 : memref<32xi32, #tpu.memory_space<vmem>>) semaphore(%arg10 : memref<!tpu.dma_semaphore, #tpu.memory_space<semaphore_mem>>)
      %dma_wait3A_351 = arith.constant 0 : i32
      %dma_wait3A_352 = arith.constant 0 : i32
      %dma_wait3A_353 = tpu.memref_slice %arg2[%dma_wait3A_351, %dma_wait3A_352] : memref<1025x768xf32, #tpu.memory_space<hbm>> -> memref<1025x768xf32, #tpu.memory_space<hbm>>
      tpu.wait_indirect_dma semaphore(%arg10 : memref<!tpu.dma_semaphore, #tpu.memory_space<semaphore_mem>>) src(%dma_wait3A_353 : memref<1025x768xf32, #tpu.memory_space<hbm>>) dst(%arg8 : memref<32x768xf32, #tpu.memory_space<vmem>>)
      %dma_wait3A_354 = arith.constant 0 : i32
      %dma_wait3A_355 = tpu.memref_slice %arg3[%multiple_of3A_312, %dma_wait3A_354] : memref<65536x768xf32, #tpu.memory_space<hbm>> -> memref<32x768xf32, #tpu.memory_space<hbm>>
      %dma_wait3A_356 = arith.constant 0 : i32
      %dma_wait3A_357 = tpu.memref_slice %arg3[%multiple_of3A_312, %dma_wait3A_356] : memref<65536x768xf32, #tpu.memory_space<hbm>> -> memref<32x768xf32, #tpu.memory_space<hbm>>
      tpu.wait_dma2 semaphore(%arg12 : memref<!tpu.dma_semaphore, #tpu.memory_space<semaphore_mem>>) src(%arg7 : memref<32x768xf32, #tpu.memory_space<vmem>>) dst(%dma_wait3A_357 : memref<32x768xf32, #tpu.memory_space<hbm>>)
      %add3A_358 = arith.addi %mul3A_1, %min3A_320 : i32
      %multiple_of3A_359 = tpu.assume_multiple %add3A_358, 8 : i32
      %dma_start3A_360 = arith.constant 0 : i32
      %dma_start3A_361 = tpu.memref_slice %arg3[%multiple_of3A_359, %dma_start3A_360] : memref<65536x768xf32, #tpu.memory_space<hbm>> -> memref<32x768xf32, #tpu.memory_space<hbm>>
      %dma_start3A_362 = arith.constant 0 : i32
      %dma_start3A_363 = tpu.memref_slice %arg3[%multiple_of3A_359, %dma_start3A_362] : memref<65536x768xf32, #tpu.memory_space<hbm>> -> memref<32x768xf32, #tpu.memory_space<hbm>>
      tpu.enqueue_dma source(%arg8 : memref<32x768xf32, #tpu.memory_space<vmem>>) target(%dma_start3A_363 : memref<32x768xf32, #tpu.memory_space<hbm>>) target_semaphore(%arg12 : memref<!tpu.dma_semaphore, #tpu.memory_space<semaphore_mem>>)
      %sub3A_364 = arith.constant 32 : i32
      %sub3A_365 = arith.subi %shift_left3A_7, %sub3A_364 : i32
      %min3A_366 = arith.constant 192 : i32
      %min3A_367 = arith.minsi %min3A_366, %sub3A_365 : i32
      %add3A_368 = arith.constant 512 : i32
      %add3A_369 = arith.addi %arg1, %add3A_368 : i32
      %sub3A_370 = arith.subi %add3A_369, %min3A_367 : i32
      %sub3A_371 = arith.constant 0 : i32
      %sub3A_372 = arith.subi %sub3A_370, %sub3A_371 : i32
      %iota3A_373 = tpu.iota {dimensions = array<i32: 0>} : vector<16xi32>
      %sub3A_374 = vector.broadcast %sub3A_372 : i32 to vector<16xi32>
      %sub3A_375 = arith.subi %sub3A_374, %iota3A_373 : vector<16xi32>
      %max3A_376 = arith.constant 0 : i32
      %max3A_377 = vector.broadcast %max3A_376 : i32 to vector<16xi32>
      %max3A_378 = arith.maxsi %sub3A_375, %max3A_377 : vector<16xi32>
      %swap3A_379 = arith.constant 0 : index
      %swap3A_380 = tpu.vector_load %arg5[%swap3A_379] {strides = array<i32>} : memref<32xi32, #tpu.memory_space<vmem>>, vector<16xi32>,
      %swap3A_381 = vector.shape_cast %swap3A_380 : vector<16xi32> to vector<16xi32>
      %swap3A_382 = vector.shape_cast %max3A_378 : vector<16xi32> to vector<16xi32>
      tpu.vector_store %arg5[%swap3A_379], %swap3A_382 {strides = array<i32>} : memref<32xi32, #tpu.memory_space<vmem>>, vector<16xi32>,
      %sub3A_383 = arith.constant 16 : i32
      %sub3A_384 = arith.subi %sub3A_370, %sub3A_383 : i32
      %iota3A_385 = tpu.iota {dimensions = array<i32: 0>} : vector<16xi32>
      %sub3A_386 = vector.broadcast %sub3A_384 : i32 to vector<16xi32>
      %sub3A_387 = arith.subi %sub3A_386, %iota3A_385 : vector<16xi32>
      %max3A_388 = arith.constant 0 : i32
      %max3A_389 = vector.broadcast %max3A_388 : i32 to vector<16xi32>
      %max3A_390 = arith.maxsi %sub3A_387, %max3A_389 : vector<16xi32>
      %swap3A_391 = arith.constant 16 : index
      %swap3A_392 = tpu.vector_load %arg5[%swap3A_391] {strides = array<i32>} : memref<32xi32, #tpu.memory_space<vmem>>, vector<16xi32>,
      %swap3A_393 = vector.shape_cast %swap3A_392 : vector<16xi32> to vector<16xi32>
      %swap3A_394 = vector.shape_cast %max3A_390 : vector<16xi32> to vector<16xi32>
      tpu.vector_store %arg5[%swap3A_391], %swap3A_394 {strides = array<i32>} : memref<32xi32, #tpu.memory_space<vmem>>, vector<16xi32>,
      %dma_start3A_395 = arith.constant 0 : i32
      %dma_start3A_396 = arith.constant 0 : i32
      %dma_start3A_397 = tpu.memref_slice %arg2[%dma_start3A_395, %dma_start3A_396] : memref<1025x768xf32, #tpu.memory_space<hbm>> -> memref<1025x768xf32, #tpu.memory_space<hbm>>
      tpu.enqueue_indirect_dma source(%dma_start3A_397 : memref<1025x768xf32, #tpu.memory_space<hbm>>) target(%arg7 : memref<32x768xf32, #tpu.memory_space<vmem>>) offsets(%arg5 : memref<32xi32, #tpu.memory_space<vmem>>) semaphore(%arg10 : memref<!tpu.dma_semaphore, #tpu.memory_space<semaphore_mem>>)
      %dma_wait3A_398 = arith.constant 0 : i32
      %dma_wait3A_399 = arith.constant 0 : i32
      %dma_wait3A_400 = tpu.memref_slice %arg2[%dma_wait3A_398, %dma_wait3A_399] : memref<1025x768xf32, #tpu.memory_space<hbm>> -> memref<1025x768xf32, #tpu.memory_space<hbm>>
      tpu.wait_indirect_dma semaphore(%arg10 : memref<!tpu.dma_semaphore, #tpu.memory_space<semaphore_mem>>) src(%dma_wait3A_400 : memref<1025x768xf32, #tpu.memory_space<hbm>>) dst(%arg7 : memref<32x768xf32, #tpu.memory_space<vmem>>)
      %dma_wait3A_401 = arith.constant 0 : i32
      %dma_wait3A_402 = tpu.memref_slice %arg3[%multiple_of3A_359, %dma_wait3A_401] : memref<65536x768xf32, #tpu.memory_space<hbm>> -> memref<32x768xf32, #tpu.memory_space<hbm>>
      %dma_wait3A_403 = arith.constant 0 : i32
      %dma_wait3A_404 = tpu.memref_slice %arg3[%multiple_of3A_359, %dma_wait3A_403] : memref<65536x768xf32, #tpu.memory_space<hbm>> -> memref<32x768xf32, #tpu.memory_space<hbm>>
      tpu.wait_dma2 semaphore(%arg12 : memref<!tpu.dma_semaphore, #tpu.memory_space<semaphore_mem>>) src(%arg8 : memref<32x768xf32, #tpu.memory_space<vmem>>) dst(%dma_wait3A_404 : memref<32x768xf32, #tpu.memory_space<hbm>>)
      %add3A_405 = arith.addi %mul3A_1, %min3A_367 : i32
      %multiple_of3A_406 = tpu.assume_multiple %add3A_405, 8 : i32
      %dma_start3A_407 = arith.constant 0 : i32
      %dma_start3A_408 = tpu.memref_slice %arg3[%multiple_of3A_406, %dma_start3A_407] : memref<65536x768xf32, #tpu.memory_space<hbm>> -> memref<32x768xf32, #tpu.memory_space<hbm>>
      %dma_start3A_409 = arith.constant 0 : i32
      %dma_start3A_410 = tpu.memref_slice %arg3[%multiple_of3A_406, %dma_start3A_409] : memref<65536x768xf32, #tpu.memory_space<hbm>> -> memref<32x768xf32, #tpu.memory_space<hbm>>
      tpu.enqueue_dma source(%arg7 : memref<32x768xf32, #tpu.memory_space<vmem>>) target(%dma_start3A_410 : memref<32x768xf32, #tpu.memory_space<hbm>>) target_semaphore(%arg12 : memref<!tpu.dma_semaphore, #tpu.memory_space<semaphore_mem>>)
      %sub3A_411 = arith.constant 32 : i32
      %sub3A_412 = arith.subi %shift_left3A_7, %sub3A_411 : i32
      %min3A_413 = arith.constant 224 : i32
      %min3A_414 = arith.minsi %min3A_413, %sub3A_412 : i32
      %add3A_415 = arith.constant 512 : i32
      %add3A_416 = arith.addi %arg1, %add3A_415 : i32
      %sub3A_417 = arith.subi %add3A_416, %min3A_414 : i32
      %sub3A_418 = arith.constant 0 : i32
      %sub3A_419 = arith.subi %sub3A_417, %sub3A_418 : i32
      %iota3A_420 = tpu.iota {dimensions = array<i32: 0>} : vector<16xi32>
      %sub3A_421 = vector.broadcast %sub3A_419 : i32 to vector<16xi32>
      %sub3A_422 = arith.subi %sub3A_421, %iota3A_420 : vector<16xi32>
      %max3A_423 = arith.constant 0 : i32
      %max3A_424 = vector.broadcast %max3A_423 : i32 to vector<16xi32>
      %max3A_425 = arith.maxsi %sub3A_422, %max3A_424 : vector<16xi32>
      %swap3A_426 = arith.constant 0 : index
      %swap3A_427 = tpu.vector_load %arg5[%swap3A_426] {strides = array<i32>} : memref<32xi32, #tpu.memory_space<vmem>>, vector<16xi32>,
      %swap3A_428 = vector.shape_cast %swap3A_427 : vector<16xi32> to vector<16xi32>
      %swap3A_429 = vector.shape_cast %max3A_425 : vector<16xi32> to vector<16xi32>
      tpu.vector_store %arg5[%swap3A_426], %swap3A_429 {strides = array<i32>} : memref<32xi32, #tpu.memory_space<vmem>>, vector<16xi32>,
      %sub3A_430 = arith.constant 16 : i32
      %sub3A_431 = arith.subi %sub3A_417, %sub3A_430 : i32
      %iota3A_432 = tpu.iota {dimensions = array<i32: 0>} : vector<16xi32>
      %sub3A_433 = vector.broadcast %sub3A_431 : i32 to vector<16xi32>
      %sub3A_434 = arith.subi %sub3A_433, %iota3A_432 : vector<16xi32>
      %max3A_435 = arith.constant 0 : i32
      %max3A_436 = vector.broadcast %max3A_435 : i32 to vector<16xi32>
      %max3A_437 = arith.maxsi %sub3A_434, %max3A_436 : vector<16xi32>
      %swap3A_438 = arith.constant 16 : index
      %swap3A_439 = tpu.vector_load %arg5[%swap3A_438] {strides = array<i32>} : memref<32xi32, #tpu.memory_space<vmem>>, vector<16xi32>,
      %swap3A_440 = vector.shape_cast %swap3A_439 : vector<16xi32> to vector<16xi32>
      %swap3A_441 = vector.shape_cast %max3A_437 : vector<16xi32> to vector<16xi32>
      tpu.vector_store %arg5[%swap3A_438], %swap3A_441 {strides = array<i32>} : memref<32xi32, #tpu.memory_space<vmem>>, vector<16xi32>,
      %dma_start3A_442 = arith.constant 0 : i32
      %dma_start3A_443 = arith.constant 0 : i32
      %dma_start3A_444 = tpu.memref_slice %arg2[%dma_start3A_442, %dma_start3A_443] : memref<1025x768xf32, #tpu.memory_space<hbm>> -> memref<1025x768xf32, #tpu.memory_space<hbm>>
      tpu.enqueue_indirect_dma source(%dma_start3A_444 : memref<1025x768xf32, #tpu.memory_space<hbm>>) target(%arg8 : memref<32x768xf32, #tpu.memory_space<vmem>>) offsets(%arg5 : memref<32xi32, #tpu.memory_space<vmem>>) semaphore(%arg10 : memref<!tpu.dma_semaphore, #tpu.memory_space<semaphore_mem>>)
      %dma_wait3A_445 = arith.constant 0 : i32
      %dma_wait3A_446 = arith.constant 0 : i32
      %dma_wait3A_447 = tpu.memref_slice %arg2[%dma_wait3A_445, %dma_wait3A_446] : memref<1025x768xf32, #tpu.memory_space<hbm>> -> memref<1025x768xf32, #tpu.memory_space<hbm>>
      tpu.wait_indirect_dma semaphore(%arg10 : memref<!tpu.dma_semaphore, #tpu.memory_space<semaphore_mem>>) src(%dma_wait3A_447 : memref<1025x768xf32, #tpu.memory_space<hbm>>) dst(%arg8 : memref<32x768xf32, #tpu.memory_space<vmem>>)
      %dma_wait3A_448 = arith.constant 0 : i32
      %dma_wait3A_449 = tpu.memref_slice %arg3[%multiple_of3A_406, %dma_wait3A_448] : memref<65536x768xf32, #tpu.memory_space<hbm>> -> memref<32x768xf32, #tpu.memory_space<hbm>>
      %dma_wait3A_450 = arith.constant 0 : i32
      %dma_wait3A_451 = tpu.memref_slice %arg3[%multiple_of3A_406, %dma_wait3A_450] : memref<65536x768xf32, #tpu.memory_space<hbm>> -> memref<32x768xf32, #tpu.memory_space<hbm>>
      tpu.wait_dma2 semaphore(%arg12 : memref<!tpu.dma_semaphore, #tpu.memory_space<semaphore_mem>>) src(%arg7 : memref<32x768xf32, #tpu.memory_space<vmem>>) dst(%dma_wait3A_451 : memref<32x768xf32, #tpu.memory_space<hbm>>)
      %add3A_452 = arith.addi %mul3A_1, %min3A_414 : i32
      %multiple_of3A_453 = tpu.assume_multiple %add3A_452, 8 : i32
      %dma_start3A_454 = arith.constant 0 : i32
      %dma_start3A_455 = tpu.memref_slice %arg3[%multiple_of3A_453, %dma_start3A_454] : memref<65536x768xf32, #tpu.memory_space<hbm>> -> memref<32x768xf32, #tpu.memory_space<hbm>>
      %dma_start3A_456 = arith.constant 0 : i32
      %dma_start3A_457 = tpu.memref_slice %arg3[%multiple_of3A_453, %dma_start3A_456] : memref<65536x768xf32, #tpu.memory_space<hbm>> -> memref<32x768xf32, #tpu.memory_space<hbm>>
      tpu.enqueue_dma source(%arg8 : memref<32x768xf32, #tpu.memory_space<vmem>>) target(%dma_start3A_457 : memref<32x768xf32, #tpu.memory_space<hbm>>) target_semaphore(%arg12 : memref<!tpu.dma_semaphore, #tpu.memory_space<semaphore_mem>>)
      %sub3A_458 = arith.constant 32 : i32
      %sub3A_459 = arith.subi %shift_left3A_7, %sub3A_458 : i32
      %min3A_460 = arith.constant 256 : i32
      %min3A_461 = arith.minsi %min3A_460, %sub3A_459 : i32
      %add3A_462 = arith.constant 512 : i32
      %add3A_463 = arith.addi %arg1, %add3A_462 : i32
      %sub3A_464 = arith.subi %add3A_463, %min3A_461 : i32
      %sub3A_465 = arith.constant 0 : i32
      %sub3A_466 = arith.subi %sub3A_464, %sub3A_465 : i32
      %iota3A_467 = tpu.iota {dimensions = array<i32: 0>} : vector<16xi32>
      %sub3A_468 = vector.broadcast %sub3A_466 : i32 to vector<16xi32>
      %sub3A_469 = arith.subi %sub3A_468, %iota3A_467 : vector<16xi32>
      %max3A_470 = arith.constant 0 : i32
      %max3A_471 = vector.broadcast %max3A_470 : i32 to vector<16xi32>
      %max3A_472 = arith.maxsi %sub3A_469, %max3A_471 : vector<16xi32>
      %swap3A_473 = arith.constant 0 : index
      %swap3A_474 = tpu.vector_load %arg5[%swap3A_473] {strides = array<i32>} : memref<32xi32, #tpu.memory_space<vmem>>, vector<16xi32>,
      %swap3A_475 = vector.shape_cast %swap3A_474 : vector<16xi32> to vector<16xi32>
      %swap3A_476 = vector.shape_cast %max3A_472 : vector<16xi32> to vector<16xi32>
      tpu.vector_store %arg5[%swap3A_473], %swap3A_476 {strides = array<i32>} : memref<32xi32, #tpu.memory_space<vmem>>, vector<16xi32>,
      %sub3A_477 = arith.constant 16 : i32
      %sub3A_478 = arith.subi %sub3A_464, %sub3A_477 : i32
      %iota3A_479 = tpu.iota {dimensions = array<i32: 0>} : vector<16xi32>
      %sub3A_480 = vector.broadcast %sub3A_478 : i32 to vector<16xi32>
      %sub3A_481 = arith.subi %sub3A_480, %iota3A_479 : vector<16xi32>
      %max3A_482 = arith.constant 0 : i32
      %max3A_483 = vector.broadcast %max3A_482 : i32 to vector<16xi32>
      %max3A_484 = arith.maxsi %sub3A_481, %max3A_483 : vector<16xi32>
      %swap3A_485 = arith.constant 16 : index
      %swap3A_486 = tpu.vector_load %arg5[%swap3A_485] {strides = array<i32>} : memref<32xi32, #tpu.memory_space<vmem>>, vector<16xi32>,
      %swap3A_487 = vector.shape_cast %swap3A_486 : vector<16xi32> to vector<16xi32>
      %swap3A_488 = vector.shape_cast %max3A_484 : vector<16xi32> to vector<16xi32>
      tpu.vector_store %arg5[%swap3A_485], %swap3A_488 {strides = array<i32>} : memref<32xi32, #tpu.memory_space<vmem>>, vector<16xi32>,
      %dma_start3A_489 = arith.constant 0 : i32
      %dma_start3A_490 = arith.constant 0 : i32
      %dma_start3A_491 = tpu.memref_slice %arg2[%dma_start3A_489, %dma_start3A_490] : memref<1025x768xf32, #tpu.memory_space<hbm>> -> memref<1025x768xf32, #tpu.memory_space<hbm>>
      tpu.enqueue_indirect_dma source(%dma_start3A_491 : memref<1025x768xf32, #tpu.memory_space<hbm>>) target(%arg7 : memref<32x768xf32, #tpu.memory_space<vmem>>) offsets(%arg5 : memref<32xi32, #tpu.memory_space<vmem>>) semaphore(%arg10 : memref<!tpu.dma_semaphore, #tpu.memory_space<semaphore_mem>>)
      %dma_wait3A_492 = arith.constant 0 : i32
      %dma_wait3A_493 = arith.constant 0 : i32
      %dma_wait3A_494 = tpu.memref_slice %arg2[%dma_wait3A_492, %dma_wait3A_493] : memref<1025x768xf32, #tpu.memory_space<hbm>> -> memref<1025x768xf32, #tpu.memory_space<hbm>>
      tpu.wait_indirect_dma semaphore(%arg10 : memref<!tpu.dma_semaphore, #tpu.memory_space<semaphore_mem>>) src(%dma_wait3A_494 : memref<1025x768xf32, #tpu.memory_space<hbm>>) dst(%arg7 : memref<32x768xf32, #tpu.memory_space<vmem>>)
      %dma_wait3A_495 = arith.constant 0 : i32
      %dma_wait3A_496 = tpu.memref_slice %arg3[%multiple_of3A_453, %dma_wait3A_495] : memref<65536x768xf32, #tpu.memory_space<hbm>> -> memref<32x768xf32, #tpu.memory_space<hbm>>
      %dma_wait3A_497 = arith.constant 0 : i32
      %dma_wait3A_498 = tpu.memref_slice %arg3[%multiple_of3A_453, %dma_wait3A_497] : memref<65536x768xf32, #tpu.memory_space<hbm>> -> memref<32x768xf32, #tpu.memory_space<hbm>>
      tpu.wait_dma2 semaphore(%arg12 : memref<!tpu.dma_semaphore, #tpu.memory_space<semaphore_mem>>) src(%arg8 : memref<32x768xf32, #tpu.memory_space<vmem>>) dst(%dma_wait3A_498 : memref<32x768xf32, #tpu.memory_space<hbm>>)
      %add3A_499 = arith.addi %mul3A_1, %min3A_461 : i32
      %multiple_of3A_500 = tpu.assume_multiple %add3A_499, 8 : i32
      %dma_start3A_501 = arith.constant 0 : i32
      %dma_start3A_502 = tpu.memref_slice %arg3[%multiple_of3A_500, %dma_start3A_501] : memref<65536x768xf32, #tpu.memory_space<hbm>> -> memref<32x768xf32, #tpu.memory_space<hbm>>
      %dma_start3A_503 = arith.constant 0 : i32
      %dma_start3A_504 = tpu.memref_slice %arg3[%multiple_of3A_500, %dma_start3A_503] : memref<65536x768xf32, #tpu.memory_space<hbm>> -> memref<32x768xf32, #tpu.memory_space<hbm>>
      tpu.enqueue_dma source(%arg7 : memref<32x768xf32, #tpu.memory_space<vmem>>) target(%dma_start3A_504 : memref<32x768xf32, #tpu.memory_space<hbm>>) target_semaphore(%arg12 : memref<!tpu.dma_semaphore, #tpu.memory_space<semaphore_mem>>)
      %sub3A_505 = arith.constant 32 : i32
      %sub3A_506 = arith.subi %shift_left3A_7, %sub3A_505 : i32
      %min3A_507 = arith.constant 288 : i32
      %min3A_508 = arith.minsi %min3A_507, %sub3A_506 : i32
      %add3A_509 = arith.constant 512 : i32
      %add3A_510 = arith.addi %arg1, %add3A_509 : i32
      %sub3A_511 = arith.subi %add3A_510, %min3A_508 : i32
      %sub3A_512 = arith.constant 0 : i32
      %sub3A_513 = arith.subi %sub3A_511, %sub3A_512 : i32
      %iota3A_514 = tpu.iota {dimensions = array<i32: 0>} : vector<16xi32>
      %sub3A_515 = vector.broadcast %sub3A_513 : i32 to vector<16xi32>
      %sub3A_516 = arith.subi %sub3A_515, %iota3A_514 : vector<16xi32>
      %max3A_517 = arith.constant 0 : i32
      %max3A_518 = vector.broadcast %max3A_517 : i32 to vector<16xi32>
      %max3A_519 = arith.maxsi %sub3A_516, %max3A_518 : vector<16xi32>
      %swap3A_520 = arith.constant 0 : index
      %swap3A_521 = tpu.vector_load %arg5[%swap3A_520] {strides = array<i32>} : memref<32xi32, #tpu.memory_space<vmem>>, vector<16xi32>,
      %swap3A_522 = vector.shape_cast %swap3A_521 : vector<16xi32> to vector<16xi32>
      %swap3A_523 = vector.shape_cast %max3A_519 : vector<16xi32> to vector<16xi32>
      tpu.vector_store %arg5[%swap3A_520], %swap3A_523 {strides = array<i32>} : memref<32xi32, #tpu.memory_space<vmem>>, vector<16xi32>,
      %sub3A_524 = arith.constant 16 : i32
      %sub3A_525 = arith.subi %sub3A_511, %sub3A_524 : i32
      %iota3A_526 = tpu.iota {dimensions = array<i32: 0>} : vector<16xi32>
      %sub3A_527 = vector.broadcast %sub3A_525 : i32 to vector<16xi32>
      %sub3A_528 = arith.subi %sub3A_527, %iota3A_526 : vector<16xi32>
      %max3A_529 = arith.constant 0 : i32
      %max3A_530 = vector.broadcast %max3A_529 : i32 to vector<16xi32>
      %max3A_531 = arith.maxsi %sub3A_528, %max3A_530 : vector<16xi32>
      %swap3A_532 = arith.constant 16 : index
      %swap3A_533 = tpu.vector_load %arg5[%swap3A_532] {strides = array<i32>} : memref<32xi32, #tpu.memory_space<vmem>>, vector<16xi32>,
      %swap3A_534 = vector.shape_cast %swap3A_533 : vector<16xi32> to vector<16xi32>
      %swap3A_535 = vector.shape_cast %max3A_531 : vector<16xi32> to vector<16xi32>
      tpu.vector_store %arg5[%swap3A_532], %swap3A_535 {strides = array<i32>} : memref<32xi32, #tpu.memory_space<vmem>>, vector<16xi32>,
      %dma_start3A_536 = arith.constant 0 : i32
      %dma_start3A_537 = arith.constant 0 : i32
      %dma_start3A_538 = tpu.memref_slice %arg2[%dma_start3A_536, %dma_start3A_537] : memref<1025x768xf32, #tpu.memory_space<hbm>> -> memref<1025x768xf32, #tpu.memory_space<hbm>>
      tpu.enqueue_indirect_dma source(%dma_start3A_538 : memref<1025x768xf32, #tpu.memory_space<hbm>>) target(%arg8 : memref<32x768xf32, #tpu.memory_space<vmem>>) offsets(%arg5 : memref<32xi32, #tpu.memory_space<vmem>>) semaphore(%arg10 : memref<!tpu.dma_semaphore, #tpu.memory_space<semaphore_mem>>)
      %dma_wait3A_539 = arith.constant 0 : i32
      %dma_wait3A_540 = arith.constant 0 : i32
      %dma_wait3A_541 = tpu.memref_slice %arg2[%dma_wait3A_539, %dma_wait3A_540] : memref<1025x768xf32, #tpu.memory_space<hbm>> -> memref<1025x768xf32, #tpu.memory_space<hbm>>
      tpu.wait_indirect_dma semaphore(%arg10 : memref<!tpu.dma_semaphore, #tpu.memory_space<semaphore_mem>>) src(%dma_wait3A_541 : memref<1025x768xf32, #tpu.memory_space<hbm>>) dst(%arg8 : memref<32x768xf32, #tpu.memory_space<vmem>>)
      %dma_wait3A_542 = arith.constant 0 : i32
      %dma_wait3A_543 = tpu.memref_slice %arg3[%multiple_of3A_500, %dma_wait3A_542] : memref<65536x768xf32, #tpu.memory_space<hbm>> -> memref<32x768xf32, #tpu.memory_space<hbm>>
      %dma_wait3A_544 = arith.constant 0 : i32
      %dma_wait3A_545 = tpu.memref_slice %arg3[%multiple_of3A_500, %dma_wait3A_544] : memref<65536x768xf32, #tpu.memory_space<hbm>> -> memref<32x768xf32, #tpu.memory_space<hbm>>
      tpu.wait_dma2 semaphore(%arg12 : memref<!tpu.dma_semaphore, #tpu.memory_space<semaphore_mem>>) src(%arg7 : memref<32x768xf32, #tpu.memory_space<vmem>>) dst(%dma_wait3A_545 : memref<32x768xf32, #tpu.memory_space<hbm>>)
      %add3A_546 = arith.addi %mul3A_1, %min3A_508 : i32
      %multiple_of3A_547 = tpu.assume_multiple %add3A_546, 8 : i32
      %dma_start3A_548 = arith.constant 0 : i32
      %dma_start3A_549 = tpu.memref_slice %arg3[%multiple_of3A_547, %dma_start3A_548] : memref<65536x768xf32, #tpu.memory_space<hbm>> -> memref<32x768xf32, #tpu.memory_space<hbm>>
      %dma_start3A_550 = arith.constant 0 : i32
      %dma_start3A_551 = tpu.memref_slice %arg3[%multiple_of3A_547, %dma_start3A_550] : memref<65536x768xf32, #tpu.memory_space<hbm>> -> memref<32x768xf32, #tpu.memory_space<hbm>>
      tpu.enqueue_dma source(%arg8 : memref<32x768xf32, #tpu.memory_space<vmem>>) target(%dma_start3A_551 : memref<32x768xf32, #tpu.memory_space<hbm>>) target_semaphore(%arg12 : memref<!tpu.dma_semaphore, #tpu.memory_space<semaphore_mem>>)
      %sub3A_552 = arith.constant 32 : i32
      %sub3A_553 = arith.subi %shift_left3A_7, %sub3A_552 : i32
      %min3A_554 = arith.constant 320 : i32
      %min3A_555 = arith.minsi %min3A_554, %sub3A_553 : i32
      %add3A_556 = arith.constant 512 : i32
      %add3A_557 = arith.addi %arg1, %add3A_556 : i32
      %sub3A_558 = arith.subi %add3A_557, %min3A_555 : i32
      %sub3A_559 = arith.constant 0 : i32
      %sub3A_560 = arith.subi %sub3A_558, %sub3A_559 : i32
      %iota3A_561 = tpu.iota {dimensions = array<i32: 0>} : vector<16xi32>
      %sub3A_562 = vector.broadcast %sub3A_560 : i32 to vector<16xi32>
      %sub3A_563 = arith.subi %sub3A_562, %iota3A_561 : vector<16xi32>
      %max3A_564 = arith.constant 0 : i32
      %max3A_565 = vector.broadcast %max3A_564 : i32 to vector<16xi32>
      %max3A_566 = arith.maxsi %sub3A_563, %max3A_565 : vector<16xi32>
      %swap3A_567 = arith.constant 0 : index
      %swap3A_568 = tpu.vector_load %arg5[%swap3A_567] {strides = array<i32>} : memref<32xi32, #tpu.memory_space<vmem>>, vector<16xi32>,
      %swap3A_569 = vector.shape_cast %swap3A_568 : vector<16xi32> to vector<16xi32>
      %swap3A_570 = vector.shape_cast %max3A_566 : vector<16xi32> to vector<16xi32>
      tpu.vector_store %arg5[%swap3A_567], %swap3A_570 {strides = array<i32>} : memref<32xi32, #tpu.memory_space<vmem>>, vector<16xi32>,
      %sub3A_571 = arith.constant 16 : i32
      %sub3A_572 = arith.subi %sub3A_558, %sub3A_571 : i32
      %iota3A_573 = tpu.iota {dimensions = array<i32: 0>} : vector<16xi32>
      %sub3A_574 = vector.broadcast %sub3A_572 : i32 to vector<16xi32>
      %sub3A_575 = arith.subi %sub3A_574, %iota3A_573 : vector<16xi32>
      %max3A_576 = arith.constant 0 : i32
      %max3A_577 = vector.broadcast %max3A_576 : i32 to vector<16xi32>
      %max3A_578 = arith.maxsi %sub3A_575, %max3A_577 : vector<16xi32>
      %swap3A_579 = arith.constant 16 : index
      %swap3A_580 = tpu.vector_load %arg5[%swap3A_579] {strides = array<i32>} : memref<32xi32, #tpu.memory_space<vmem>>, vector<16xi32>,
      %swap3A_581 = vector.shape_cast %swap3A_580 : vector<16xi32> to vector<16xi32>
      %swap3A_582 = vector.shape_cast %max3A_578 : vector<16xi32> to vector<16xi32>
      tpu.vector_store %arg5[%swap3A_579], %swap3A_582 {strides = array<i32>} : memref<32xi32, #tpu.memory_space<vmem>>, vector<16xi32>,
      %dma_start3A_583 = arith.constant 0 : i32
      %dma_start3A_584 = arith.constant 0 : i32
      %dma_start3A_585 = tpu.memref_slice %arg2[%dma_start3A_583, %dma_start3A_584] : memref<1025x768xf32, #tpu.memory_space<hbm>> -> memref<1025x768xf32, #tpu.memory_space<hbm>>
      tpu.enqueue_indirect_dma source(%dma_start3A_585 : memref<1025x768xf32, #tpu.memory_space<hbm>>) target(%arg7 : memref<32x768xf32, #tpu.memory_space<vmem>>) offsets(%arg5 : memref<32xi32, #tpu.memory_space<vmem>>) semaphore(%arg10 : memref<!tpu.dma_semaphore, #tpu.memory_space<semaphore_mem>>)
      %dma_wait3A_586 = arith.constant 0 : i32
      %dma_wait3A_587 = arith.constant 0 : i32
      %dma_wait3A_588 = tpu.memref_slice %arg2[%dma_wait3A_586, %dma_wait3A_587] : memref<1025x768xf32, #tpu.memory_space<hbm>> -> memref<1025x768xf32, #tpu.memory_space<hbm>>
      tpu.wait_indirect_dma semaphore(%arg10 : memref<!tpu.dma_semaphore, #tpu.memory_space<semaphore_mem>>) src(%dma_wait3A_588 : memref<1025x768xf32, #tpu.memory_space<hbm>>) dst(%arg7 : memref<32x768xf32, #tpu.memory_space<vmem>>)
      %dma_wait3A_589 = arith.constant 0 : i32
      %dma_wait3A_590 = tpu.memref_slice %arg3[%multiple_of3A_547, %dma_wait3A_589] : memref<65536x768xf32, #tpu.memory_space<hbm>> -> memref<32x768xf32, #tpu.memory_space<hbm>>
      %dma_wait3A_591 = arith.constant 0 : i32
      %dma_wait3A_592 = tpu.memref_slice %arg3[%multiple_of3A_547, %dma_wait3A_591] : memref<65536x768xf32, #tpu.memory_space<hbm>> -> memref<32x768xf32, #tpu.memory_space<hbm>>
      tpu.wait_dma2 semaphore(%arg12 : memref<!tpu.dma_semaphore, #tpu.memory_space<semaphore_mem>>) src(%arg8 : memref<32x768xf32, #tpu.memory_space<vmem>>) dst(%dma_wait3A_592 : memref<32x768xf32, #tpu.memory_space<hbm>>)
      %add3A_593 = arith.addi %mul3A_1, %min3A_555 : i32
      %multiple_of3A_594 = tpu.assume_multiple %add3A_593, 8 : i32
      %dma_start3A_595 = arith.constant 0 : i32
      %dma_start3A_596 = tpu.memref_slice %arg3[%multiple_of3A_594, %dma_start3A_595] : memref<65536x768xf32, #tpu.memory_space<hbm>> -> memref<32x768xf32, #tpu.memory_space<hbm>>
      %dma_start3A_597 = arith.constant 0 : i32
      %dma_start3A_598 = tpu.memref_slice %arg3[%multiple_of3A_594, %dma_start3A_597] : memref<65536x768xf32, #tpu.memory_space<hbm>> -> memref<32x768xf32, #tpu.memory_space<hbm>>
      tpu.enqueue_dma source(%arg7 : memref<32x768xf32, #tpu.memory_space<vmem>>) target(%dma_start3A_598 : memref<32x768xf32, #tpu.memory_space<hbm>>) target_semaphore(%arg12 : memref<!tpu.dma_semaphore, #tpu.memory_space<semaphore_mem>>)
      %sub3A_599 = arith.constant 32 : i32
      %sub3A_600 = arith.subi %shift_left3A_7, %sub3A_599 : i32
      %min3A_601 = arith.constant 352 : i32
      %min3A_602 = arith.minsi %min3A_601, %sub3A_600 : i32
      %add3A_603 = arith.constant 512 : i32
      %add3A_604 = arith.addi %arg1, %add3A_603 : i32
      %sub3A_605 = arith.subi %add3A_604, %min3A_602 : i32
      %sub3A_606 = arith.constant 0 : i32
      %sub3A_607 = arith.subi %sub3A_605, %sub3A_606 : i32
      %iota3A_608 = tpu.iota {dimensions = array<i32: 0>} : vector<16xi32>
      %sub3A_609 = vector.broadcast %sub3A_607 : i32 to vector<16xi32>
      %sub3A_610 = arith.subi %sub3A_609, %iota3A_608 : vector<16xi32>
      %max3A_611 = arith.constant 0 : i32
      %max3A_612 = vector.broadcast %max3A_611 : i32 to vector<16xi32>
      %max3A_613 = arith.maxsi %sub3A_610, %max3A_612 : vector<16xi32>
      %swap3A_614 = arith.constant 0 : index
      %swap3A_615 = tpu.vector_load %arg5[%swap3A_614] {strides = array<i32>} : memref<32xi32, #tpu.memory_space<vmem>>, vector<16xi32>,
      %swap3A_616 = vector.shape_cast %swap3A_615 : vector<16xi32> to vector<16xi32>
      %swap3A_617 = vector.shape_cast %max3A_613 : vector<16xi32> to vector<16xi32>
      tpu.vector_store %arg5[%swap3A_614], %swap3A_617 {strides = array<i32>} : memref<32xi32, #tpu.memory_space<vmem>>, vector<16xi32>,
      %sub3A_618 = arith.constant 16 : i32
      %sub3A_619 = arith.subi %sub3A_605, %sub3A_618 : i32
      %iota3A_620 = tpu.iota {dimensions = array<i32: 0>} : vector<16xi32>
      %sub3A_621 = vector.broadcast %sub3A_619 : i32 to vector<16xi32>
      %sub3A_622 = arith.subi %sub3A_621, %iota3A_620 : vector<16xi32>
      %max3A_623 = arith.constant 0 : i32
      %max3A_624 = vector.broadcast %max3A_623 : i32 to vector<16xi32>
      %max3A_625 = arith.maxsi %sub3A_622, %max3A_624 : vector<16xi32>
      %swap3A_626 = arith.constant 16 : index
      %swap3A_627 = tpu.vector_load %arg5[%swap3A_626] {strides = array<i32>} : memref<32xi32, #tpu.memory_space<vmem>>, vector<16xi32>,
      %swap3A_628 = vector.shape_cast %swap3A_627 : vector<16xi32> to vector<16xi32>
      %swap3A_629 = vector.shape_cast %max3A_625 : vector<16xi32> to vector<16xi32>
      tpu.vector_store %arg5[%swap3A_626], %swap3A_629 {strides = array<i32>} : memref<32xi32, #tpu.memory_space<vmem>>, vector<16xi32>,
      %dma_start3A_630 = arith.constant 0 : i32
      %dma_start3A_631 = arith.constant 0 : i32
      %dma_start3A_632 = tpu.memref_slice %arg2[%dma_start3A_630, %dma_start3A_631] : memref<1025x768xf32, #tpu.memory_space<hbm>> -> memref<1025x768xf32, #tpu.memory_space<hbm>>
      tpu.enqueue_indirect_dma source(%dma_start3A_632 : memref<1025x768xf32, #tpu.memory_space<hbm>>) target(%arg8 : memref<32x768xf32, #tpu.memory_space<vmem>>) offsets(%arg5 : memref<32xi32, #tpu.memory_space<vmem>>) semaphore(%arg10 : memref<!tpu.dma_semaphore, #tpu.memory_space<semaphore_mem>>)
      %dma_wait3A_633 = arith.constant 0 : i32
      %dma_wait3A_634 = arith.constant 0 : i32
      %dma_wait3A_635 = tpu.memref_slice %arg2[%dma_wait3A_633, %dma_wait3A_634] : memref<1025x768xf32, #tpu.memory_space<hbm>> -> memref<1025x768xf32, #tpu.memory_space<hbm>>
      tpu.wait_indirect_dma semaphore(%arg10 : memref<!tpu.dma_semaphore, #tpu.memory_space<semaphore_mem>>) src(%dma_wait3A_635 : memref<1025x768xf32, #tpu.memory_space<hbm>>) dst(%arg8 : memref<32x768xf32, #tpu.memory_space<vmem>>)
      %dma_wait3A_636 = arith.constant 0 : i32
      %dma_wait3A_637 = tpu.memref_slice %arg3[%multiple_of3A_594, %dma_wait3A_636] : memref<65536x768xf32, #tpu.memory_space<hbm>> -> memref<32x768xf32, #tpu.memory_space<hbm>>
      %dma_wait3A_638 = arith.constant 0 : i32
      %dma_wait3A_639 = tpu.memref_slice %arg3[%multiple_of3A_594, %dma_wait3A_638] : memref<65536x768xf32, #tpu.memory_space<hbm>> -> memref<32x768xf32, #tpu.memory_space<hbm>>
      tpu.wait_dma2 semaphore(%arg12 : memref<!tpu.dma_semaphore, #tpu.memory_space<semaphore_mem>>) src(%arg7 : memref<32x768xf32, #tpu.memory_space<vmem>>) dst(%dma_wait3A_639 : memref<32x768xf32, #tpu.memory_space<hbm>>)
      %add3A_640 = arith.addi %mul3A_1, %min3A_602 : i32
      %multiple_of3A_641 = tpu.assume_multiple %add3A_640, 8 : i32
      %dma_start3A_642 = arith.constant 0 : i32
      %dma_start3A_643 = tpu.memref_slice %arg3[%multiple_of3A_641, %dma_start3A_642] : memref<65536x768xf32, #tpu.memory_space<hbm>> -> memref<32x768xf32, #tpu.memory_space<hbm>>
      %dma_start3A_644 = arith.constant 0 : i32
      %dma_start3A_645 = tpu.memref_slice %arg3[%multiple_of3A_641, %dma_start3A_644] : memref<65536x768xf32, #tpu.memory_space<hbm>> -> memref<32x768xf32, #tpu.memory_space<hbm>>
      tpu.enqueue_dma source(%arg8 : memref<32x768xf32, #tpu.memory_space<vmem>>) target(%dma_start3A_645 : memref<32x768xf32, #tpu.memory_space<hbm>>) target_semaphore(%arg12 : memref<!tpu.dma_semaphore, #tpu.memory_space<semaphore_mem>>)
      %sub3A_646 = arith.constant 32 : i32
      %sub3A_647 = arith.subi %shift_left3A_7, %sub3A_646 : i32
      %min3A_648 = arith.constant 384 : i32
      %min3A_649 = arith.minsi %min3A_648, %sub3A_647 : i32
      %add3A_650 = arith.constant 512 : i32
      %add3A_651 = arith.addi %arg1, %add3A_650 : i32
      %sub3A_652 = arith.subi %add3A_651, %min3A_649 : i32
      %sub3A_653 = arith.constant 0 : i32
      %sub3A_654 = arith.subi %sub3A_652, %sub3A_653 : i32
      %iota3A_655 = tpu.iota {dimensions = array<i32: 0>} : vector<16xi32>
      %sub3A_656 = vector.broadcast %sub3A_654 : i32 to vector<16xi32>
      %sub3A_657 = arith.subi %sub3A_656, %iota3A_655 : vector<16xi32>
      %max3A_658 = arith.constant 0 : i32
      %max3A_659 = vector.broadcast %max3A_658 : i32 to vector<16xi32>
      %max3A_660 = arith.maxsi %sub3A_657, %max3A_659 : vector<16xi32>
      %swap3A_661 = arith.constant 0 : index
      %swap3A_662 = tpu.vector_load %arg5[%swap3A_661] {strides = array<i32>} : memref<32xi32, #tpu.memory_space<vmem>>, vector<16xi32>,
      %swap3A_663 = vector.shape_cast %swap3A_662 : vector<16xi32> to vector<16xi32>
      %swap3A_664 = vector.shape_cast %max3A_660 : vector<16xi32> to vector<16xi32>
      tpu.vector_store %arg5[%swap3A_661], %swap3A_664 {strides = array<i32>} : memref<32xi32, #tpu.memory_space<vmem>>, vector<16xi32>,
      %sub3A_665 = arith.constant 16 : i32
      %sub3A_666 = arith.subi %sub3A_652, %sub3A_665 : i32
      %iota3A_667 = tpu.iota {dimensions = array<i32: 0>} : vector<16xi32>
      %sub3A_668 = vector.broadcast %sub3A_666 : i32 to vector<16xi32>
      %sub3A_669 = arith.subi %sub3A_668, %iota3A_667 : vector<16xi32>
      %max3A_670 = arith.constant 0 : i32
      %max3A_671 = vector.broadcast %max3A_670 : i32 to vector<16xi32>
      %max3A_672 = arith.maxsi %sub3A_669, %max3A_671 : vector<16xi32>
      %swap3A_673 = arith.constant 16 : index
      %swap3A_674 = tpu.vector_load %arg5[%swap3A_673] {strides = array<i32>} : memref<32xi32, #tpu.memory_space<vmem>>, vector<16xi32>,
      %swap3A_675 = vector.shape_cast %swap3A_674 : vector<16xi32> to vector<16xi32>
      %swap3A_676 = vector.shape_cast %max3A_672 : vector<16xi32> to vector<16xi32>
      tpu.vector_store %arg5[%swap3A_673], %swap3A_676 {strides = array<i32>} : memref<32xi32, #tpu.memory_space<vmem>>, vector<16xi32>,
      %dma_start3A_677 = arith.constant 0 : i32
      %dma_start3A_678 = arith.constant 0 : i32
      %dma_start3A_679 = tpu.memref_slice %arg2[%dma_start3A_677, %dma_start3A_678] : memref<1025x768xf32, #tpu.memory_space<hbm>> -> memref<1025x768xf32, #tpu.memory_space<hbm>>
      tpu.enqueue_indirect_dma source(%dma_start3A_679 : memref<1025x768xf32, #tpu.memory_space<hbm>>) target(%arg7 : memref<32x768xf32, #tpu.memory_space<vmem>>) offsets(%arg5 : memref<32xi32, #tpu.memory_space<vmem>>) semaphore(%arg10 : memref<!tpu.dma_semaphore, #tpu.memory_space<semaphore_mem>>)
      %dma_wait3A_680 = arith.constant 0 : i32
      %dma_wait3A_681 = arith.constant 0 : i32
      %dma_wait3A_682 = tpu.memref_slice %arg2[%dma_wait3A_680, %dma_wait3A_681] : memref<1025x768xf32, #tpu.memory_space<hbm>> -> memref<1025x768xf32, #tpu.memory_space<hbm>>
      tpu.wait_indirect_dma semaphore(%arg10 : memref<!tpu.dma_semaphore, #tpu.memory_space<semaphore_mem>>) src(%dma_wait3A_682 : memref<1025x768xf32, #tpu.memory_space<hbm>>) dst(%arg7 : memref<32x768xf32, #tpu.memory_space<vmem>>)
      %dma_wait3A_683 = arith.constant 0 : i32
      %dma_wait3A_684 = tpu.memref_slice %arg3[%multiple_of3A_641, %dma_wait3A_683] : memref<65536x768xf32, #tpu.memory_space<hbm>> -> memref<32x768xf32, #tpu.memory_space<hbm>>
      %dma_wait3A_685 = arith.constant 0 : i32
      %dma_wait3A_686 = tpu.memref_slice %arg3[%multiple_of3A_641, %dma_wait3A_685] : memref<65536x768xf32, #tpu.memory_space<hbm>> -> memref<32x768xf32, #tpu.memory_space<hbm>>
      tpu.wait_dma2 semaphore(%arg12 : memref<!tpu.dma_semaphore, #tpu.memory_space<semaphore_mem>>) src(%arg8 : memref<32x768xf32, #tpu.memory_space<vmem>>) dst(%dma_wait3A_686 : memref<32x768xf32, #tpu.memory_space<hbm>>)
      %add3A_687 = arith.addi %mul3A_1, %min3A_649 : i32
      %multiple_of3A_688 = tpu.assume_multiple %add3A_687, 8 : i32
      %dma_start3A_689 = arith.constant 0 : i32
      %dma_start3A_690 = tpu.memref_slice %arg3[%multiple_of3A_688, %dma_start3A_689] : memref<65536x768xf32, #tpu.memory_space<hbm>> -> memref<32x768xf32, #tpu.memory_space<hbm>>
      %dma_start3A_691 = arith.constant 0 : i32
      %dma_start3A_692 = tpu.memref_slice %arg3[%multiple_of3A_688, %dma_start3A_691] : memref<65536x768xf32, #tpu.memory_space<hbm>> -> memref<32x768xf32, #tpu.memory_space<hbm>>
      tpu.enqueue_dma source(%arg7 : memref<32x768xf32, #tpu.memory_space<vmem>>) target(%dma_start3A_692 : memref<32x768xf32, #tpu.memory_space<hbm>>) target_semaphore(%arg12 : memref<!tpu.dma_semaphore, #tpu.memory_space<semaphore_mem>>)
      %sub3A_693 = arith.constant 32 : i32
      %sub3A_694 = arith.subi %shift_left3A_7, %sub3A_693 : i32
      %min3A_695 = arith.constant 416 : i32
      %min3A_696 = arith.minsi %min3A_695, %sub3A_694 : i32
      %add3A_697 = arith.constant 512 : i32
      %add3A_698 = arith.addi %arg1, %add3A_697 : i32
      %sub3A_699 = arith.subi %add3A_698, %min3A_696 : i32
      %sub3A_700 = arith.constant 0 : i32
      %sub3A_701 = arith.subi %sub3A_699, %sub3A_700 : i32
      %iota3A_702 = tpu.iota {dimensions = array<i32: 0>} : vector<16xi32>
      %sub3A_703 = vector.broadcast %sub3A_701 : i32 to vector<16xi32>
      %sub3A_704 = arith.subi %sub3A_703, %iota3A_702 : vector<16xi32>
      %max3A_705 = arith.constant 0 : i32
      %max3A_706 = vector.broadcast %max3A_705 : i32 to vector<16xi32>
      %max3A_707 = arith.maxsi %sub3A_704, %max3A_706 : vector<16xi32>
      %swap3A_708 = arith.constant 0 : index
      %swap3A_709 = tpu.vector_load %arg5[%swap3A_708] {strides = array<i32>} : memref<32xi32, #tpu.memory_space<vmem>>, vector<16xi32>,
      %swap3A_710 = vector.shape_cast %swap3A_709 : vector<16xi32> to vector<16xi32>
      %swap3A_711 = vector.shape_cast %max3A_707 : vector<16xi32> to vector<16xi32>
      tpu.vector_store %arg5[%swap3A_708], %swap3A_711 {strides = array<i32>} : memref<32xi32, #tpu.memory_space<vmem>>, vector<16xi32>,
      %sub3A_712 = arith.constant 16 : i32
      %sub3A_713 = arith.subi %sub3A_699, %sub3A_712 : i32
      %iota3A_714 = tpu.iota {dimensions = array<i32: 0>} : vector<16xi32>
      %sub3A_715 = vector.broadcast %sub3A_713 : i32 to vector<16xi32>
      %sub3A_716 = arith.subi %sub3A_715, %iota3A_714 : vector<16xi32>
      %max3A_717 = arith.constant 0 : i32
      %max3A_718 = vector.broadcast %max3A_717 : i32 to vector<16xi32>
      %max3A_719 = arith.maxsi %sub3A_716, %max3A_718 : vector<16xi32>
      %swap3A_720 = arith.constant 16 : index
      %swap3A_721 = tpu.vector_load %arg5[%swap3A_720] {strides = array<i32>} : memref<32xi32, #tpu.memory_space<vmem>>, vector<16xi32>,
      %swap3A_722 = vector.shape_cast %swap3A_721 : vector<16xi32> to vector<16xi32>
      %swap3A_723 = vector.shape_cast %max3A_719 : vector<16xi32> to vector<16xi32>
      tpu.vector_store %arg5[%swap3A_720], %swap3A_723 {strides = array<i32>} : memref<32xi32, #tpu.memory_space<vmem>>, vector<16xi32>,
      %dma_start3A_724 = arith.constant 0 : i32
      %dma_start3A_725 = arith.constant 0 : i32
      %dma_start3A_726 = tpu.memref_slice %arg2[%dma_start3A_724, %dma_start3A_725] : memref<1025x768xf32, #tpu.memory_space<hbm>> -> memref<1025x768xf32, #tpu.memory_space<hbm>>
      tpu.enqueue_indirect_dma source(%dma_start3A_726 : memref<1025x768xf32, #tpu.memory_space<hbm>>) target(%arg8 : memref<32x768xf32, #tpu.memory_space<vmem>>) offsets(%arg5 : memref<32xi32, #tpu.memory_space<vmem>>) semaphore(%arg10 : memref<!tpu.dma_semaphore, #tpu.memory_space<semaphore_mem>>)
      %dma_wait3A_727 = arith.constant 0 : i32
      %dma_wait3A_728 = arith.constant 0 : i32
      %dma_wait3A_729 = tpu.memref_slice %arg2[%dma_wait3A_727, %dma_wait3A_728] : memref<1025x768xf32, #tpu.memory_space<hbm>> -> memref<1025x768xf32, #tpu.memory_space<hbm>>
      tpu.wait_indirect_dma semaphore(%arg10 : memref<!tpu.dma_semaphore, #tpu.memory_space<semaphore_mem>>) src(%dma_wait3A_729 : memref<1025x768xf32, #tpu.memory_space<hbm>>) dst(%arg8 : memref<32x768xf32, #tpu.memory_space<vmem>>)
      %dma_wait3A_730 = arith.constant 0 : i32
      %dma_wait3A_731 = tpu.memref_slice %arg3[%multiple_of3A_688, %dma_wait3A_730] : memref<65536x768xf32, #tpu.memory_space<hbm>> -> memref<32x768xf32, #tpu.memory_space<hbm>>
      %dma_wait3A_732 = arith.constant 0 : i32
      %dma_wait3A_733 = tpu.memref_slice %arg3[%multiple_of3A_688, %dma_wait3A_732] : memref<65536x768xf32, #tpu.memory_space<hbm>> -> memref<32x768xf32, #tpu.memory_space<hbm>>
      tpu.wait_dma2 semaphore(%arg12 : memref<!tpu.dma_semaphore, #tpu.memory_space<semaphore_mem>>) src(%arg7 : memref<32x768xf32, #tpu.memory_space<vmem>>) dst(%dma_wait3A_733 : memref<32x768xf32, #tpu.memory_space<hbm>>)
      %add3A_734 = arith.addi %mul3A_1, %min3A_696 : i32
      %multiple_of3A_735 = tpu.assume_multiple %add3A_734, 8 : i32
      %dma_start3A_736 = arith.constant 0 : i32
      %dma_start3A_737 = tpu.memref_slice %arg3[%multiple_of3A_735, %dma_start3A_736] : memref<65536x768xf32, #tpu.memory_space<hbm>> -> memref<32x768xf32, #tpu.memory_space<hbm>>
      %dma_start3A_738 = arith.constant 0 : i32
      %dma_start3A_739 = tpu.memref_slice %arg3[%multiple_of3A_735, %dma_start3A_738] : memref<65536x768xf32, #tpu.memory_space<hbm>> -> memref<32x768xf32, #tpu.memory_space<hbm>>
      tpu.enqueue_dma source(%arg8 : memref<32x768xf32, #tpu.memory_space<vmem>>) target(%dma_start3A_739 : memref<32x768xf32, #tpu.memory_space<hbm>>) target_semaphore(%arg12 : memref<!tpu.dma_semaphore, #tpu.memory_space<semaphore_mem>>)
      %sub3A_740 = arith.constant 32 : i32
      %sub3A_741 = arith.subi %shift_left3A_7, %sub3A_740 : i32
      %min3A_742 = arith.constant 448 : i32
      %min3A_743 = arith.minsi %min3A_742, %sub3A_741 : i32
      %add3A_744 = arith.constant 512 : i32
      %add3A_745 = arith.addi %arg1, %add3A_744 : i32
      %sub3A_746 = arith.subi %add3A_745, %min3A_743 : i32
      %sub3A_747 = arith.constant 0 : i32
      %sub3A_748 = arith.subi %sub3A_746, %sub3A_747 : i32
      %iota3A_749 = tpu.iota {dimensions = array<i32: 0>} : vector<16xi32>
      %sub3A_750 = vector.broadcast %sub3A_748 : i32 to vector<16xi32>
      %sub3A_751 = arith.subi %sub3A_750, %iota3A_749 : vector<16xi32>
      %max3A_752 = arith.constant 0 : i32
      %max3A_753 = vector.broadcast %max3A_752 : i32 to vector<16xi32>
      %max3A_754 = arith.maxsi %sub3A_751, %max3A_753 : vector<16xi32>
      %swap3A_755 = arith.constant 0 : index
      %swap3A_756 = tpu.vector_load %arg5[%swap3A_755] {strides = array<i32>} : memref<32xi32, #tpu.memory_space<vmem>>, vector<16xi32>,
      %swap3A_757 = vector.shape_cast %swap3A_756 : vector<16xi32> to vector<16xi32>
      %swap3A_758 = vector.shape_cast %max3A_754 : vector<16xi32> to vector<16xi32>
      tpu.vector_store %arg5[%swap3A_755], %swap3A_758 {strides = array<i32>} : memref<32xi32, #tpu.memory_space<vmem>>, vector<16xi32>,
      %sub3A_759 = arith.constant 16 : i32
      %sub3A_760 = arith.subi %sub3A_746, %sub3A_759 : i32
      %iota3A_761 = tpu.iota {dimensions = array<i32: 0>} : vector<16xi32>
      %sub3A_762 = vector.broadcast %sub3A_760 : i32 to vector<16xi32>
      %sub3A_763 = arith.subi %sub3A_762, %iota3A_761 : vector<16xi32>
      %max3A_764 = arith.constant 0 : i32
      %max3A_765 = vector.broadcast %max3A_764 : i32 to vector<16xi32>
      %max3A_766 = arith.maxsi %sub3A_763, %max3A_765 : vector<16xi32>
      %swap3A_767 = arith.constant 16 : index
      %swap3A_768 = tpu.vector_load %arg5[%swap3A_767] {strides = array<i32>} : memref<32xi32, #tpu.memory_space<vmem>>, vector<16xi32>,
      %swap3A_769 = vector.shape_cast %swap3A_768 : vector<16xi32> to vector<16xi32>
      %swap3A_770 = vector.shape_cast %max3A_766 : vector<16xi32> to vector<16xi32>
      tpu.vector_store %arg5[%swap3A_767], %swap3A_770 {strides = array<i32>} : memref<32xi32, #tpu.memory_space<vmem>>, vector<16xi32>,
      %dma_start3A_771 = arith.constant 0 : i32
      %dma_start3A_772 = arith.constant 0 : i32
      %dma_start3A_773 = tpu.memref_slice %arg2[%dma_start3A_771, %dma_start3A_772] : memref<1025x768xf32, #tpu.memory_space<hbm>> -> memref<1025x768xf32, #tpu.memory_space<hbm>>
      tpu.enqueue_indirect_dma source(%dma_start3A_773 : memref<1025x768xf32, #tpu.memory_space<hbm>>) target(%arg7 : memref<32x768xf32, #tpu.memory_space<vmem>>) offsets(%arg5 : memref<32xi32, #tpu.memory_space<vmem>>) semaphore(%arg10 : memref<!tpu.dma_semaphore, #tpu.memory_space<semaphore_mem>>)
      %dma_wait3A_774 = arith.constant 0 : i32
      %dma_wait3A_775 = arith.constant 0 : i32
      %dma_wait3A_776 = tpu.memref_slice %arg2[%dma_wait3A_774, %dma_wait3A_775] : memref<1025x768xf32, #tpu.memory_space<hbm>> -> memref<1025x768xf32, #tpu.memory_space<hbm>>
      tpu.wait_indirect_dma semaphore(%arg10 : memref<!tpu.dma_semaphore, #tpu.memory_space<semaphore_mem>>) src(%dma_wait3A_776 : memref<1025x768xf32, #tpu.memory_space<hbm>>) dst(%arg7 : memref<32x768xf32, #tpu.memory_space<vmem>>)
      %dma_wait3A_777 = arith.constant 0 : i32
      %dma_wait3A_778 = tpu.memref_slice %arg3[%multiple_of3A_735, %dma_wait3A_777] : memref<65536x768xf32, #tpu.memory_space<hbm>> -> memref<32x768xf32, #tpu.memory_space<hbm>>
      %dma_wait3A_779 = arith.constant 0 : i32
      %dma_wait3A_780 = tpu.memref_slice %arg3[%multiple_of3A_735, %dma_wait3A_779] : memref<65536x768xf32, #tpu.memory_space<hbm>> -> memref<32x768xf32, #tpu.memory_space<hbm>>
      tpu.wait_dma2 semaphore(%arg12 : memref<!tpu.dma_semaphore, #tpu.memory_space<semaphore_mem>>) src(%arg8 : memref<32x768xf32, #tpu.memory_space<vmem>>) dst(%dma_wait3A_780 : memref<32x768xf32, #tpu.memory_space<hbm>>)
      %add3A_781 = arith.addi %mul3A_1, %min3A_743 : i32
      %multiple_of3A_782 = tpu.assume_multiple %add3A_781, 8 : i32
      %dma_start3A_783 = arith.constant 0 : i32
      %dma_start3A_784 = tpu.memref_slice %arg3[%multiple_of3A_782, %dma_start3A_783] : memref<65536x768xf32, #tpu.memory_space<hbm>> -> memref<32x768xf32, #tpu.memory_space<hbm>>
      %dma_start3A_785 = arith.constant 0 : i32
      %dma_start3A_786 = tpu.memref_slice %arg3[%multiple_of3A_782, %dma_start3A_785] : memref<65536x768xf32, #tpu.memory_space<hbm>> -> memref<32x768xf32, #tpu.memory_space<hbm>>
      tpu.enqueue_dma source(%arg7 : memref<32x768xf32, #tpu.memory_space<vmem>>) target(%dma_start3A_786 : memref<32x768xf32, #tpu.memory_space<hbm>>) target_semaphore(%arg12 : memref<!tpu.dma_semaphore, #tpu.memory_space<semaphore_mem>>)
      %sub3A_787 = arith.constant 32 : i32
      %sub3A_788 = arith.subi %shift_left3A_7, %sub3A_787 : i32
      %min3A_789 = arith.constant 480 : i32
      %min3A_790 = arith.minsi %min3A_789, %sub3A_788 : i32
      %add3A_791 = arith.constant 512 : i32
      %add3A_792 = arith.addi %arg1, %add3A_791 : i32
      %sub3A_793 = arith.subi %add3A_792, %min3A_790 : i32
      %sub3A_794 = arith.constant 0 : i32
      %sub3A_795 = arith.subi %sub3A_793, %sub3A_794 : i32
      %iota3A_796 = tpu.iota {dimensions = array<i32: 0>} : vector<16xi32>
      %sub3A_797 = vector.broadcast %sub3A_795 : i32 to vector<16xi32>
      %sub3A_798 = arith.subi %sub3A_797, %iota3A_796 : vector<16xi32>
      %max3A_799 = arith.constant 0 : i32
      %max3A_800 = vector.broadcast %max3A_799 : i32 to vector<16xi32>
      %max3A_801 = arith.maxsi %sub3A_798, %max3A_800 : vector<16xi32>
      %swap3A_802 = arith.constant 0 : index
      %swap3A_803 = tpu.vector_load %arg5[%swap3A_802] {strides = array<i32>} : memref<32xi32, #tpu.memory_space<vmem>>, vector<16xi32>,
      %swap3A_804 = vector.shape_cast %swap3A_803 : vector<16xi32> to vector<16xi32>
      %swap3A_805 = vector.shape_cast %max3A_801 : vector<16xi32> to vector<16xi32>
      tpu.vector_store %arg5[%swap3A_802], %swap3A_805 {strides = array<i32>} : memref<32xi32, #tpu.memory_space<vmem>>, vector<16xi32>,
      %sub3A_806 = arith.constant 16 : i32
      %sub3A_807 = arith.subi %sub3A_793, %sub3A_806 : i32
      %iota3A_808 = tpu.iota {dimensions = array<i32: 0>} : vector<16xi32>
      %sub3A_809 = vector.broadcast %sub3A_807 : i32 to vector<16xi32>
      %sub3A_810 = arith.subi %sub3A_809, %iota3A_808 : vector<16xi32>
      %max3A_811 = arith.constant 0 : i32
      %max3A_812 = vector.broadcast %max3A_811 : i32 to vector<16xi32>
      %max3A_813 = arith.maxsi %sub3A_810, %max3A_812 : vector<16xi32>
      %swap3A_814 = arith.constant 16 : index
      %swap3A_815 = tpu.vector_load %arg5[%swap3A_814] {strides = array<i32>} : memref<32xi32, #tpu.memory_space<vmem>>, vector<16xi32>,
      %swap3A_816 = vector.shape_cast %swap3A_815 : vector<16xi32> to vector<16xi32>
      %swap3A_817 = vector.shape_cast %max3A_813 : vector<16xi32> to vector<16xi32>
      tpu.vector_store %arg5[%swap3A_814], %swap3A_817 {strides = array<i32>} : memref<32xi32, #tpu.memory_space<vmem>>, vector<16xi32>,
      %dma_start3A_818 = arith.constant 0 : i32
      %dma_start3A_819 = arith.constant 0 : i32
      %dma_start3A_820 = tpu.memref_slice %arg2[%dma_start3A_818, %dma_start3A_819] : memref<1025x768xf32, #tpu.memory_space<hbm>> -> memref<1025x768xf32, #tpu.memory_space<hbm>>
      tpu.enqueue_indirect_dma source(%dma_start3A_820 : memref<1025x768xf32, #tpu.memory_space<hbm>>) target(%arg8 : memref<32x768xf32, #tpu.memory_space<vmem>>) offsets(%arg5 : memref<32xi32, #tpu.memory_space<vmem>>) semaphore(%arg10 : memref<!tpu.dma_semaphore, #tpu.memory_space<semaphore_mem>>)
      %dma_wait3A_821 = arith.constant 0 : i32
      %dma_wait3A_822 = arith.constant 0 : i32
      %dma_wait3A_823 = tpu.memref_slice %arg2[%dma_wait3A_821, %dma_wait3A_822] : memref<1025x768xf32, #tpu.memory_space<hbm>> -> memref<1025x768xf32, #tpu.memory_space<hbm>>
      tpu.wait_indirect_dma semaphore(%arg10 : memref<!tpu.dma_semaphore, #tpu.memory_space<semaphore_mem>>) src(%dma_wait3A_823 : memref<1025x768xf32, #tpu.memory_space<hbm>>) dst(%arg8 : memref<32x768xf32, #tpu.memory_space<vmem>>)
      %dma_wait3A_824 = arith.constant 0 : i32
      %dma_wait3A_825 = tpu.memref_slice %arg3[%multiple_of3A_782, %dma_wait3A_824] : memref<65536x768xf32, #tpu.memory_space<hbm>> -> memref<32x768xf32, #tpu.memory_space<hbm>>
      %dma_wait3A_826 = arith.constant 0 : i32
      %dma_wait3A_827 = tpu.memref_slice %arg3[%multiple_of3A_782, %dma_wait3A_826] : memref<65536x768xf32, #tpu.memory_space<hbm>> -> memref<32x768xf32, #tpu.memory_space<hbm>>
      tpu.wait_dma2 semaphore(%arg12 : memref<!tpu.dma_semaphore, #tpu.memory_space<semaphore_mem>>) src(%arg7 : memref<32x768xf32, #tpu.memory_space<vmem>>) dst(%dma_wait3A_827 : memref<32x768xf32, #tpu.memory_space<hbm>>)
      %add3A_828 = arith.addi %mul3A_1, %min3A_790 : i32
      %multiple_of3A_829 = tpu.assume_multiple %add3A_828, 8 : i32
      %dma_start3A_830 = arith.constant 0 : i32
      %dma_start3A_831 = tpu.memref_slice %arg3[%multiple_of3A_829, %dma_start3A_830] : memref<65536x768xf32, #tpu.memory_space<hbm>> -> memref<32x768xf32, #tpu.memory_space<hbm>>
      %dma_start3A_832 = arith.constant 0 : i32
      %dma_start3A_833 = tpu.memref_slice %arg3[%multiple_of3A_829, %dma_start3A_832] : memref<65536x768xf32, #tpu.memory_space<hbm>> -> memref<32x768xf32, #tpu.memory_space<hbm>>
      tpu.enqueue_dma source(%arg8 : memref<32x768xf32, #tpu.memory_space<vmem>>) target(%dma_start3A_833 : memref<32x768xf32, #tpu.memory_space<hbm>>) target_semaphore(%arg12 : memref<!tpu.dma_semaphore, #tpu.memory_space<semaphore_mem>>)
      %sub3A_834 = arith.constant 32 : i32
      %sub3A_835 = arith.subi %shift_left3A_7, %sub3A_834 : i32
      %min3A_836 = arith.constant 512 : i32
      %min3A_837 = arith.minsi %min3A_836, %sub3A_835 : i32
      %add3A_838 = arith.constant 512 : i32
      %add3A_839 = arith.addi %arg1, %add3A_838 : i32
      %sub3A_840 = arith.subi %add3A_839, %min3A_837 : i32
      %sub3A_841 = arith.constant 0 : i32
      %sub3A_842 = arith.subi %sub3A_840, %sub3A_841 : i32
      %iota3A_843 = tpu.iota {dimensions = array<i32: 0>} : vector<16xi32>
      %sub3A_844 = vector.broadcast %sub3A_842 : i32 to vector<16xi32>
      %sub3A_845 = arith.subi %sub3A_844, %iota3A_843 : vector<16xi32>
      %max3A_846 = arith.constant 0 : i32
      %max3A_847 = vector.broadcast %max3A_846 : i32 to vector<16xi32>
      %max3A_848 = arith.maxsi %sub3A_845, %max3A_847 : vector<16xi32>
      %swap3A_849 = arith.constant 0 : index
      %swap3A_850 = tpu.vector_load %arg5[%swap3A_849] {strides = array<i32>} : memref<32xi32, #tpu.memory_space<vmem>>, vector<16xi32>,
      %swap3A_851 = vector.shape_cast %swap3A_850 : vector<16xi32> to vector<16xi32>
      %swap3A_852 = vector.shape_cast %max3A_848 : vector<16xi32> to vector<16xi32>
      tpu.vector_store %arg5[%swap3A_849], %swap3A_852 {strides = array<i32>} : memref<32xi32, #tpu.memory_space<vmem>>, vector<16xi32>,
      %sub3A_853 = arith.constant 16 : i32
      %sub3A_854 = arith.subi %sub3A_840, %sub3A_853 : i32
      %iota3A_855 = tpu.iota {dimensions = array<i32: 0>} : vector<16xi32>
      %sub3A_856 = vector.broadcast %sub3A_854 : i32 to vector<16xi32>
      %sub3A_857 = arith.subi %sub3A_856, %iota3A_855 : vector<16xi32>
      %max3A_858 = arith.constant 0 : i32
      %max3A_859 = vector.broadcast %max3A_858 : i32 to vector<16xi32>
      %max3A_860 = arith.maxsi %sub3A_857, %max3A_859 : vector<16xi32>
      %swap3A_861 = arith.constant 16 : index
      %swap3A_862 = tpu.vector_load %arg5[%swap3A_861] {strides = array<i32>} : memref<32xi32, #tpu.memory_space<vmem>>, vector<16xi32>,
      %swap3A_863 = vector.shape_cast %swap3A_862 : vector<16xi32> to vector<16xi32>
      %swap3A_864 = vector.shape_cast %max3A_860 : vector<16xi32> to vector<16xi32>
      tpu.vector_store %arg5[%swap3A_861], %swap3A_864 {strides = array<i32>} : memref<32xi32, #tpu.memory_space<vmem>>, vector<16xi32>,
      %dma_start3A_865 = arith.constant 0 : i32
      %dma_start3A_866 = arith.constant 0 : i32
      %dma_start3A_867 = tpu.memref_slice %arg2[%dma_start3A_865, %dma_start3A_866] : memref<1025x768xf32, #tpu.memory_space<hbm>> -> memref<1025x768xf32, #tpu.memory_space<hbm>>
      tpu.enqueue_indirect_dma source(%dma_start3A_867 : memref<1025x768xf32, #tpu.memory_space<hbm>>) target(%arg7 : memref<32x768xf32, #tpu.memory_space<vmem>>) offsets(%arg5 : memref<32xi32, #tpu.memory_space<vmem>>) semaphore(%arg10 : memref<!tpu.dma_semaphore, #tpu.memory_space<semaphore_mem>>)
      %dma_wait3A_868 = arith.constant 0 : i32
      %dma_wait3A_869 = arith.constant 0 : i32
      %dma_wait3A_870 = tpu.memref_slice %arg2[%dma_wait3A_868, %dma_wait3A_869] : memref<1025x768xf32, #tpu.memory_space<hbm>> -> memref<1025x768xf32, #tpu.memory_space<hbm>>
      tpu.wait_indirect_dma semaphore(%arg10 : memref<!tpu.dma_semaphore, #tpu.memory_space<semaphore_mem>>) src(%dma_wait3A_870 : memref<1025x768xf32, #tpu.memory_space<hbm>>) dst(%arg7 : memref<32x768xf32, #tpu.memory_space<vmem>>)
      %dma_wait3A_871 = arith.constant 0 : i32
      %dma_wait3A_872 = tpu.memref_slice %arg3[%multiple_of3A_829, %dma_wait3A_871] : memref<65536x768xf32, #tpu.memory_space<hbm>> -> memref<32x768xf32, #tpu.memory_space<hbm>>
      %dma_wait3A_873 = arith.constant 0 : i32
      %dma_wait3A_874 = tpu.memref_slice %arg3[%multiple_of3A_829, %dma_wait3A_873] : memref<65536x768xf32, #tpu.memory_space<hbm>> -> memref<32x768xf32, #tpu.memory_space<hbm>>
      tpu.wait_dma2 semaphore(%arg12 : memref<!tpu.dma_semaphore, #tpu.memory_space<semaphore_mem>>) src(%arg8 : memref<32x768xf32, #tpu.memory_space<vmem>>) dst(%dma_wait3A_874 : memref<32x768xf32, #tpu.memory_space<hbm>>)
      %add3A_875 = arith.addi %mul3A_1, %min3A_837 : i32
      %multiple_of3A_876 = tpu.assume_multiple %add3A_875, 8 : i32
      %dma_start3A_877 = arith.constant 0 : i32
      %dma_start3A_878 = tpu.memref_slice %arg3[%multiple_of3A_876, %dma_start3A_877] : memref<65536x768xf32, #tpu.memory_space<hbm>> -> memref<32x768xf32, #tpu.memory_space<hbm>>
      %dma_start3A_879 = arith.constant 0 : i32
      %dma_start3A_880 = tpu.memref_slice %arg3[%multiple_of3A_876, %dma_start3A_879] : memref<65536x768xf32, #tpu.memory_space<hbm>> -> memref<32x768xf32, #tpu.memory_space<hbm>>
      tpu.enqueue_dma source(%arg7 : memref<32x768xf32, #tpu.memory_space<vmem>>) target(%dma_start3A_880 : memref<32x768xf32, #tpu.memory_space<hbm>>) target_semaphore(%arg12 : memref<!tpu.dma_semaphore, #tpu.memory_space<semaphore_mem>>)
      %dma_wait3A_881 = arith.constant 0 : i32
      %dma_wait3A_882 = tpu.memref_slice %arg3[%multiple_of3A_876, %dma_wait3A_881] : memref<65536x768xf32, #tpu.memory_space<hbm>> -> memref<32x768xf32, #tpu.memory_space<hbm>>
      %dma_wait3A_883 = arith.constant 0 : i32
      %dma_wait3A_884 = tpu.memref_slice %arg3[%multiple_of3A_876, %dma_wait3A_883] : memref<65536x768xf32, #tpu.memory_space<hbm>> -> memref<32x768xf32, #tpu.memory_space<hbm>>
      tpu.wait_dma2 semaphore(%arg12 : memref<!tpu.dma_semaphore, #tpu.memory_space<semaphore_mem>>) src(%arg7 : memref<32x768xf32, #tpu.memory_space<vmem>>) dst(%dma_wait3A_884 : memref<32x768xf32, #tpu.memory_space<hbm>>)
    } else {
    }
    %eq3A_15 = arith.constant 0 : i32
    %eq3A_16 = arith.cmpi eq, %and3A_0, %eq3A_15 : i32
    %add3A_17 = arith.constant 0 : i32
    %add3A_18 = arith.addi %shift_left3A_7, %add3A_17 : i32
    %add3A_19 = arith.constant 1280 : i32
    %add3A_20 = arith.addi %shift_left3A_7, %add3A_19 : i32
    %min3A = arith.constant 3840 : i32
    %min3A_21 = arith.minsi %add3A_20, %min3A : i32
    %select_n3A = arith.select %eq3A_16, %add3A_18, %min3A_21 : i32
    %add3A_22 = arith.addi %mul3A_1, %select_n3A : i32
    %multiple_of3A = tpu.assume_multiple %add3A_22, 8 : i32
    %dma_start3A = arith.constant 0 : i32
    %dma_start3A_23 = tpu.memref_slice %arg3[%multiple_of3A, %dma_start3A] : memref<65536x768xf32, #tpu.memory_space<hbm>> -> memref<256x768xf32, #tpu.memory_space<hbm>>
    tpu.enqueue_dma source(%arg9 : memref<256x768xf32, #tpu.memory_space<vmem_shared>>) target(%dma_start3A_23 : memref<256x768xf32, #tpu.memory_space<hbm>>) target_semaphore(%arg11 : memref<!tpu.dma_semaphore, #tpu.memory_space<semaphore_mem>>)
    %eq3A_24 = arith.constant 0 : i32
    %eq3A_25 = arith.cmpi eq, %and3A_0, %eq3A_24 : i32
    %add3A_26 = arith.constant 256 : i32
    %add3A_27 = arith.addi %shift_left3A_7, %add3A_26 : i32
    %add3A_28 = arith.constant 1536 : i32
    %add3A_29 = arith.addi %shift_left3A_7, %add3A_28 : i32
    %min3A_30 = arith.constant 3840 : i32
    %min3A_31 = arith.minsi %add3A_29, %min3A_30 : i32
    %select_n3A_32 = arith.select %eq3A_25, %add3A_27, %min3A_31 : i32
    %add3A_33 = arith.addi %mul3A_1, %select_n3A_32 : i32
    %multiple_of3A_34 = tpu.assume_multiple %add3A_33, 8 : i32
    %dma_start3A_35 = arith.constant 0 : i32
    %dma_start3A_36 = tpu.memref_slice %arg3[%multiple_of3A_34, %dma_start3A_35] : memref<65536x768xf32, #tpu.memory_space<hbm>> -> memref<256x768xf32, #tpu.memory_space<hbm>>
    tpu.enqueue_dma source(%arg9 : memref<256x768xf32, #tpu.memory_space<vmem_shared>>) target(%dma_start3A_36 : memref<256x768xf32, #tpu.memory_space<hbm>>) target_semaphore(%arg11 : memref<!tpu.dma_semaphore, #tpu.memory_space<semaphore_mem>>)
    %eq3A_37 = arith.constant 0 : i32
    %eq3A_38 = arith.cmpi eq, %and3A_0, %eq3A_37 : i32
    %add3A_39 = arith.constant 512 : i32
    %add3A_40 = arith.addi %shift_left3A_7, %add3A_39 : i32
    %add3A_41 = arith.constant 1792 : i32
    %add3A_42 = arith.addi %shift_left3A_7, %add3A_41 : i32
    %min3A_43 = arith.constant 3840 : i32
    %min3A_44 = arith.minsi %add3A_42, %min3A_43 : i32
    %select_n3A_45 = arith.select %eq3A_38, %add3A_40, %min3A_44 : i32
    %add3A_46 = arith.addi %mul3A_1, %select_n3A_45 : i32
    %multiple_of3A_47 = tpu.assume_multiple %add3A_46, 8 : i32
    %dma_start3A_48 = arith.constant 0 : i32
    %dma_start3A_49 = tpu.memref_slice %arg3[%multiple_of3A_47, %dma_start3A_48] : memref<65536x768xf32, #tpu.memory_space<hbm>> -> memref<256x768xf32, #tpu.memory_space<hbm>>
    tpu.enqueue_dma source(%arg9 : memref<256x768xf32, #tpu.memory_space<vmem_shared>>) target(%dma_start3A_49 : memref<256x768xf32, #tpu.memory_space<hbm>>) target_semaphore(%arg11 : memref<!tpu.dma_semaphore, #tpu.memory_space<semaphore_mem>>)
    %eq3A_50 = arith.constant 0 : i32
    %eq3A_51 = arith.cmpi eq, %and3A_0, %eq3A_50 : i32
    %add3A_52 = arith.constant 768 : i32
    %add3A_53 = arith.addi %shift_left3A_7, %add3A_52 : i32
    %add3A_54 = arith.constant 2048 : i32
    %add3A_55 = arith.addi %shift_left3A_7, %add3A_54 : i32
    %min3A_56 = arith.constant 3840 : i32
    %min3A_57 = arith.minsi %add3A_55, %min3A_56 : i32
    %select_n3A_58 = arith.select %eq3A_51, %add3A_53, %min3A_57 : i32
    %add3A_59 = arith.addi %mul3A_1, %select_n3A_58 : i32
    %multiple_of3A_60 = tpu.assume_multiple %add3A_59, 8 : i32
    %dma_start3A_61 = arith.constant 0 : i32
    %dma_start3A_62 = tpu.memref_slice %arg3[%multiple_of3A_60, %dma_start3A_61] : memref<65536x768xf32, #tpu.memory_space<hbm>> -> memref<256x768xf32, #tpu.memory_space<hbm>>
    tpu.enqueue_dma source(%arg9 : memref<256x768xf32, #tpu.memory_space<vmem_shared>>) target(%dma_start3A_62 : memref<256x768xf32, #tpu.memory_space<hbm>>) target_semaphore(%arg11 : memref<!tpu.dma_semaphore, #tpu.memory_space<semaphore_mem>>)
    %eq3A_63 = arith.constant 0 : i32
    %eq3A_64 = arith.cmpi eq, %and3A_0, %eq3A_63 : i32
    %add3A_65 = arith.constant 1024 : i32
    %add3A_66 = arith.addi %shift_left3A_7, %add3A_65 : i32
    %add3A_67 = arith.constant 2304 : i32
    %add3A_68 = arith.addi %shift_left3A_7, %add3A_67 : i32
    %min3A_69 = arith.constant 3840 : i32
    %min3A_70 = arith.minsi %add3A_68, %min3A_69 : i32
    %select_n3A_71 = arith.select %eq3A_64, %add3A_66, %min3A_70 : i32
    %add3A_72 = arith.addi %mul3A_1, %select_n3A_71 : i32
    %multiple_of3A_73 = tpu.assume_multiple %add3A_72, 8 : i32
    %dma_start3A_74 = arith.constant 0 : i32
    %dma_start3A_75 = tpu.memref_slice %arg3[%multiple_of3A_73, %dma_start3A_74] : memref<65536x768xf32, #tpu.memory_space<hbm>> -> memref<256x768xf32, #tpu.memory_space<hbm>>
    tpu.enqueue_dma source(%arg9 : memref<256x768xf32, #tpu.memory_space<vmem_shared>>) target(%dma_start3A_75 : memref<256x768xf32, #tpu.memory_space<hbm>>) target_semaphore(%arg11 : memref<!tpu.dma_semaphore, #tpu.memory_space<semaphore_mem>>)
    %eq3A_76 = arith.constant 1 : i32
    %eq3A_77 = arith.cmpi eq, %and3A_0, %eq3A_76 : i32
    %convert_element_type3A_78 = arith.extui %eq3A_77 : i1 to i32
    %cond3A_79 = arith.constant 0 : i32
    %cond3A_80 = arith.cmpi ne, %convert_element_type3A_78, %cond3A_79 : i32
    scf.if %cond3A_80 {
      %add3A_90 = arith.constant 2560 : i32
      %add3A_91 = arith.addi %shift_left3A_7, %add3A_90 : i32
      %min3A_92 = arith.constant 3840 : i32
      %min3A_93 = arith.minsi %add3A_91, %min3A_92 : i32
      %add3A_94 = arith.addi %mul3A_1, %min3A_93 : i32
      %multiple_of3A_95 = tpu.assume_multiple %add3A_94, 8 : i32
      %dma_start3A_96 = arith.constant 0 : i32
      %dma_start3A_97 = tpu.memref_slice %arg3[%multiple_of3A_95, %dma_start3A_96] : memref<65536x768xf32, #tpu.memory_space<hbm>> -> memref<256x768xf32, #tpu.memory_space<hbm>>
      tpu.enqueue_dma source(%arg9 : memref<256x768xf32, #tpu.memory_space<vmem_shared>>) target(%dma_start3A_97 : memref<256x768xf32, #tpu.memory_space<hbm>>) target_semaphore(%arg11 : memref<!tpu.dma_semaphore, #tpu.memory_space<semaphore_mem>>)
      %add3A_98 = arith.constant 2816 : i32
      %add3A_99 = arith.addi %shift_left3A_7, %add3A_98 : i32
      %min3A_100 = arith.constant 3840 : i32
      %min3A_101 = arith.minsi %add3A_99, %min3A_100 : i32
      %add3A_102 = arith.addi %mul3A_1, %min3A_101 : i32
      %multiple_of3A_103 = tpu.assume_multiple %add3A_102, 8 : i32
      %dma_start3A_104 = arith.constant 0 : i32
      %dma_start3A_105 = tpu.memref_slice %arg3[%multiple_of3A_103, %dma_start3A_104] : memref<65536x768xf32, #tpu.memory_space<hbm>> -> memref<256x768xf32, #tpu.memory_space<hbm>>
      tpu.enqueue_dma source(%arg9 : memref<256x768xf32, #tpu.memory_space<vmem_shared>>) target(%dma_start3A_105 : memref<256x768xf32, #tpu.memory_space<hbm>>) target_semaphore(%arg11 : memref<!tpu.dma_semaphore, #tpu.memory_space<semaphore_mem>>)
      %add3A_106 = arith.constant 3072 : i32
      %add3A_107 = arith.addi %shift_left3A_7, %add3A_106 : i32
      %min3A_108 = arith.constant 3840 : i32
      %min3A_109 = arith.minsi %add3A_107, %min3A_108 : i32
      %add3A_110 = arith.addi %mul3A_1, %min3A_109 : i32
      %multiple_of3A_111 = tpu.assume_multiple %add3A_110, 8 : i32
      %dma_start3A_112 = arith.constant 0 : i32
      %dma_start3A_113 = tpu.memref_slice %arg3[%multiple_of3A_111, %dma_start3A_112] : memref<65536x768xf32, #tpu.memory_space<hbm>> -> memref<256x768xf32, #tpu.memory_space<hbm>>
      tpu.enqueue_dma source(%arg9 : memref<256x768xf32, #tpu.memory_space<vmem_shared>>) target(%dma_start3A_113 : memref<256x768xf32, #tpu.memory_space<hbm>>) target_semaphore(%arg11 : memref<!tpu.dma_semaphore, #tpu.memory_space<semaphore_mem>>)
      %add3A_114 = arith.constant 3328 : i32
      %add3A_115 = arith.addi %shift_left3A_7, %add3A_114 : i32
      %min3A_116 = arith.constant 3840 : i32
      %min3A_117 = arith.minsi %add3A_115, %min3A_116 : i32
      %add3A_118 = arith.addi %mul3A_1, %min3A_117 : i32
      %multiple_of3A_119 = tpu.assume_multiple %add3A_118, 8 : i32
      %dma_start3A_120 = arith.constant 0 : i32
      %dma_start3A_121 = tpu.memref_slice %arg3[%multiple_of3A_119, %dma_start3A_120] : memref<65536x768xf32, #tpu.memory_space<hbm>> -> memref<256x768xf32, #tpu.memory_space<hbm>>
      tpu.enqueue_dma source(%arg9 : memref<256x768xf32, #tpu.memory_space<vmem_shared>>) target(%dma_start3A_121 : memref<256x768xf32, #tpu.memory_space<hbm>>) target_semaphore(%arg11 : memref<!tpu.dma_semaphore, #tpu.memory_space<semaphore_mem>>)
      %dma_wait3A_122 = arith.constant 0 : i32
      %dma_wait3A_123 = tpu.memref_slice %arg3[%multiple_of3A_95, %dma_wait3A_122] : memref<65536x768xf32, #tpu.memory_space<hbm>> -> memref<256x768xf32, #tpu.memory_space<hbm>>
      tpu.wait_dma2 semaphore(%arg11 : memref<!tpu.dma_semaphore, #tpu.memory_space<semaphore_mem>>) src(%arg9 : memref<256x768xf32, #tpu.memory_space<vmem_shared>>) dst(%dma_wait3A_123 : memref<256x768xf32, #tpu.memory_space<hbm>>)
      %dma_wait3A_124 = arith.constant 0 : i32
      %dma_wait3A_125 = tpu.memref_slice %arg3[%multiple_of3A_103, %dma_wait3A_124] : memref<65536x768xf32, #tpu.memory_space<hbm>> -> memref<256x768xf32, #tpu.memory_space<hbm>>
      tpu.wait_dma2 semaphore(%arg11 : memref<!tpu.dma_semaphore, #tpu.memory_space<semaphore_mem>>) src(%arg9 : memref<256x768xf32, #tpu.memory_space<vmem_shared>>) dst(%dma_wait3A_125 : memref<256x768xf32, #tpu.memory_space<hbm>>)
      %dma_wait3A_126 = arith.constant 0 : i32
      %dma_wait3A_127 = tpu.memref_slice %arg3[%multiple_of3A_111, %dma_wait3A_126] : memref<65536x768xf32, #tpu.memory_space<hbm>> -> memref<256x768xf32, #tpu.memory_space<hbm>>
      tpu.wait_dma2 semaphore(%arg11 : memref<!tpu.dma_semaphore, #tpu.memory_space<semaphore_mem>>) src(%arg9 : memref<256x768xf32, #tpu.memory_space<vmem_shared>>) dst(%dma_wait3A_127 : memref<256x768xf32, #tpu.memory_space<hbm>>)
      %dma_wait3A_128 = arith.constant 0 : i32
      %dma_wait3A_129 = tpu.memref_slice %arg3[%multiple_of3A_119, %dma_wait3A_128] : memref<65536x768xf32, #tpu.memory_space<hbm>> -> memref<256x768xf32, #tpu.memory_space<hbm>>
      tpu.wait_dma2 semaphore(%arg11 : memref<!tpu.dma_semaphore, #tpu.memory_space<semaphore_mem>>) src(%arg9 : memref<256x768xf32, #tpu.memory_space<vmem_shared>>) dst(%dma_wait3A_129 : memref<256x768xf32, #tpu.memory_space<hbm>>)
    } else {
    }
    %dma_wait3A = arith.constant 0 : i32
    %dma_wait3A_81 = tpu.memref_slice %arg3[%multiple_of3A, %dma_wait3A] : memref<65536x768xf32, #tpu.memory_space<hbm>> -> memref<256x768xf32, #tpu.memory_space<hbm>>
    tpu.wait_dma2 semaphore(%arg11 : memref<!tpu.dma_semaphore, #tpu.memory_space<semaphore_mem>>) src(%arg9 : memref<256x768xf32, #tpu.memory_space<vmem_shared>>) dst(%dma_wait3A_81 : memref<256x768xf32, #tpu.memory_space<hbm>>)
    %dma_wait3A_82 = arith.constant 0 : i32
    %dma_wait3A_83 = tpu.memref_slice %arg3[%multiple_of3A_34, %dma_wait3A_82] : memref<65536x768xf32, #tpu.memory_space<hbm>> -> memref<256x768xf32, #tpu.memory_space<hbm>>
    tpu.wait_dma2 semaphore(%arg11 : memref<!tpu.dma_semaphore, #tpu.memory_space<semaphore_mem>>) src(%arg9 : memref<256x768xf32, #tpu.memory_space<vmem_shared>>) dst(%dma_wait3A_83 : memref<256x768xf32, #tpu.memory_space<hbm>>)
    %dma_wait3A_84 = arith.constant 0 : i32
    %dma_wait3A_85 = tpu.memref_slice %arg3[%multiple_of3A_47, %dma_wait3A_84] : memref<65536x768xf32, #tpu.memory_space<hbm>> -> memref<256x768xf32, #tpu.memory_space<hbm>>
    tpu.wait_dma2 semaphore(%arg11 : memref<!tpu.dma_semaphore, #tpu.memory_space<semaphore_mem>>) src(%arg9 : memref<256x768xf32, #tpu.memory_space<vmem_shared>>) dst(%dma_wait3A_85 : memref<256x768xf32, #tpu.memory_space<hbm>>)
    %dma_wait3A_86 = arith.constant 0 : i32
    %dma_wait3A_87 = tpu.memref_slice %arg3[%multiple_of3A_60, %dma_wait3A_86] : memref<65536x768xf32, #tpu.memory_space<hbm>> -> memref<256x768xf32, #tpu.memory_space<hbm>>
    tpu.wait_dma2 semaphore(%arg11 : memref<!tpu.dma_semaphore, #tpu.memory_space<semaphore_mem>>) src(%arg9 : memref<256x768xf32, #tpu.memory_space<vmem_shared>>) dst(%dma_wait3A_87 : memref<256x768xf32, #tpu.memory_space<hbm>>)
    %dma_wait3A_88 = arith.constant 0 : i32
    %dma_wait3A_89 = tpu.memref_slice %arg3[%multiple_of3A_73, %dma_wait3A_88] : memref<65536x768xf32, #tpu.memory_space<hbm>> -> memref<256x768xf32, #tpu.memory_space<hbm>>
    tpu.wait_dma2 semaphore(%arg11 : memref<!tpu.dma_semaphore, #tpu.memory_space<semaphore_mem>>) src(%arg9 : memref<256x768xf32, #tpu.memory_space<vmem_shared>>) dst(%dma_wait3A_89 : memref<256x768xf32, #tpu.memory_space<hbm>>)
    return
  }
}

</mosaic_0001>

<sc_bundles>
// kernel: _rpe.3.cloned.1.call-start
scs
__scs_entry_jumppad:
0x0: {  	(pc) =	sbr.rel $0x88, $3  }
0x1: {  	(tag) =	ssettag $0x0;
	lr =	simm.s32 $0x1  }
0x2: {  	[smem:$0x3FA0] =	sst lr;
	_ =	strace $0xD0000000  }
0x3: {  	_ = 	snop  }
0x4: {  	_ = 	snop  }
0x5: {  	_ = 	snop  }
0x6: {  	_ = 	snop  }
0x7: {  	_ = 	snop  }
__scs_overlays_trampoline_lowered:
0x8: {  	[smem:$0x3FAF] =	sst s0  }
0x9: {  	[smem:$0x3FB0] =	sst s1  }
0xa: {  	[smem:$0x3FB1] =	sst s2  }
0xb: {  	[smem:$0x3FB2] =	sst s3  }
0xc: {  	[smem:$0x3FB3] =	sst s4  }
0xd: {  	[smem:$0x3FB4] =	sst s5  }
0xe: {  	[smem:$0x3FB5] =	sst s6  }
0xf: {  	[smem:$0x3FB6] =	sst s7  }
0x10: {  	[smem:$0x3FB7] =	sst s8  }
0x11: {  	[smem:$0x3FB8] =	sst s9;
	s0 =	simm.s32 @!p0 $0x0  }
0x12: {  	s1 =	sld [smem:$0x3F9E];
	s0 =	simm.s32 @p0 $0x1  }
0x13: {  	[smem:$0x3FB9] =	sst s0;
	s0 =	simm.s32 @!p1 $0x0  }
0x14: {  	s2 =	sld [smem:$0x3F9D];
	s0 =	simm.s32 @p1 $0x1  }
0x15: {  	[smem:$0x3FBA] =	sst s0;
	s0 =	simm.s32 @!p2 $0x0  }
0x16: {  	s3 =	sld [smem:$0x3FDB];
	s0 =	simm.s32 @p2 $0x1  }
0x17: {  	s4 =	simm.s32 $0x1BF5;
	[smem:$0x3FBC] =	sst s0  }
0x18: {  	s0 =	sld [smem:$0x3F9F];
	_ =	swait.ge [sflag:s4], $0x0  }
0x19: {  	s7 =	sld [smem:$0x3FA0]  }
0x1a: {  	s8 =	sadd.s32 $0xFFFFE003, lr  }
0x1b: {  	s9 =	sadd.s32 $0xFFFFFEF7, lr;
	s5 =	simm.s32 $0xFFFFFFFF;
	p2 =	slt.u32 s8, $0xFFFFF086  }
0x1c: {  	p1 =	slt.u32 s9, $0xF7A;
	s5 =	simm.s32 @!p2 $0x0  }
0x1d: {  	s5 =	simm.s32 @p1 $0x1;
	p0 =	seq.s32 s7, s2  }
0x1e: {  	s7 =	smul.u32 @!p0 $0xF7A, s2;
	p2 =	seq.s32 @!p0 s5, $0x0  }
0x1f: {  	s9 =	smul.u32 $0xF7A, s1;
	s8 =	simm.s32 @!p0 $0x1BF5;
	p2 =	por !p2, p0  }
0x20: {  	[sflag:s8] =	ssyncset.s32 @!p0 $0xFFFFF086;
	s6 =	sadd.s32 @!p0 s3, s7;
	s7 =	simm.s32 @!p0 $0x108  }
0x21: {  	s3 =	sadd.s32 s3, s9;
	s6 =	sadd.s32 @!p0 $0x88, s6;
	s7 =	simm.s32 @p2 $0x1082  }
0x22: {  	[simem:s7], [sflag:s8] =	dma.local @!p0 [hbm:s6], $0xF7A  }
0x23: {  	s9 =	sor.u32 $0xD0000000, s2;
	s6 =	simm.s32 $0x108;
	_ =	swait.ge @!p0 [sflag:s8], $0x0  }
0x24: {  	s3 =	sadd.s32 $0x88, s3;
	s6 =	simm.s32 @!p1 $0x1082;
	[sflag:s4] =	ssyncset.s32 $0xFFFFF086  }
0x25: {  	[simem:s6], [sflag:s4] =	dma.local [hbm:s3], $0xF7A  }
0x26: {  	[smem:$0x3FA0] =	sst s1;
	(tag) =	ssettag s2;
	_ =	strace s9  }
0x27: {  	s1 =	sld [smem:$0x3FB0]  }
0x28: {  	s2 =	sld [smem:$0x3FB1]  }
0x29: {  	s4 =	sld [smem:$0x3FB3]  }
0x2a: {  	p0 =	seq.s32 s5, $0x0;
	s5 =	sld [smem:$0x3FB4]  }
0x2b: {  	s6 =	sld [smem:$0x3FB5]  }
0x2c: {  	s7 =	sld [smem:$0x3FB6]  }
0x2d: {  	s3 =	simm.s32 $0x108;
	s8 =	sld [smem:$0x3FB7]  }
0x2e: {  	s3 =	simm.s32 @!p0 $0x1082;
	s9 =	sld [smem:$0x3FB8]  }
0x2f: {  	lr =	sadd.s32 s0, s3;
	s0 =	sld [smem:$0x3FAF]  }
0x30: {  	s3 =	sld [smem:$0x3FB2]  }
0x31: {  	[smem:$0x3FBB] =	sst s10  }
0x32: {  	s10 =	sld [smem:$0x3FB9];
	_ =	sdelay $0x3  }
0x33: {  	p0 =	seq.s32 s10, $0x1;
	s10 =	sld [smem:$0x3FBB];
	_ =	sdelay $0x3  }
0x34: {  	[smem:$0x3FBB] =	sst s10  }
0x35: {  	s10 =	sld [smem:$0x3FBA];
	_ =	sdelay $0x3  }
0x36: {  	p1 =	seq.s32 s10, $0x1;
	s10 =	sld [smem:$0x3FBB];
	_ =	sdelay $0x3  }
0x37: {  	[smem:$0x3FBB] =	sst s10  }
0x38: {  	s10 =	sld [smem:$0x3FBC]  }
0x39: {  	_ = 	snop;
	(pc) =	sbr.ind lr, $3  }
0x3a: {  	_ = 	snop  }
0x3b: {  	_ = 	snop  }
0x3c: {  	p2 =	seq.s32 s10, $0x1;
	s10 =	sld [smem:$0x3FBB]  }
0x3d: {  	_ =	shalt  }
0x3e: {  	_ =	shalt  }
0x3f: {  	_ =	shalt  }
0x40: {  	_ =	shalt  }
0x41: {  	_ =	shalt  }
0x42: {  	_ =	shalt  }
0x43: {  	_ =	shalt  }
0x44: {  	_ =	shalt  }
0x45: {  	_ =	shalt  }
0x46: {  	_ =	shalt  }
0x47: {  	_ =	shalt  }
0x48: {  	_ =	shalt  }
0x49: {  	_ =	shalt  }
0x4a: {  	_ =	shalt  }
0x4b: {  	_ =	shalt  }
0x4c: {  	_ =	shalt  }
0x4d: {  	_ =	shalt  }
0x4e: {  	_ =	shalt  }
0x4f: {  	_ =	shalt  }
0x50: {  	_ =	shalt  }
0x51: {  	_ =	shalt  }
0x52: {  	_ =	shalt  }
0x53: {  	_ =	shalt  }
0x54: {  	_ =	shalt  }
0x55: {  	_ =	shalt  }
0x56: {  	_ =	shalt  }
0x57: {  	_ =	shalt  }
0x58: {  	_ =	shalt  }
0x59: {  	_ =	shalt  }
0x5a: {  	_ =	shalt  }
0x5b: {  	_ =	shalt  }
0x5c: {  	_ =	shalt  }
0x5d: {  	_ =	shalt  }
0x5e: {  	_ =	shalt  }
0x5f: {  	_ =	shalt  }
0x60: {  	_ =	shalt  }
0x61: {  	_ =	shalt  }
0x62: {  	_ =	shalt  }
0x63: {  	_ =	shalt  }
0x64: {  	_ =	shalt  }
0x65: {  	_ =	shalt  }
0x66: {  	_ =	shalt  }
0x67: {  	_ =	shalt  }
0x68: {  	_ =	shalt  }
0x69: {  	_ =	shalt  }
0x6a: {  	_ =	shalt  }
0x6b: {  	_ =	shalt  }
0x6c: {  	_ =	shalt  }
0x6d: {  	_ =	shalt  }
0x6e: {  	_ =	shalt  }
0x6f: {  	_ =	shalt  }
0x70: {  	_ =	shalt  }
0x71: {  	_ =	shalt  }
0x72: {  	_ =	shalt  }
0x73: {  	_ =	shalt  }
0x74: {  	_ =	shalt  }
0x75: {  	_ =	shalt  }
0x76: {  	_ =	shalt  }
0x77: {  	_ =	shalt  }
0x78: {  	_ =	shalt  }
0x79: {  	_ =	shalt  }
0x7a: {  	_ =	shalt  }
0x7b: {  	_ =	shalt  }
0x7c: {  	_ =	shalt  }
0x7d: {  	_ =	shalt  }
0x7e: {  	_ =	shalt  }
0x7f: {  	_ =	shalt  }
0x80: {  	_ =	shalt  }
0x81: {  	_ =	shalt  }
0x82: {  	_ =	shalt  }
0x83: {  	_ =	shalt  }
0x84: {  	_ =	shalt  }
0x85: {  	_ =	shalt  }
0x86: {  	_ =	shalt  }
0x87: {  	_ =	shalt  }
.Lfunc_end0:
.L_simem_size_0:
called_computation_lowered:
.L_overlay_start_0:
0x88: {  	s2 =	sld [smem:$0x3FD9]  }
0x89: {  	s3 =	sld [smem:$0x3FFE];
	_ =	sdelay $0x1  }
0x8a: {  	s1 =	srdreg.scid  }
0x8b: {  	s0 =	sand.u32 $0x1, s1  }
0x8c: {  	s18 =	sshll.u32 s0, $0xA;
	s2 =	sadd.s32 s3, s2  }
0x8d: {  	s2 =	sadd.s32 s2, s18  }
0x8e: {  	[smem:$0x3FC7] =	sst s2  }
0x8f: {  	_ = 	snop  }
0x90: {  	s2 =	sld [smem:$0x3FC9]  }
0x91: {  	s19 =	sld [smem:$0x3FD0];
	(tm) =	ssettm $0x1  }
0x92: {  	s4 =	sld [smem:$0x3FFB];
	_ =	sdelay $0x3  }
0x93: {  	_ =	strace s4  }
0x94: {  	s4 =	sld [smem:$0x3FFC];
	_ =	sdelay $0x3  }
0x95: {  	_ =	strace s4  }
0x96: {  	s4 =	sld [smem:$0x3FFD];
	_ =	sdelay $0x3  }
0x97: {  	_ =	strace s4  }
0x98: {  	_ =	strace $0x8FFFFFFF  }
0x99: {  	s20 =	sld [smem:$0x3FDB];
	_ =	sdelay $0x1  }
0x9a: {  	s5 =	simm.s32 $_scs_section_size  }
0x9b: {  	s6 =	simm.s32 $_size__tile_overlayer_lowered;
	s7 =	simm.s32 $_tile_overlayer_lowered  }
0x9c: {  	s23 =	simm.s32 $0x1BFF;
	s22 =	sshll.u32 s7, $0x1;
	s4 =	sadd.s32 s5, s20  }
0x9d: {  	s8 =	simm.s32 $0x0;
	s21 =	sshll.u32 s6, $0x1;
	s6 =	sadd.s32 s22, s4  }
0x9e: {  	[timem:s8], [sflag:s23] =	dma.local [hbm:s6], s21  }
0x9f: {  	_ =	swait.ge [sflag:s23], s21  }
0xa0: {  	s5 =	ssub.s32 $0x0, s21;
	[sflag:s23] =	ssyncset.done $0x0  }
0xa1: {  	[sflag:s23] =	ssyncadd.s32 s5;
	_ =	sdelay $0x1  }
0xa2: {  	s24 =	simm.s32 $0x1B8B  }
0xa3: {  	_ =	swait.ge [sflag:s24], $0x1  }
0xa4: {  	[sflag:s24] =	ssyncset.done $0x0  }
0xa5: {  	s25 =	simm.s32 $0x1B8E;
	[sflag:s24] =	ssyncadd.s32 $0xFFFFFFFF  }
0xa6: {  	s26 =	simm.s32 $execute0_lowered;
	[smem:$0x3FD2] =	sst s25  }
0xa7: {  	s5 =	sshll.u32 s26, $0x1;
	_ =	strace $0x80000046;
	[dreg:$0x1] =	wrdreg $0xFFFFFFFF  }
0xa8: {  	s28 =	simm.s32 $_size_execute0_lowered;
	s4 =	sadd.s32 s4, s5;
	[dreg:$0x0] =	wrdreg $0x0  }
0xa9: {  	s5 =	sshll.u32 s28, $0x1;
	[dreg:$0x2] =	wrdreg s4  }
0xaa: {  	[dreg:$0x3] =	wrdreg s5  }
0xab: {  	[dreg:$0x4] =	wrdreg $0xC0  }
0xac: {  	_ =	task [dreg:s8], $0x5FFFF  }
0xad: {  	[dreg:$0x1] =	wrdreg $0xFFFFFFFF  }
0xae: {  	[dreg:$0x0] =	wrdreg $0x60  }
0xaf: {  	[dreg:$0x2] =	wrdreg s2  }
0xb0: {  	[dreg:$0x3] =	wrdreg s19  }
0xb1: {  	[dreg:$0x4] =	wrdreg $0x181000  }
0xb2: {  	[dreg:$0x5] =	wrdreg $0x9  }
0xb3: {  	_ =	task.clear_ibuf [dreg:s8], $0x6FFFF;
	_ =	strace $0x90000046  }
0xb4: {  	s29 =	simm.s32 $0x9;
	_ =	strace $0x80000048  }
0xb5: {  	_ =	swait.ge [sflag:s29], $0x1  }
0xb6: {  	[sflag:s29] =	ssyncadd.s32 $0xFFFFFFFF  }
0xb7: {  	_ =	strace $0x90000048  }
0xb8: {  	_ =	sfence  }
0xb9: {  	s30 =	sld [smem:$0x0];
	_ =	sdelay $0x2  }
0xba: {  	s31 =	sshll.u32 s1, $0xD;
	s1 =	sshrl.u32 s1, $0x2  }
0xbb: {  	s3 =	sand.u32 $0x4000, s31;
	s1 =	sadd.s32 s1, s30  }
0xbc: {  	s0 =	sor.u32 s3, s0;
	s1 =	sshll.u32 s1, $0x11  }
0xbd: {  	s0 =	sor.u32 s1, s0  }
0xbe: {  	s0 =	sadd.s32 $0x8F2B, s0  }
0xbf: {  	[sflag:s0] =	ssyncadd.remote.s32 $0x1  }
0xc0: {  	_ =	sfence.sel $0xFFFF  }
0xc1: {  	[dreg:$0x0] =	wrdreg $0xFFFFFFFF;
	(pc) =	sbr.abs _section_cstart, $3  }
0xc2: {  	[dreg:$0x1] =	wrdreg $0xFFFFFFFF  }
0xc3: {  	_ =	task.clear_ibuf [dreg:s8], $0x2FFFF;
	_ =	strace $0x9FFFFFFF  }
0xc4: {  	(tm) =	ssettm $0x7FFFFFFF  }
0xc5: {  	_ =	shalt  }
tec
execute0_lowered:
.L_overlay_start_1:
0x0: {  	(tag) =	ssettag $0x1  }
0x1: {  	s13 =	rddreg [dreg:$0x1]  }
0x2: {  	s12 =	stileid.u32;
	s11 =	rddreg [dreg:$0x2]  }
0x3: {  	s3 =	srdreg.scid;
	s5 =	simm.s32 $0x0;
	s0 =	sor.u32 $0x200, s12  }
0x4: {  	v0 =	vlaneseq.u32;
	s1 =	sor.u32 $0x1F0, s12;
	s14 =	sor.u32 $0x1E0, s12;
	s16 =	sor.u32 $0x1C0, s12  }
0x5: {  	v24 =	vmul.u32 $0xFFFFFFFF, v0;
	s2 =	sor.u32 $0x1A0, s12;
	s19 =	sor.u32 $0x180, s12;
	s20 =	sand.u32 $0x1, s3  }
0x6: {  	s4 =	sor.u32 $0x170, s12;
	[smem:$0x7FF] =	sst s5;
	s22 =	sor.u32 $0x150, s12  }
0x7: {  	s8 =	sand.u32 $0x8, s12;
	s9 =	smul.u32 $0x60000, s12;
	s10 =	sor.u32 $0x140, s12;
	v1 =	vadd.s32 s0, v24  }
0x8: {  	s23 =	sor.u32 $0x130, s12;
	s24 =	sadd.s32 $0x18000, s11;
	s26 =	sor.u32 $0x120, s12;
	v2 =	vadd.s32 s1, v24;
	v3 =	vadd.s32 s14, v24;
	v8 =	vadd.s32 s16, v24  }
0x9: {  	s8 =	sadd.s32 $0x1E8, s8;
	s1 =	rddreg [dreg:$0x0];
	v10 =	vadd.s32 s2, v24;
	v13 =	vadd.s32 s19, v24;
	s2 =	ssub.s32 $0x2, s20;
	v16 =	vadd.s32 s4, v24  }
0xa: {  	_ =	strace $0x80000047;
	v18 =	vadd.s32 s22, v24;
	s14 =	sadd.s32 $0xC000, s11;
	v19 =	vadd.s32 s10, v24;
	[dreg:$0x5] =	wrdreg s24;
	v20 =	vadd.s32 s23, v24  }
0xb: {  	v23 =	vadd.s32 s26, v24;
	s16 =	sor.u32 $0xE0, s12;
	s19 =	sor.u32 $0xB0, s12;
	s20 =	sor.u32 $0xA0, s12;
	vm0 =	vgt.s32 v1, $0x0;
	vm1 =	vgt.s32 v2, $0x0  }
0xc: {  	s22 =	sor.u32 $0x80, s12;
	s23 =	sor.u32 $0x70, s12;
	s24 =	sor.u32 $0x60, s12;
	v29 =	vadd.s32 s16, v24;
	v32 =	vadd.s32 s19, v24;
	v33 =	vadd.s32 s20, v24  }
0xd: {  	s11 =	sadd.s32 $0x24000, s11;
	s26 =	sor.u32 $0x40, s12;
	s0 =	ssub.s32 s0, s8;
	v36 =	vadd.s32 s22, v24;
	v37 =	vadd.s32 s23, v24;
	v39 =	vadd.s32 s24, v24  }
0xe: {  	s21 =	sshrl.u32 s2, $0x1;
	[dreg:$0x6] =	wrdreg s11;
	s11 =	sor.u32 $0x100, s12;
	v41 =	vadd.s32 s26, v24;
	v47 =	vadd.s32 s0, v24;
	v1 =	vnsel vm0, $0x0, v1  }
0xf: {  	[dreg:$0x4] =	wrdreg s14;
	s14 =	sadd.s32 s13, s9;
	s0 =	sadd.s32 $0xFFFFFFF0, s0;
	v2 =	vnsel vm1, $0x0, v2;
	vm0 =	vgt.s32 v3, $0x0;
	v27 =	vadd.s32 s11, v24  }
0x10: {  	s2 =	ssub.s32 s2, s21;
	s25 =	sadd.s32 $0x1800, s14;
	s21 =	sor.u32 $0x90, s12;
	v50 =	vadd.s32 s0, v24;
	v4 =	vshrl.u32 v1, $0x3;
	v5 =	vand.u32 $0x7, v1  }
0x11: {  	s15 =	sor.u32 $0x1D0, s12;
	s29 =	sadd.s32 $0x3000, s14;
	v3 =	vnsel vm0, $0x0, v3;
	[dreg:$0x9] =	wrdreg s25;
	v35 =	vadd.s32 s21, v24;
	v6 =	vmul.u32 $0x30, v4  }
0x12: {  	[dreg:$0xb] =	wrdreg s29;
	s25 =	sor.u32 $0x50, s12;
	s29 =	sor.u32 $0x30, s12;
	v4 =	vadd.s32 s15, v24;
	v7 =	vshrl.u32 v3, $0x3;
	v9 =	vand.u32 $0x7, v3  }
0x13: {  	v42 =	vadd.s32 s25, v24;
	v44 =	vadd.s32 s29, v24;
	vm0 =	vgt.s32 v4, $0x0  }
0x14: {  	s17 =	sor.u32 $0x1B0, s12;
	v7 =	vmul.u32 $0x30, v7;
	v4 =	vnsel vm0, $0x0, v4;
	vm0 =	vgt.s32 v8, $0x0  }
0x15: {  	v5 =	vor.u32 v5, v6;
	v6 =	vnsel vm0, $0x0, v8;
	v8 =	vadd.s32 s17, v24  }
0x16: {  	s30 =	sadd.s32 $0x3C00, s14;
	v7 =	vor.u32 v9, v7;
	v9 =	vshrl.u32 v6, $0x3;
	vm0 =	vgt.s32 v8, $0x0  }
0x17: {  	[dreg:$0xc] =	wrdreg s30;
	s30 =	sor.u32 $0x20, s12;
	v9 =	vmul.u32 $0x30, v9;
	v8 =	vnsel vm0, $0x0, v8;
	vm0 =	vgt.s32 v10, $0x0  }
0x18: {  	s18 =	sor.u32 $0x190, s12;
	v46 =	vadd.s32 s30, v24;
	v11 =	vand.u32 $0x7, v6;
	v10 =	vnsel vm0, $0x0, v10  }
0x19: {  	s15 =	sor.u32 $0xF0, s12;
	v9 =	vor.u32 v11, v9;
	v11 =	vadd.s32 s18, v24;
	v12 =	vshrl.u32 v10, $0x3  }
0x1a: {  	v28 =	vadd.s32 s15, v24;
	vm0 =	vgt.s32 v11, $0x0;
	v14 =	vmul.u32 $0x30, v12  }
0x1b: {  	v15 =	vand.u32 $0x7, v10;
	v11 =	vnsel vm0, $0x0, v11;
	vm0 =	vgt.s32 v13, $0x0  }
0x1c: {  	s6 =	sor.u32 $0x160, s12;
	v12 =	vnsel vm0, $0x0, v13;
	v13 =	vor.u32 v15, v14;
	vm0 =	vgt.s32 v16, $0x0  }
0x1d: {  	s17 =	sor.u32 $0xD0, s12;
	v15 =	vshrl.u32 v12, $0x3;
	v14 =	vnsel vm0, $0x0, v16;
	v16 =	vadd.s32 s6, v24  }
0x1e: {  	v30 =	vadd.s32 s17, v24;
	v15 =	vmul.u32 $0x30, v15;
	vm0 =	vgt.s32 v16, $0x0  }
0x1f: {  	s18 =	sor.u32 $0xC0, s12;
	v17 =	vand.u32 $0x7, v12;
	v16 =	vnsel vm0, $0x0, v16;
	vm0 =	vgt.s32 v18, $0x0  }
0x20: {  	v31 =	vadd.s32 s18, v24;
	v15 =	vor.u32 v17, v15;
	v17 =	vnsel vm0, $0x0, v18  }
0x21: {  	v18 =	vshrl.u32 v16, $0x3;
	v21 =	vand.u32 $0x7, v16;
	vm0 =	vgt.s32 v19, $0x0  }
0x22: {  	v22 =	vmul.u32 $0x30, v18;
	v18 =	vnsel vm0, $0x0, v19;
	vm0 =	vgt.s32 v20, $0x0  }
0x23: {  	s10 =	sor.u32 $0x110, s12;
	v19 =	vnsel vm0, $0x0, v20;
	v20 =	vshrl.u32 v18, $0x3;
	vm0 =	vgt.s32 v23, $0x0  }
0x24: {  	v26 =	vmul.u32 $0x30, v20;
	v20 =	vnsel vm0, $0x0, v23;
	v23 =	vadd.s32 s10, v24  }
0x25: {  	v25 =	vand.u32 $0x7, v18;
	s10 =	sor.u32 $0x10, s12;
	v21 =	vor.u32 v21, v22;
	vm0 =	vgt.s32 v23, $0x0  }
0x26: {  	v48 =	vadd.s32 s10, v24;
	v22 =	vor.u32 v25, v26;
	v25 =	vshrl.u32 v20, $0x3  }
0x27: {  	v23 =	vnsel vm0, $0x0, v23;
	vm0 =	vgt.s32 v27, $0x0;
	v25 =	vmul.u32 $0x30, v25  }
0x28: {  	v26 =	vand.u32 $0x7, v20;
	v24 =	vnsel vm0, $0x0, v27;
	vm0 =	vgt.s32 v28, $0x0  }
0x29: {  	v25 =	vor.u32 v26, v25;
	v26 =	vnsel vm0, $0x0, v28;
	vm0 =	vgt.s32 v29, $0x0  }
0x2a: {  	v34 =	vand.u32 $0x7, v24;
	v28 =	vshrl.u32 v24, $0x3;
	v27 =	vnsel vm0, $0x0, v29  }
0x2b: {  	s3 =	sadd.s32 s3, s12;
	v29 =	vmul.u32 $0x30, v28;
	vm0 =	vgt.s32 v30, $0x0;
	v38 =	vshrl.u32 v27, $0x3  }
0x2c: {  	p2 =	sne.s32 s12, $0x0;
	s3 =	sand.u32 $0x1, s3;
	s4 =	sshll.u32 s12, $0xC;
	v28 =	vnsel vm0, $0x0, v30;
	vm0 =	vgt.s32 v31, $0x0;
	v54 =	vand.u32 $0x7, v27  }
0x2d: {  	p0 =	sne.s32 s3, $0x0;
	s9 =	sadd.s32 $0xC00, s14;
	[dreg:$0x7] =	wrdreg s14;
	v38 =	vmul.u32 $0x30, v38;
	v30 =	vnsel vm0, $0x0, v31;
	vm0 =	vgt.s32 v32, $0x0  }
0x2e: {  	p1 =	seq.s32 s3, $0x0;
	s28 =	sadd.s32 $0x2400, s14;
	[dreg:$0x8] =	wrdreg s9;
	v29 =	vor.u32 v34, v29;
	v55 =	vshrl.u32 v30, $0x3;
	v32 =	vnsel vm0, $0x0, v32  }
0x2f: {  	s7 =	sadd.s32 $0x200, s1;
	s31 =	sadd.s32 $0x4800, s14;
	[dreg:$0xa] =	wrdreg s28;
	vm0 =	vgt.s32 v33, $0x0;
	v56 =	vand.u32 $0x7, v30;
	v31 =	vor.u32 v54, v38  }
0x30: {  	s8 =	sor.u32 s4, s8;
	s23 =	sadd.s32 $0x7800, s14;
	[dreg:$0xd] =	wrdreg s31;
	v34 =	vmul.u32 $0x30, v55;
	v33 =	vnsel vm0, $0x0, v33;
	vm0 =	vgt.s32 v35, $0x0  }
0x31: {  	s4 =	sor.u32 s4, s12;
	s24 =	sadd.s32 $0x8400, s14;
	[dreg:$0x15] =	wrdreg s23;
	v35 =	vnsel vm0, $0x0, v35;
	vm0 =	vgt.s32 v36, $0x0;
	v57 =	vshrl.u32 v33, $0x3  }
0x32: {  	s8 =	sshrl.u32 s8, $0x3;
	s26 =	sadd.s32 $0x9000, s14;
	[dreg:$0x16] =	wrdreg s24;
	v40 =	vand.u32 $0x7, v33;
	v34 =	vor.u32 v56, v34;
	v36 =	vnsel vm0, $0x0, v36  }
0x33: {  	s11 =	sadd.s32 $0xC08, s4;
	s28 =	sadd.s32 $0x5400, s14;
	[dreg:$0x17] =	wrdreg s26;
	v38 =	vmul.u32 $0x30, v57;
	vm0 =	vgt.s32 v37, $0x0;
	v43 =	vshrl.u32 v36, $0x3  }
0x34: {  	s31 =	sadd.s32 $0x6000, s14;
	s16 =	sshrl.u32 s11, $0x3;
	[dreg:$0xe] =	wrdreg s28;
	v37 =	vnsel vm0, $0x0, v37;
	vm0 =	vgt.s32 v39, $0x0;
	v58 =	vand.u32 $0x7, v36  }
0x35: {  	s11 =	simm.s32 $0x2;
	[dreg:$0xf] =	wrdreg s31;
	s28 =	sadd.s32 $0x9C00, s14;
	v43 =	vmul.u32 $0x30, v43;
	v39 =	vnsel vm0, $0x0, v39;
	vm0 =	vgt.s32 v41, $0x0  }
0x36: {  	s25 =	smax.u32 s2, $0x1;
	s29 =	sadd.s32 $0xA800, s14;
	[dreg:$0x18] =	wrdreg s28;
	v38 =	vor.u32 v40, v38;
	v59 =	vshrl.u32 v39, $0x3;
	v41 =	vnsel vm0, $0x0, v41  }
0x37: {  	s30 =	sadd.s32 $0xB400, s14;
	s15 =	smul.u32 $0x300, s8;
	[dreg:$0x19] =	wrdreg s29;
	vm0 =	vgt.s32 v42, $0x0;
	v45 =	vand.u32 $0x7, v39;
	v40 =	vor.u32 v58, v43  }
0x38: {  	s31 =	sadd.s32 $0x5A000, s14;
	s8 =	smul.u32 $0x300, s16;
	[dreg:$0x1a] =	wrdreg s30;
	v43 =	vmul.u32 $0x30, v59;
	v42 =	vnsel vm0, $0x0, v42;
	v49 =	vshrl.u32 v41, $0x3  }
0x39: {  	[dreg:$0x1b] =	wrdreg s31;
	s0 =	sadd.s32 s13, s15;
	s17 =	sadd.s32 $0xD08, s4;
	vm0 =	vgt.s32 v44, $0x0;
	v61 =	vand.u32 $0x7, v41;
	v60 =	vmul.u32 $0x30, v49  }
0x3a: {  	s20 =	sadd.s32 s13, s8;
	s8 =	smul.u32 $0x1001, s12;
	s9 =	sshrl.u32 s17, $0x3;
	v44 =	vnsel vm0, $0x0, v44;
	vm0 =	vgt.s32 v46, $0x0;
	v43 =	vor.u32 v45, v43  }
0x3b: {  	s4 =	sadd.s32 $0xE08, s4;
	[dreg:$0x11] =	wrdreg s0;
	s9 =	smul.u32 $0x300, s9;
	v46 =	vnsel vm0, $0x0, v46;
	vm0 =	vgt.s32 v47, $0x0;
	v45 =	vor.u32 v61, v60  }
.Ltmp0:
0x3c: {  	[dreg:$0x12] =	wrdreg s20;
	s4 =	sshrl.u32 s4, $0x3;
	v47 =	vnsel vm0, $0x0, v47;
	vm0 =	vgt.s32 v48, $0x0;
	v62 =	vshrl.u32 v46, $0x3;
	(pc) =	sbr.rel .LBB2_1-.Ltmp0, $4  }
0x3d: {  	s0 =	simm.s32 $0x3;
	s19 =	smul.u32 $0x300, s4;
	s18 =	sadd.s32 $0x6C00, s14;
	v52 =	vand.u32 $0x7, v46;
	v48 =	vnsel vm0, $0x0, v48;
	v51 =	vshrl.u32 v47, $0x3  }
0x3e: {  	s17 =	simm.s32 $0xC100;
	s21 =	sadd.s32 s13, s9;
	[dreg:$0x10] =	wrdreg s18;
	v49 =	vmul.u32 $0x30, v62;
	vm0 =	vgt.s32 v50, $0x0;
	v51 =	vmul.u32 $0x30, v51  }
0x3f: {  	s22 =	sadd.s32 s13, s19;
	s14 =	simm.s32 $0x12100;
	[dreg:$0x13] =	wrdreg s21;
	v63 =	vand.u32 $0x7, v47;
	v50 =	vnsel vm0, $0x0, v50;
	vm0 =	vmmov $0xffff  }
0x40: {  	[dreg:$0x14] =	wrdreg s22;
	s6 =	sadd.s32 $0x100, s1;
	s12 =	simm.s32 $0x1;
	v49 =	vor.u32 v52, v49;
	v52 =	vimm.s32 $0x0;
	v51 =	vor.u32 v63, v51  }
.LBB2_5:
0x41: {  	v54 =	vand.u32 $0x7, v0;
	v53 =	vshrl.u32 v0, $0x3  }
0x42: {  	v55 =	vperm.xlane v5, v54;
	v53 =	vmul.u32 $0x8, v53;
	_ =	sdelay $0x1  }
0x43: {  	v56 =	vadd.s32 v53, v55;
	_ =	sdelay $0x2  }
0x44: {  	[tilespmem:$0x80] =	vst v1;
	v55 =	vor.u32 $0x8, v0  }
0x45: {  	[tilespmem:$0x90] =	vst v2;
	v57 =	vperm.xlane v5, v55  }
0x46: {  	[tilespmem:s17], [sflag:$0x1] =	stream.indirect_vreg.gather [hbm4b:s1+s5], $0x80, v56, vm0, $0xb8;
	[tilespmem:$0x1B100] =	vst v63  }
0x47: {  	s2 =	simm.s32 $0xC900;
	v57 =	vadd.s32 v53, v57  }
0x48: {  	[tilespmem:s2], [sflag:$0x1] =	stream.indirect_vreg.gather [hbm4b:s6+s5], $0x80, v56, vm0, $0xb8;
	[tilespmem:$0x1B100] =	vst v63  }
0x49: {  	s13 =	simm.s32 $0xD100  }
0x4a: {  	[tilespmem:s13], [sflag:$0x1] =	stream.indirect_vreg.gather [hbm4b:s7+s5], $0x80, v56, vm0, $0xb8;
	[tilespmem:$0x1B100] =	vst v63  }
0x4b: {  	s15 =	simm.s32 $0xD900  }
0x4c: {  	[tilespmem:s15], [sflag:$0x1] =	stream.indirect_vreg.gather [hbm4b:s1+s5], $0x80, v57, vm0, $0xb8;
	[tilespmem:$0x1B100] =	vst v63  }
0x4d: {  	s16 =	simm.s32 $0xE100  }
0x4e: {  	[tilespmem:s16], [sflag:$0x1] =	stream.indirect_vreg.gather [hbm4b:s6+s5], $0x80, v57, vm0, $0xb8;
	[tilespmem:$0x1B100] =	vst v63  }
0x4f: {  	s18 =	simm.s32 $0xE900  }
0x50: {  	[tilespmem:s18], [sflag:$0x1] =	stream.indirect_vreg.gather [hbm4b:s7+s5], $0x80, v57, vm0, $0xb8;
	[tilespmem:$0x1B100] =	vst v63  }
0x51: {  	v56 =	vld [tilespmem:$0x90];
	_ =	sdelay $0x4  }
0x52: {  	v63 =	vshrl.u32 v56, $0x3  }
0x53: {  	v57 =	vmul.u32 $0x30, v63  }
0x54: {  	v56 =	vand.u32 $0x7, v56  }
0x55: {  	v56 =	vor.u32 v56, v57  }
0x56: {  	v57 =	vperm.xlane v56, v54;
	_ =	sdelay $0x1  }
0x57: {  	v57 =	vadd.s32 v53, v57;
	_ =	sdelay $0x3  }
0x58: {  	s19 =	simm.s32 $0xF100;
	v56 =	vperm.xlane v56, v55  }
0x59: {  	[tilespmem:s19], [sflag:$0x1] =	stream.indirect_vreg.gather [hbm4b:s1+s5], $0x80, v57, vm0, $0xb8;
	[tilespmem:$0x1B100] =	vst v63  }
0x5a: {  	s20 =	simm.s32 $0xF900;
	v56 =	vadd.s32 v53, v56  }
0x5b: {  	[tilespmem:s20], [sflag:$0x1] =	stream.indirect_vreg.gather [hbm4b:s6+s5], $0x80, v57, vm0, $0xb8;
	[tilespmem:$0x1B100] =	vst v63  }
0x5c: {  	s21 =	simm.s32 $0x10100  }
0x5d: {  	[tilespmem:s21], [sflag:$0x1] =	stream.indirect_vreg.gather [hbm4b:s7+s5], $0x80, v57, vm0, $0xb8;
	[tilespmem:$0x1B100] =	vst v63  }
0x5e: {  	s22 =	simm.s32 $0x10900  }
0x5f: {  	[tilespmem:s22], [sflag:$0x1] =	stream.indirect_vreg.gather [hbm4b:s1+s5], $0x80, v56, vm0, $0xb8;
	[tilespmem:$0x1B100] =	vst v63  }
0x60: {  	s23 =	simm.s32 $0x11100  }
0x61: {  	[tilespmem:s23], [sflag:$0x1] =	stream.indirect_vreg.gather [hbm4b:s6+s5], $0x80, v56, vm0, $0xb8;
	[tilespmem:$0x1B100] =	vst v63  }
0x62: {  	s24 =	simm.s32 $0x11900  }
0x63: {  	v60 =	vperm.xlane v7, v54;
	[tilespmem:s24], [sflag:$0x1] =	stream.indirect_vreg.gather [hbm4b:s7+s5], $0x80, v56, vm0, $0xb8;
	[tilespmem:$0x1B100] =	vst v63  }
0x64: {  	_ =	swait.ge [sflag:s12], $0x6000  }
0x65: {  	v56 =	vadd.s32 v53, v60;
	[sflag:s12] =	ssyncset.done $0x0  }
0x66: {  	s28 =	rddreg [dreg:$0x7];
	[sflag:s12] =	ssyncadd.s32 $0xFFFFA000  }
0x67: {  	[hbm4b:s28+s5] =	stream.linear.scatter [tilespmem:s17], [sflag:$0x3], $0x6000, $0x38;
	[tilespmem:$0x1B100] =	vst v63  }
0x68: {  	[tilespmem:$0x80] =	vst v3  }
0x69: {  	v61 =	vperm.xlane v7, v55;
	[tilespmem:$0x90] =	vst v4  }
0x6a: {  	[tilespmem:s14], [sflag:$0x1] =	stream.indirect_vreg.gather [hbm4b:s1+s5], $0x80, v56, vm0, $0xb8;
	[tilespmem:$0x1B100] =	vst v63  }
0x6b: {  	s18 =	simm.s32 $0x12900;
	v57 =	vadd.s32 v53, v61  }
0x6c: {  	[tilespmem:s18], [sflag:$0x1] =	stream.indirect_vreg.gather [hbm4b:s6+s5], $0x80, v56, vm0, $0xb8;
	[tilespmem:$0x1B100] =	vst v63  }
0x6d: {  	s19 =	simm.s32 $0x13100  }
0x6e: {  	[tilespmem:s19], [sflag:$0x1] =	stream.indirect_vreg.gather [hbm4b:s7+s5], $0x80, v56, vm0, $0xb8;
	[tilespmem:$0x1B100] =	vst v63  }
0x6f: {  	s20 =	simm.s32 $0x13900  }
0x70: {  	[tilespmem:s20], [sflag:$0x1] =	stream.indirect_vreg.gather [hbm4b:s1+s5], $0x80, v57, vm0, $0xb8;
	[tilespmem:$0x1B100] =	vst v63  }
0x71: {  	s21 =	simm.s32 $0x14100  }
0x72: {  	[tilespmem:s21], [sflag:$0x1] =	stream.indirect_vreg.gather [hbm4b:s6+s5], $0x80, v57, vm0, $0xb8;
	[tilespmem:$0x1B100] =	vst v63  }
0x73: {  	s22 =	simm.s32 $0x14900  }
0x74: {  	[tilespmem:s22], [sflag:$0x1] =	stream.indirect_vreg.gather [hbm4b:s7+s5], $0x80, v57, vm0, $0xb8;
	[tilespmem:$0x1B100] =	vst v63  }
0x75: {  	v56 =	vld [tilespmem:$0x90];
	_ =	sdelay $0x4  }
0x76: {  	v62 =	vshrl.u32 v56, $0x3  }
0x77: {  	v57 =	vmul.u32 $0x30, v62  }
0x78: {  	v56 =	vand.u32 $0x7, v56  }
0x79: {  	v56 =	vor.u32 v56, v57  }
0x7a: {  	v57 =	vperm.xlane v56, v54;
	_ =	sdelay $0x1  }
0x7b: {  	v57 =	vadd.s32 v53, v57;
	_ =	sdelay $0x3  }
0x7c: {  	s23 =	simm.s32 $0x15100;
	v56 =	vperm.xlane v56, v55  }
0x7d: {  	[tilespmem:s23], [sflag:$0x1] =	stream.indirect_vreg.gather [hbm4b:s1+s5], $0x80, v57, vm0, $0xb8;
	[tilespmem:$0x1B100] =	vst v63  }
0x7e: {  	s28 =	simm.s32 $0x15900;
	v56 =	vadd.s32 v53, v56  }
0x7f: {  	[tilespmem:s28], [sflag:$0x1] =	stream.indirect_vreg.gather [hbm4b:s6+s5], $0x80, v57, vm0, $0xb8;
	[tilespmem:$0x1B100] =	vst v63  }
0x80: {  	s18 =	simm.s32 $0x16100  }
0x81: {  	[tilespmem:s18], [sflag:$0x1] =	stream.indirect_vreg.gather [hbm4b:s7+s5], $0x80, v57, vm0, $0xb8;
	[tilespmem:$0x1B100] =	vst v63  }
0x82: {  	s19 =	simm.s32 $0x16900  }
0x83: {  	[tilespmem:s19], [sflag:$0x1] =	stream.indirect_vreg.gather [hbm4b:s1+s5], $0x80, v56, vm0, $0xb8;
	[tilespmem:$0x1B100] =	vst v63  }
0x84: {  	s20 =	simm.s32 $0x17100  }
0x85: {  	[tilespmem:s20], [sflag:$0x1] =	stream.indirect_vreg.gather [hbm4b:s6+s5], $0x80, v56, vm0, $0xb8;
	[tilespmem:$0x1B100] =	vst v63  }
0x86: {  	s21 =	simm.s32 $0x17900  }
0x87: {  	[tilespmem:s21], [sflag:$0x1] =	stream.indirect_vreg.gather [hbm4b:s7+s5], $0x80, v56, vm0, $0xb8;
	[tilespmem:$0x1B100] =	vst v63  }
0x88: {  	_ =	swait.ge [sflag:s12], $0x6000  }
0x89: {  	[sflag:s12] =	ssyncset.done $0x0  }
0x8a: {  	v63 =	vperm.xlane v9, v54;
	[sflag:s12] =	ssyncadd.s32 $0xFFFFA000  }
0x8b: {  	_ =	swait.ge [sflag:s0], $0x6000  }
0x8c: {  	v56 =	vadd.s32 v53, v63;
	[sflag:s0] =	ssyncset.done $0x0  }
0x8d: {  	s28 =	rddreg [dreg:$0x8];
	[sflag:s0] =	ssyncadd.s32 $0xFFFFA000  }
0x8e: {  	[hbm4b:s28+s5] =	stream.linear.scatter [tilespmem:s14], [sflag:$0x3], $0x6000, $0x38;
	[tilespmem:$0x1B100] =	vst v63  }
0x8f: {  	[tilespmem:$0x80] =	vst v6  }
0x90: {  	v60 =	vperm.xlane v9, v55;
	[tilespmem:$0x90] =	vst v8  }
0x91: {  	[tilespmem:s17], [sflag:$0x1] =	stream.indirect_vreg.gather [hbm4b:s1+s5], $0x80, v56, vm0, $0xb8;
	[tilespmem:$0x1B100] =	vst v63  }
0x92: {  	s3 =	simm.s32 $0xC900;
	v57 =	vadd.s32 v53, v60  }
0x93: {  	[tilespmem:s3], [sflag:$0x1] =	stream.indirect_vreg.gather [hbm4b:s6+s5], $0x80, v56, vm0, $0xb8;
	[tilespmem:$0x1B100] =	vst v63  }
0x94: {  	s4 =	simm.s32 $0xD100  }
0x95: {  	[tilespmem:s4], [sflag:$0x1] =	stream.indirect_vreg.gather [hbm4b:s7+s5], $0x80, v56, vm0, $0xb8;
	[tilespmem:$0x1B100] =	vst v63  }
0x96: {  	s9 =	simm.s32 $0xD900  }
0x97: {  	[tilespmem:s9], [sflag:$0x1] =	stream.indirect_vreg.gather [hbm4b:s1+s5], $0x80, v57, vm0, $0xb8;
	[tilespmem:$0x1B100] =	vst v63  }
0x98: {  	s10 =	simm.s32 $0xE100  }
0x99: {  	[tilespmem:s10], [sflag:$0x1] =	stream.indirect_vreg.gather [hbm4b:s6+s5], $0x80, v57, vm0, $0xb8;
	[tilespmem:$0x1B100] =	vst v63  }
0x9a: {  	s15 =	simm.s32 $0xE900  }
0x9b: {  	[tilespmem:s15], [sflag:$0x1] =	stream.indirect_vreg.gather [hbm4b:s7+s5], $0x80, v57, vm0, $0xb8;
	[tilespmem:$0x1B100] =	vst v63  }
0x9c: {  	v56 =	vld [tilespmem:$0x90];
	_ =	sdelay $0x4  }
0x9d: {  	v61 =	vshrl.u32 v56, $0x3  }
0x9e: {  	v57 =	vmul.u32 $0x30, v61  }
0x9f: {  	v56 =	vand.u32 $0x7, v56  }
0xa0: {  	v56 =	vor.u32 v56, v57  }
0xa1: {  	v57 =	vperm.xlane v56, v54;
	_ =	sdelay $0x1  }
0xa2: {  	v57 =	vadd.s32 v53, v57;
	_ =	sdelay $0x3  }
0xa3: {  	s16 =	simm.s32 $0xF100;
	v56 =	vperm.xlane v56, v55  }
0xa4: {  	[tilespmem:s16], [sflag:$0x1] =	stream.indirect_vreg.gather [hbm4b:s1+s5], $0x80, v57, vm0, $0xb8;
	[tilespmem:$0x1B100] =	vst v63  }
0xa5: {  	s13 =	simm.s32 $0xF900;
	v56 =	vadd.s32 v53, v56  }
0xa6: {  	[tilespmem:s13], [sflag:$0x1] =	stream.indirect_vreg.gather [hbm4b:s6+s5], $0x80, v57, vm0, $0xb8;
	[tilespmem:$0x1B100] =	vst v63  }
0xa7: {  	s26 =	simm.s32 $0x10100  }
0xa8: {  	[tilespmem:s26], [sflag:$0x1] =	stream.indirect_vreg.gather [hbm4b:s7+s5], $0x80, v57, vm0, $0xb8;
	[tilespmem:$0x1B100] =	vst v63  }
0xa9: {  	s29 =	simm.s32 $0x10900  }
0xaa: {  	[tilespmem:s29], [sflag:$0x1] =	stream.indirect_vreg.gather [hbm4b:s1+s5], $0x80, v56, vm0, $0xb8;
	[tilespmem:$0x1B100] =	vst v63  }
0xab: {  	s30 =	simm.s32 $0x11100  }
0xac: {  	[tilespmem:s30], [sflag:$0x1] =	stream.indirect_vreg.gather [hbm4b:s6+s5], $0x80, v56, vm0, $0xb8;
	[tilespmem:$0x1B100] =	vst v63  }
0xad: {  	s31 =	simm.s32 $0x11900  }
0xae: {  	[tilespmem:s31], [sflag:$0x1] =	stream.indirect_vreg.gather [hbm4b:s7+s5], $0x80, v56, vm0, $0xb8;
	[tilespmem:$0x1B100] =	vst v63  }
0xaf: {  	_ =	swait.ge [sflag:s12], $0x6000  }
0xb0: {  	[sflag:s12] =	ssyncset.done $0x0  }
0xb1: {  	v62 =	vperm.xlane v13, v54;
	[sflag:s12] =	ssyncadd.s32 $0xFFFFA000  }
0xb2: {  	_ =	swait.ge [sflag:s0], $0x6000  }
0xb3: {  	v56 =	vadd.s32 v53, v62;
	[sflag:s0] =	ssyncset.done $0x0  }
0xb4: {  	s31 =	rddreg [dreg:$0x9];
	[sflag:s0] =	ssyncadd.s32 $0xFFFFA000  }
0xb5: {  	[hbm4b:s31+s5] =	stream.linear.scatter [tilespmem:s17], [sflag:$0x3], $0x6000, $0x38;
	[tilespmem:$0x1B100] =	vst v63  }
0xb6: {  	[tilespmem:$0x80] =	vst v10  }
0xb7: {  	v63 =	vperm.xlane v13, v55;
	[tilespmem:$0x90] =	vst v11  }
0xb8: {  	[tilespmem:s14], [sflag:$0x1] =	stream.indirect_vreg.gather [hbm4b:s1+s5], $0x80, v56, vm0, $0xb8;
	[tilespmem:$0x1B100] =	vst v63  }
0xb9: {  	s24 =	simm.s32 $0x12900;
	v57 =	vadd.s32 v53, v63  }
0xba: {  	[tilespmem:s24], [sflag:$0x1] =	stream.indirect_vreg.gather [hbm4b:s6+s5], $0x80, v56, vm0, $0xb8;
	[tilespmem:$0x1B100] =	vst v63  }
0xbb: {  	s26 =	simm.s32 $0x13100  }
0xbc: {  	[tilespmem:s26], [sflag:$0x1] =	stream.indirect_vreg.gather [hbm4b:s7+s5], $0x80, v56, vm0, $0xb8;
	[tilespmem:$0x1B100] =	vst v63  }
0xbd: {  	s29 =	simm.s32 $0x13900  }
0xbe: {  	[tilespmem:s29], [sflag:$0x1] =	stream.indirect_vreg.gather [hbm4b:s1+s5], $0x80, v57, vm0, $0xb8;
	[tilespmem:$0x1B100] =	vst v63  }
0xbf: {  	s30 =	simm.s32 $0x14100  }
0xc0: {  	[tilespmem:s30], [sflag:$0x1] =	stream.indirect_vreg.gather [hbm4b:s6+s5], $0x80, v57, vm0, $0xb8;
	[tilespmem:$0x1B100] =	vst v63  }
0xc1: {  	s22 =	simm.s32 $0x14900  }
0xc2: {  	[tilespmem:s22], [sflag:$0x1] =	stream.indirect_vreg.gather [hbm4b:s7+s5], $0x80, v57, vm0, $0xb8;
	[tilespmem:$0x1B100] =	vst v63  }
0xc3: {  	v56 =	vld [tilespmem:$0x90];
	_ =	sdelay $0x4  }
0xc4: {  	v60 =	vshrl.u32 v56, $0x3  }
0xc5: {  	v57 =	vmul.u32 $0x30, v60  }
0xc6: {  	v56 =	vand.u32 $0x7, v56  }
0xc7: {  	v56 =	vor.u32 v56, v57  }
0xc8: {  	v57 =	vperm.xlane v56, v54;
	_ =	sdelay $0x1  }
0xc9: {  	v57 =	vadd.s32 v53, v57;
	_ =	sdelay $0x3  }
0xca: {  	s23 =	simm.s32 $0x15100;
	v56 =	vperm.xlane v56, v55  }
0xcb: {  	[tilespmem:s23], [sflag:$0x1] =	stream.indirect_vreg.gather [hbm4b:s1+s5], $0x80, v57, vm0, $0xb8;
	[tilespmem:$0x1B100] =	vst v63  }
0xcc: {  	s22 =	simm.s32 $0x15900;
	v56 =	vadd.s32 v53, v56  }
0xcd: {  	[tilespmem:s22], [sflag:$0x1] =	stream.indirect_vreg.gather [hbm4b:s6+s5], $0x80, v57, vm0, $0xb8;
	[tilespmem:$0x1B100] =	vst v63  }
0xce: {  	s23 =	simm.s32 $0x16100  }
0xcf: {  	[tilespmem:s23], [sflag:$0x1] =	stream.indirect_vreg.gather [hbm4b:s7+s5], $0x80, v57, vm0, $0xb8;
	[tilespmem:$0x1B100] =	vst v63  }
0xd0: {  	s29 =	simm.s32 $0x16900  }
0xd1: {  	[tilespmem:s29], [sflag:$0x1] =	stream.indirect_vreg.gather [hbm4b:s1+s5], $0x80, v56, vm0, $0xb8;
	[tilespmem:$0x1B100] =	vst v63  }
0xd2: {  	s22 =	simm.s32 $0x17100  }
0xd3: {  	[tilespmem:s22], [sflag:$0x1] =	stream.indirect_vreg.gather [hbm4b:s6+s5], $0x80, v56, vm0, $0xb8;
	[tilespmem:$0x1B100] =	vst v63  }
0xd4: {  	s21 =	simm.s32 $0x17900  }
0xd5: {  	[tilespmem:s21], [sflag:$0x1] =	stream.indirect_vreg.gather [hbm4b:s7+s5], $0x80, v56, vm0, $0xb8;
	[tilespmem:$0x1B100] =	vst v63  }
0xd6: {  	_ =	swait.ge [sflag:s12], $0x6000  }
0xd7: {  	[sflag:s12] =	ssyncset.done $0x0  }
0xd8: {  	v61 =	vperm.xlane v15, v54;
	[sflag:s12] =	ssyncadd.s32 $0xFFFFA000  }
0xd9: {  	_ =	swait.ge [sflag:s0], $0x6000  }
0xda: {  	v56 =	vadd.s32 v53, v61;
	[sflag:s0] =	ssyncset.done $0x0  }
0xdb: {  	s21 =	rddreg [dreg:$0xa];
	[sflag:s0] =	ssyncadd.s32 $0xFFFFA000  }
0xdc: {  	[hbm4b:s21+s5] =	stream.linear.scatter [tilespmem:s14], [sflag:$0x3], $0x6000, $0x38;
	[tilespmem:$0x1B100] =	vst v63  }
0xdd: {  	[tilespmem:$0x80] =	vst v12  }
0xde: {  	v62 =	vperm.xlane v15, v55;
	[tilespmem:$0x90] =	vst v14  }
0xdf: {  	[tilespmem:s17], [sflag:$0x1] =	stream.indirect_vreg.gather [hbm4b:s1+s5], $0x80, v56, vm0, $0xb8;
	[tilespmem:$0x1B100] =	vst v63  }
0xe0: {  	s3 =	simm.s32 $0xC900;
	v57 =	vadd.s32 v53, v62  }
0xe1: {  	[tilespmem:s3], [sflag:$0x1] =	stream.indirect_vreg.gather [hbm4b:s6+s5], $0x80, v56, vm0, $0xb8;
	[tilespmem:$0x1B100] =	vst v63  }
0xe2: {  	s4 =	simm.s32 $0xD100  }
0xe3: {  	[tilespmem:s4], [sflag:$0x1] =	stream.indirect_vreg.gather [hbm4b:s7+s5], $0x80, v56, vm0, $0xb8;
	[tilespmem:$0x1B100] =	vst v63  }
0xe4: {  	s9 =	simm.s32 $0xD900  }
0xe5: {  	[tilespmem:s9], [sflag:$0x1] =	stream.indirect_vreg.gather [hbm4b:s1+s5], $0x80, v57, vm0, $0xb8;
	[tilespmem:$0x1B100] =	vst v63  }
0xe6: {  	s10 =	simm.s32 $0xE100  }
0xe7: {  	[tilespmem:s10], [sflag:$0x1] =	stream.indirect_vreg.gather [hbm4b:s6+s5], $0x80, v57, vm0, $0xb8;
	[tilespmem:$0x1B100] =	vst v63  }
0xe8: {  	s28 =	simm.s32 $0xE900  }
0xe9: {  	[tilespmem:s28], [sflag:$0x1] =	stream.indirect_vreg.gather [hbm4b:s7+s5], $0x80, v57, vm0, $0xb8;
	[tilespmem:$0x1B100] =	vst v63  }
0xea: {  	v56 =	vld [tilespmem:$0x90];
	_ =	sdelay $0x4  }
0xeb: {  	v63 =	vshrl.u32 v56, $0x3  }
0xec: {  	v57 =	vmul.u32 $0x30, v63  }
0xed: {  	v56 =	vand.u32 $0x7, v56  }
0xee: {  	v56 =	vor.u32 v56, v57  }
0xef: {  	v57 =	vperm.xlane v56, v54;
	_ =	sdelay $0x1  }
0xf0: {  	v57 =	vadd.s32 v53, v57;
	_ =	sdelay $0x3  }
0xf1: {  	s20 =	simm.s32 $0xF100;
	v56 =	vperm.xlane v56, v55  }
0xf2: {  	[tilespmem:s20], [sflag:$0x1] =	stream.indirect_vreg.gather [hbm4b:s1+s5], $0x80, v57, vm0, $0xb8;
	[tilespmem:$0x1B100] =	vst v63  }
0xf3: {  	s13 =	simm.s32 $0xF900;
	v56 =	vadd.s32 v53, v56  }
0xf4: {  	[tilespmem:s13], [sflag:$0x1] =	stream.indirect_vreg.gather [hbm4b:s6+s5], $0x80, v57, vm0, $0xb8;
	[tilespmem:$0x1B100] =	vst v63  }
0xf5: {  	s15 =	simm.s32 $0x10100  }
0xf6: {  	[tilespmem:s15], [sflag:$0x1] =	stream.indirect_vreg.gather [hbm4b:s7+s5], $0x80, v57, vm0, $0xb8;
	[tilespmem:$0x1B100] =	vst v63  }
0xf7: {  	s16 =	simm.s32 $0x10900  }
0xf8: {  	[tilespmem:s16], [sflag:$0x1] =	stream.indirect_vreg.gather [hbm4b:s1+s5], $0x80, v56, vm0, $0xb8;
	[tilespmem:$0x1B100] =	vst v63  }
0xf9: {  	s18 =	simm.s32 $0x11100  }
0xfa: {  	[tilespmem:s18], [sflag:$0x1] =	stream.indirect_vreg.gather [hbm4b:s6+s5], $0x80, v56, vm0, $0xb8;
	[tilespmem:$0x1B100] =	vst v63  }
0xfb: {  	s19 =	simm.s32 $0x11900  }
0xfc: {  	[tilespmem:s19], [sflag:$0x1] =	stream.indirect_vreg.gather [hbm4b:s7+s5], $0x80, v56, vm0, $0xb8;
	[tilespmem:$0x1B100] =	vst v63  }
0xfd: {  	_ =	swait.ge [sflag:s12], $0x6000  }
0xfe: {  	[sflag:s12] =	ssyncset.done $0x0  }
0xff: {  	v60 =	vperm.xlane v21, v54;
	[sflag:s12] =	ssyncadd.s32 $0xFFFFA000  }
0x100: {  	_ =	swait.ge [sflag:s0], $0x6000  }
0x101: {  	v56 =	vadd.s32 v53, v60;
	[sflag:s0] =	ssyncset.done $0x0  }
0x102: {  	s28 =	rddreg [dreg:$0xb];
	[sflag:s0] =	ssyncadd.s32 $0xFFFFA000  }
0x103: {  	[hbm4b:s28+s5] =	stream.linear.scatter [tilespmem:s17], [sflag:$0x3], $0x6000, $0x38;
	[tilespmem:$0x1B100] =	vst v63  }
0x104: {  	[tilespmem:$0x80] =	vst v16  }
0x105: {  	v61 =	vperm.xlane v21, v55;
	[tilespmem:$0x90] =	vst v17  }
0x106: {  	[tilespmem:s14], [sflag:$0x1] =	stream.indirect_vreg.gather [hbm4b:s1+s5], $0x80, v56, vm0, $0xb8;
	[tilespmem:$0x1B100] =	vst v63  }
0x107: {  	v57 =	vadd.s32 v53, v61;
	s28 =	simm.s32 $0x12900  }
0x108: {  	[tilespmem:s28], [sflag:$0x1] =	stream.indirect_vreg.gather [hbm4b:s6+s5], $0x80, v56, vm0, $0xb8;
	[tilespmem:$0x1B100] =	vst v63  }
0x109: {  	s31 =	simm.s32 $0x13100  }
0x10a: {  	[tilespmem:s31], [sflag:$0x1] =	stream.indirect_vreg.gather [hbm4b:s7+s5], $0x80, v56, vm0, $0xb8;
	[tilespmem:$0x1B100] =	vst v63  }
0x10b: {  	s24 =	simm.s32 $0x13900  }
0x10c: {  	[tilespmem:s24], [sflag:$0x1] =	stream.indirect_vreg.gather [hbm4b:s1+s5], $0x80, v57, vm0, $0xb8;
	[tilespmem:$0x1B100] =	vst v63  }
0x10d: {  	s26 =	simm.s32 $0x14100  }
0x10e: {  	[tilespmem:s26], [sflag:$0x1] =	stream.indirect_vreg.gather [hbm4b:s6+s5], $0x80, v57, vm0, $0xb8;
	[tilespmem:$0x1B100] =	vst v63  }
0x10f: {  	s31 =	simm.s32 $0x14900  }
0x110: {  	[tilespmem:s31], [sflag:$0x1] =	stream.indirect_vreg.gather [hbm4b:s7+s5], $0x80, v57, vm0, $0xb8;
	[tilespmem:$0x1B100] =	vst v63  }
0x111: {  	v56 =	vld [tilespmem:$0x90];
	_ =	sdelay $0x4  }
0x112: {  	v62 =	vshrl.u32 v56, $0x3  }
0x113: {  	v57 =	vmul.u32 $0x30, v62  }
0x114: {  	v56 =	vand.u32 $0x7, v56  }
0x115: {  	v56 =	vor.u32 v56, v57  }
0x116: {  	v57 =	vperm.xlane v56, v54;
	_ =	sdelay $0x1  }
0x117: {  	v57 =	vadd.s32 v53, v57;
	_ =	sdelay $0x3  }
0x118: {  	s31 =	simm.s32 $0x15100;
	v56 =	vperm.xlane v56, v55  }
0x119: {  	[tilespmem:s31], [sflag:$0x1] =	stream.indirect_vreg.gather [hbm4b:s1+s5], $0x80, v57, vm0, $0xb8;
	[tilespmem:$0x1B100] =	vst v63  }
0x11a: {  	s30 =	simm.s32 $0x15900;
	v56 =	vadd.s32 v53, v56  }
0x11b: {  	[tilespmem:s30], [sflag:$0x1] =	stream.indirect_vreg.gather [hbm4b:s6+s5], $0x80, v57, vm0, $0xb8;
	[tilespmem:$0x1B100] =	vst v63  }
0x11c: {  	s23 =	simm.s32 $0x16100  }
0x11d: {  	[tilespmem:s23], [sflag:$0x1] =	stream.indirect_vreg.gather [hbm4b:s7+s5], $0x80, v57, vm0, $0xb8;
	[tilespmem:$0x1B100] =	vst v63  }
0x11e: {  	s29 =	simm.s32 $0x16900  }
0x11f: {  	[tilespmem:s29], [sflag:$0x1] =	stream.indirect_vreg.gather [hbm4b:s1+s5], $0x80, v56, vm0, $0xb8;
	[tilespmem:$0x1B100] =	vst v63  }
0x120: {  	s22 =	simm.s32 $0x17100  }
0x121: {  	[tilespmem:s22], [sflag:$0x1] =	stream.indirect_vreg.gather [hbm4b:s6+s5], $0x80, v56, vm0, $0xb8;
	[tilespmem:$0x1B100] =	vst v63  }
0x122: {  	s31 =	simm.s32 $0x17900  }
0x123: {  	[tilespmem:s31], [sflag:$0x1] =	stream.indirect_vreg.gather [hbm4b:s7+s5], $0x80, v56, vm0, $0xb8;
	[tilespmem:$0x1B100] =	vst v63  }
0x124: {  	_ =	swait.ge [sflag:s12], $0x6000  }
0x125: {  	[sflag:s12] =	ssyncset.done $0x0  }
0x126: {  	v63 =	vperm.xlane v22, v54;
	[sflag:s12] =	ssyncadd.s32 $0xFFFFA000  }
0x127: {  	_ =	swait.ge [sflag:s0], $0x6000  }
0x128: {  	v56 =	vadd.s32 v53, v63;
	[sflag:s0] =	ssyncset.done $0x0  }
0x129: {  	s31 =	rddreg [dreg:$0xc];
	[sflag:s0] =	ssyncadd.s32 $0xFFFFA000  }
0x12a: {  	[hbm4b:s31+s5] =	stream.linear.scatter [tilespmem:s14], [sflag:$0x3], $0x6000, $0x38;
	[tilespmem:$0x1B100] =	vst v63  }
0x12b: {  	[tilespmem:$0x80] =	vst v18  }
0x12c: {  	v60 =	vperm.xlane v22, v55;
	[tilespmem:$0x90] =	vst v19  }
0x12d: {  	[tilespmem:s17], [sflag:$0x1] =	stream.indirect_vreg.gather [hbm4b:s1+s5], $0x80, v56, vm0, $0xb8;
	[tilespmem:$0x1B100] =	vst v63  }
0x12e: {  	s21 =	simm.s32 $0xC900;
	v57 =	vadd.s32 v53, v60  }
0x12f: {  	[tilespmem:s21], [sflag:$0x1] =	stream.indirect_vreg.gather [hbm4b:s6+s5], $0x80, v56, vm0, $0xb8;
	[tilespmem:$0x1B100] =	vst v63  }
0x130: {  	s4 =	simm.s32 $0xD100  }
0x131: {  	[tilespmem:s4], [sflag:$0x1] =	stream.indirect_vreg.gather [hbm4b:s7+s5], $0x80, v56, vm0, $0xb8;
	[tilespmem:$0x1B100] =	vst v63  }
0x132: {  	s9 =	simm.s32 $0xD900  }
0x133: {  	[tilespmem:s9], [sflag:$0x1] =	stream.indirect_vreg.gather [hbm4b:s1+s5], $0x80, v57, vm0, $0xb8;
	[tilespmem:$0x1B100] =	vst v63  }
0x134: {  	s10 =	simm.s32 $0xE100  }
0x135: {  	[tilespmem:s10], [sflag:$0x1] =	stream.indirect_vreg.gather [hbm4b:s6+s5], $0x80, v57, vm0, $0xb8;
	[tilespmem:$0x1B100] =	vst v63  }
0x136: {  	s3 =	simm.s32 $0xE900  }
0x137: {  	[tilespmem:s3], [sflag:$0x1] =	stream.indirect_vreg.gather [hbm4b:s7+s5], $0x80, v57, vm0, $0xb8;
	[tilespmem:$0x1B100] =	vst v63  }
0x138: {  	v56 =	vld [tilespmem:$0x90];
	_ =	sdelay $0x4  }
0x139: {  	v61 =	vshrl.u32 v56, $0x3  }
0x13a: {  	v57 =	vmul.u32 $0x30, v61  }
0x13b: {  	v56 =	vand.u32 $0x7, v56  }
0x13c: {  	v56 =	vor.u32 v56, v57  }
0x13d: {  	v57 =	vperm.xlane v56, v54;
	_ =	sdelay $0x1  }
0x13e: {  	v57 =	vadd.s32 v53, v57;
	_ =	sdelay $0x3  }
0x13f: {  	s20 =	simm.s32 $0xF100;
	v56 =	vperm.xlane v56, v55  }
0x140: {  	[tilespmem:s20], [sflag:$0x1] =	stream.indirect_vreg.gather [hbm4b:s1+s5], $0x80, v57, vm0, $0xb8;
	[tilespmem:$0x1B100] =	vst v63  }
0x141: {  	s13 =	simm.s32 $0xF900;
	v56 =	vadd.s32 v53, v56  }
0x142: {  	[tilespmem:s13], [sflag:$0x1] =	stream.indirect_vreg.gather [hbm4b:s6+s5], $0x80, v57, vm0, $0xb8;
	[tilespmem:$0x1B100] =	vst v63  }
0x143: {  	s15 =	simm.s32 $0x10100  }
0x144: {  	[tilespmem:s15], [sflag:$0x1] =	stream.indirect_vreg.gather [hbm4b:s7+s5], $0x80, v57, vm0, $0xb8;
	[tilespmem:$0x1B100] =	vst v63  }
0x145: {  	s16 =	simm.s32 $0x10900  }
0x146: {  	[tilespmem:s16], [sflag:$0x1] =	stream.indirect_vreg.gather [hbm4b:s1+s5], $0x80, v56, vm0, $0xb8;
	[tilespmem:$0x1B100] =	vst v63  }
0x147: {  	s18 =	simm.s32 $0x11100  }
0x148: {  	[tilespmem:s18], [sflag:$0x1] =	stream.indirect_vreg.gather [hbm4b:s6+s5], $0x80, v56, vm0, $0xb8;
	[tilespmem:$0x1B100] =	vst v63  }
0x149: {  	s19 =	simm.s32 $0x11900  }
0x14a: {  	[tilespmem:s19], [sflag:$0x1] =	stream.indirect_vreg.gather [hbm4b:s7+s5], $0x80, v56, vm0, $0xb8;
	[tilespmem:$0x1B100] =	vst v63  }
0x14b: {  	_ =	swait.ge [sflag:s12], $0x6000  }
0x14c: {  	[sflag:s12] =	ssyncset.done $0x0  }
0x14d: {  	v62 =	vperm.xlane v25, v54;
	[sflag:s12] =	ssyncadd.s32 $0xFFFFA000  }
0x14e: {  	_ =	swait.ge [sflag:s0], $0x6000  }
0x14f: {  	v56 =	vadd.s32 v53, v62;
	[sflag:s0] =	ssyncset.done $0x0  }
0x150: {  	s19 =	rddreg [dreg:$0xd];
	[sflag:s0] =	ssyncadd.s32 $0xFFFFA000  }
0x151: {  	[hbm4b:s19+s5] =	stream.linear.scatter [tilespmem:s17], [sflag:$0x3], $0x6000, $0x38;
	[tilespmem:$0x1B100] =	vst v63  }
0x152: {  	[tilespmem:$0x80] =	vst v20  }
0x153: {  	v63 =	vperm.xlane v25, v55;
	[tilespmem:$0x90] =	vst v23  }
0x154: {  	[tilespmem:s14], [sflag:$0x1] =	stream.indirect_vreg.gather [hbm4b:s1+s5], $0x80, v56, vm0, $0xb8;
	[tilespmem:$0x1B100] =	vst v63  }
0x155: {  	v57 =	vadd.s32 v53, v63;
	s19 =	simm.s32 $0x12900  }
0x156: {  	[tilespmem:s19], [sflag:$0x1] =	stream.indirect_vreg.gather [hbm4b:s6+s5], $0x80, v56, vm0, $0xb8;
	[tilespmem:$0x1B100] =	vst v63  }
0x157: {  	s28 =	simm.s32 $0x13100  }
0x158: {  	[tilespmem:s28], [sflag:$0x1] =	stream.indirect_vreg.gather [hbm4b:s7+s5], $0x80, v56, vm0, $0xb8;
	[tilespmem:$0x1B100] =	vst v63  }
0x159: {  	s24 =	simm.s32 $0x13900  }
0x15a: {  	[tilespmem:s24], [sflag:$0x1] =	stream.indirect_vreg.gather [hbm4b:s1+s5], $0x80, v57, vm0, $0xb8;
	[tilespmem:$0x1B100] =	vst v63  }
0x15b: {  	s26 =	simm.s32 $0x14100  }
0x15c: {  	[tilespmem:s26], [sflag:$0x1] =	stream.indirect_vreg.gather [hbm4b:s6+s5], $0x80, v57, vm0, $0xb8;
	[tilespmem:$0x1B100] =	vst v63  }
0x15d: {  	s28 =	simm.s32 $0x14900  }
0x15e: {  	[tilespmem:s28], [sflag:$0x1] =	stream.indirect_vreg.gather [hbm4b:s7+s5], $0x80, v57, vm0, $0xb8;
	[tilespmem:$0x1B100] =	vst v63  }
0x15f: {  	v56 =	vld [tilespmem:$0x90];
	_ =	sdelay $0x4  }
0x160: {  	v60 =	vshrl.u32 v56, $0x3  }
0x161: {  	v57 =	vmul.u32 $0x30, v60  }
0x162: {  	v56 =	vand.u32 $0x7, v56  }
0x163: {  	v56 =	vor.u32 v56, v57  }
0x164: {  	v57 =	vperm.xlane v56, v54;
	_ =	sdelay $0x1  }
0x165: {  	v57 =	vadd.s32 v53, v57;
	_ =	sdelay $0x3  }
0x166: {  	s28 =	simm.s32 $0x15100;
	v56 =	vperm.xlane v56, v55  }
0x167: {  	[tilespmem:s28], [sflag:$0x1] =	stream.indirect_vreg.gather [hbm4b:s1+s5], $0x80, v57, vm0, $0xb8;
	[tilespmem:$0x1B100] =	vst v63  }
0x168: {  	s30 =	simm.s32 $0x15900;
	v56 =	vadd.s32 v53, v56  }
0x169: {  	[tilespmem:s30], [sflag:$0x1] =	stream.indirect_vreg.gather [hbm4b:s6+s5], $0x80, v57, vm0, $0xb8;
	[tilespmem:$0x1B100] =	vst v63  }
0x16a: {  	s23 =	simm.s32 $0x16100  }
0x16b: {  	[tilespmem:s23], [sflag:$0x1] =	stream.indirect_vreg.gather [hbm4b:s7+s5], $0x80, v57, vm0, $0xb8;
	[tilespmem:$0x1B100] =	vst v63  }
0x16c: {  	s29 =	simm.s32 $0x16900  }
0x16d: {  	[tilespmem:s29], [sflag:$0x1] =	stream.indirect_vreg.gather [hbm4b:s1+s5], $0x80, v56, vm0, $0xb8;
	[tilespmem:$0x1B100] =	vst v63  }
0x16e: {  	s22 =	simm.s32 $0x17100  }
0x16f: {  	[tilespmem:s22], [sflag:$0x1] =	stream.indirect_vreg.gather [hbm4b:s6+s5], $0x80, v56, vm0, $0xb8;
	[tilespmem:$0x1B100] =	vst v63  }
0x170: {  	s29 =	simm.s32 $0x17900  }
0x171: {  	[tilespmem:s29], [sflag:$0x1] =	stream.indirect_vreg.gather [hbm4b:s7+s5], $0x80, v56, vm0, $0xb8;
	[tilespmem:$0x1B100] =	vst v63  }
0x172: {  	_ =	swait.ge [sflag:s12], $0x6000  }
0x173: {  	[sflag:s12] =	ssyncset.done $0x0  }
0x174: {  	v61 =	vperm.xlane v29, v54;
	[sflag:s12] =	ssyncadd.s32 $0xFFFFA000  }
0x175: {  	_ =	swait.ge [sflag:s0], $0x6000  }
0x176: {  	v56 =	vadd.s32 v53, v61;
	[sflag:s0] =	ssyncset.done $0x0  }
0x177: {  	s29 =	rddreg [dreg:$0xe];
	[sflag:s0] =	ssyncadd.s32 $0xFFFFA000  }
0x178: {  	[hbm4b:s29+s5] =	stream.linear.scatter [tilespmem:s14], [sflag:$0x3], $0x6000, $0x38;
	[tilespmem:$0x1B100] =	vst v63  }
0x179: {  	[tilespmem:$0x80] =	vst v24  }
0x17a: {  	v62 =	vperm.xlane v29, v55;
	[tilespmem:$0x90] =	vst v26  }
0x17b: {  	[tilespmem:s17], [sflag:$0x1] =	stream.indirect_vreg.gather [hbm4b:s1+s5], $0x80, v56, vm0, $0xb8;
	[tilespmem:$0x1B100] =	vst v63  }
0x17c: {  	s21 =	simm.s32 $0xC900;
	v57 =	vadd.s32 v53, v62  }
0x17d: {  	[tilespmem:s21], [sflag:$0x1] =	stream.indirect_vreg.gather [hbm4b:s6+s5], $0x80, v56, vm0, $0xb8;
	[tilespmem:$0x1B100] =	vst v63  }
0x17e: {  	s31 =	simm.s32 $0xD100  }
0x17f: {  	[tilespmem:s31], [sflag:$0x1] =	stream.indirect_vreg.gather [hbm4b:s7+s5], $0x80, v56, vm0, $0xb8;
	[tilespmem:$0x1B100] =	vst v63  }
0x180: {  	s9 =	simm.s32 $0xD900  }
0x181: {  	[tilespmem:s9], [sflag:$0x1] =	stream.indirect_vreg.gather [hbm4b:s1+s5], $0x80, v57, vm0, $0xb8;
	[tilespmem:$0x1B100] =	vst v63  }
0x182: {  	s10 =	simm.s32 $0xE100  }
0x183: {  	[tilespmem:s10], [sflag:$0x1] =	stream.indirect_vreg.gather [hbm4b:s6+s5], $0x80, v57, vm0, $0xb8;
	[tilespmem:$0x1B100] =	vst v63  }
0x184: {  	s3 =	simm.s32 $0xE900  }
0x185: {  	[tilespmem:s3], [sflag:$0x1] =	stream.indirect_vreg.gather [hbm4b:s7+s5], $0x80, v57, vm0, $0xb8;
	[tilespmem:$0x1B100] =	vst v63  }
0x186: {  	v56 =	vld [tilespmem:$0x90];
	_ =	sdelay $0x4  }
0x187: {  	v63 =	vshrl.u32 v56, $0x3  }
0x188: {  	v57 =	vmul.u32 $0x30, v63  }
0x189: {  	v56 =	vand.u32 $0x7, v56  }
0x18a: {  	v56 =	vor.u32 v56, v57  }
0x18b: {  	v57 =	vperm.xlane v56, v54;
	_ =	sdelay $0x1  }
0x18c: {  	v57 =	vadd.s32 v53, v57;
	_ =	sdelay $0x3  }
0x18d: {  	s20 =	simm.s32 $0xF100;
	v56 =	vperm.xlane v56, v55  }
0x18e: {  	[tilespmem:s20], [sflag:$0x1] =	stream.indirect_vreg.gather [hbm4b:s1+s5], $0x80, v57, vm0, $0xb8;
	[tilespmem:$0x1B100] =	vst v63  }
0x18f: {  	s4 =	simm.s32 $0xF900;
	v56 =	vadd.s32 v53, v56  }
0x190: {  	[tilespmem:s4], [sflag:$0x1] =	stream.indirect_vreg.gather [hbm4b:s6+s5], $0x80, v57, vm0, $0xb8;
	[tilespmem:$0x1B100] =	vst v63  }
0x191: {  	s13 =	simm.s32 $0x10100  }
0x192: {  	[tilespmem:s13], [sflag:$0x1] =	stream.indirect_vreg.gather [hbm4b:s7+s5], $0x80, v57, vm0, $0xb8;
	[tilespmem:$0x1B100] =	vst v63  }
0x193: {  	s15 =	simm.s32 $0x10900  }
0x194: {  	[tilespmem:s15], [sflag:$0x1] =	stream.indirect_vreg.gather [hbm4b:s1+s5], $0x80, v56, vm0, $0xb8;
	[tilespmem:$0x1B100] =	vst v63  }
0x195: {  	s16 =	simm.s32 $0x11100  }
0x196: {  	[tilespmem:s16], [sflag:$0x1] =	stream.indirect_vreg.gather [hbm4b:s6+s5], $0x80, v56, vm0, $0xb8;
	[tilespmem:$0x1B100] =	vst v63  }
0x197: {  	s18 =	simm.s32 $0x11900  }
0x198: {  	[tilespmem:s18], [sflag:$0x1] =	stream.indirect_vreg.gather [hbm4b:s7+s5], $0x80, v56, vm0, $0xb8;
	[tilespmem:$0x1B100] =	vst v63  }
0x199: {  	_ =	swait.ge [sflag:s12], $0x6000  }
0x19a: {  	[sflag:s12] =	ssyncset.done $0x0  }
0x19b: {  	v60 =	vperm.xlane v31, v54;
	[sflag:s12] =	ssyncadd.s32 $0xFFFFA000  }
0x19c: {  	_ =	swait.ge [sflag:s0], $0x6000  }
0x19d: {  	v56 =	vadd.s32 v53, v60;
	[sflag:s0] =	ssyncset.done $0x0  }
0x19e: {  	s31 =	rddreg [dreg:$0xf];
	[sflag:s0] =	ssyncadd.s32 $0xFFFFA000  }
0x19f: {  	[hbm4b:s31+s5] =	stream.linear.scatter [tilespmem:s17], [sflag:$0x3], $0x6000, $0x38;
	[tilespmem:$0x1B100] =	vst v63  }
0x1a0: {  	[tilespmem:$0x80] =	vst v27  }
0x1a1: {  	v61 =	vperm.xlane v31, v55;
	[tilespmem:$0x90] =	vst v28  }
0x1a2: {  	[tilespmem:s14], [sflag:$0x1] =	stream.indirect_vreg.gather [hbm4b:s1+s5], $0x80, v56, vm0, $0xb8;
	[tilespmem:$0x1B100] =	vst v63  }
0x1a3: {  	v57 =	vadd.s32 v53, v61;
	s31 =	simm.s32 $0x12900  }
0x1a4: {  	[tilespmem:s31], [sflag:$0x1] =	stream.indirect_vreg.gather [hbm4b:s6+s5], $0x80, v56, vm0, $0xb8;
	[tilespmem:$0x1B100] =	vst v63  }
0x1a5: {  	s19 =	simm.s32 $0x13100  }
0x1a6: {  	[tilespmem:s19], [sflag:$0x1] =	stream.indirect_vreg.gather [hbm4b:s7+s5], $0x80, v56, vm0, $0xb8;
	[tilespmem:$0x1B100] =	vst v63  }
0x1a7: {  	s24 =	simm.s32 $0x13900  }
0x1a8: {  	[tilespmem:s24], [sflag:$0x1] =	stream.indirect_vreg.gather [hbm4b:s1+s5], $0x80, v57, vm0, $0xb8;
	[tilespmem:$0x1B100] =	vst v63  }
0x1a9: {  	s26 =	simm.s32 $0x14100  }
0x1aa: {  	[tilespmem:s26], [sflag:$0x1] =	stream.indirect_vreg.gather [hbm4b:s6+s5], $0x80, v57, vm0, $0xb8;
	[tilespmem:$0x1B100] =	vst v63  }
0x1ab: {  	s26 =	simm.s32 $0x14900  }
0x1ac: {  	[tilespmem:s26], [sflag:$0x1] =	stream.indirect_vreg.gather [hbm4b:s7+s5], $0x80, v57, vm0, $0xb8;
	[tilespmem:$0x1B100] =	vst v63  }
0x1ad: {  	v56 =	vld [tilespmem:$0x90];
	_ =	sdelay $0x4  }
0x1ae: {  	v62 =	vshrl.u32 v56, $0x3  }
0x1af: {  	v57 =	vmul.u32 $0x30, v62  }
0x1b0: {  	v56 =	vand.u32 $0x7, v56  }
0x1b1: {  	v56 =	vor.u32 v56, v57  }
0x1b2: {  	v57 =	vperm.xlane v56, v54;
	_ =	sdelay $0x1  }
0x1b3: {  	v57 =	vadd.s32 v53, v57;
	_ =	sdelay $0x3  }
0x1b4: {  	s26 =	simm.s32 $0x15100;
	v56 =	vperm.xlane v56, v55  }
0x1b5: {  	[tilespmem:s26], [sflag:$0x1] =	stream.indirect_vreg.gather [hbm4b:s1+s5], $0x80, v57, vm0, $0xb8;
	[tilespmem:$0x1B100] =	vst v63  }
0x1b6: {  	s28 =	simm.s32 $0x15900;
	v56 =	vadd.s32 v53, v56  }
0x1b7: {  	[tilespmem:s28], [sflag:$0x1] =	stream.indirect_vreg.gather [hbm4b:s6+s5], $0x80, v57, vm0, $0xb8;
	[tilespmem:$0x1B100] =	vst v63  }
0x1b8: {  	s30 =	simm.s32 $0x16100  }
0x1b9: {  	[tilespmem:s30], [sflag:$0x1] =	stream.indirect_vreg.gather [hbm4b:s7+s5], $0x80, v57, vm0, $0xb8;
	[tilespmem:$0x1B100] =	vst v63  }
0x1ba: {  	s23 =	simm.s32 $0x16900  }
0x1bb: {  	[tilespmem:s23], [sflag:$0x1] =	stream.indirect_vreg.gather [hbm4b:s1+s5], $0x80, v56, vm0, $0xb8;
	[tilespmem:$0x1B100] =	vst v63  }
0x1bc: {  	s22 =	simm.s32 $0x17100  }
0x1bd: {  	[tilespmem:s22], [sflag:$0x1] =	stream.indirect_vreg.gather [hbm4b:s6+s5], $0x80, v56, vm0, $0xb8;
	[tilespmem:$0x1B100] =	vst v63  }
0x1be: {  	s22 =	simm.s32 $0x17900  }
0x1bf: {  	[tilespmem:s22], [sflag:$0x1] =	stream.indirect_vreg.gather [hbm4b:s7+s5], $0x80, v56, vm0, $0xb8;
	[tilespmem:$0x1B100] =	vst v63  }
0x1c0: {  	_ =	swait.ge [sflag:s12], $0x6000  }
0x1c1: {  	[sflag:s12] =	ssyncset.done $0x0  }
0x1c2: {  	v63 =	vperm.xlane v34, v54;
	[sflag:s12] =	ssyncadd.s32 $0xFFFFA000  }
0x1c3: {  	_ =	swait.ge [sflag:s0], $0x6000  }
0x1c4: {  	v56 =	vadd.s32 v53, v63;
	[sflag:s0] =	ssyncset.done $0x0  }
0x1c5: {  	s28 =	rddreg [dreg:$0x10];
	[sflag:s0] =	ssyncadd.s32 $0xFFFFA000  }
0x1c6: {  	[hbm4b:s28+s5] =	stream.linear.scatter [tilespmem:s14], [sflag:$0x3], $0x6000, $0x38;
	[tilespmem:$0x1B100] =	vst v63  }
0x1c7: {  	[tilespmem:$0x80] =	vst v30  }
0x1c8: {  	v60 =	vperm.xlane v34, v55;
	[tilespmem:$0x90] =	vst v32  }
0x1c9: {  	[tilespmem:s17], [sflag:$0x1] =	stream.indirect_vreg.gather [hbm4b:s1+s5], $0x80, v56, vm0, $0xb8;
	[tilespmem:$0x1B100] =	vst v63  }
0x1ca: {  	s21 =	simm.s32 $0xC900;
	v57 =	vadd.s32 v53, v60  }
0x1cb: {  	[tilespmem:s21], [sflag:$0x1] =	stream.indirect_vreg.gather [hbm4b:s6+s5], $0x80, v56, vm0, $0xb8;
	[tilespmem:$0x1B100] =	vst v63  }
0x1cc: {  	s29 =	simm.s32 $0xD100  }
0x1cd: {  	[tilespmem:s29], [sflag:$0x1] =	stream.indirect_vreg.gather [hbm4b:s7+s5], $0x80, v56, vm0, $0xb8;
	[tilespmem:$0x1B100] =	vst v63  }
0x1ce: {  	s9 =	simm.s32 $0xD900  }
0x1cf: {  	[tilespmem:s9], [sflag:$0x1] =	stream.indirect_vreg.gather [hbm4b:s1+s5], $0x80, v57, vm0, $0xb8;
	[tilespmem:$0x1B100] =	vst v63  }
0x1d0: {  	s10 =	simm.s32 $0xE100  }
0x1d1: {  	[tilespmem:s10], [sflag:$0x1] =	stream.indirect_vreg.gather [hbm4b:s6+s5], $0x80, v57, vm0, $0xb8;
	[tilespmem:$0x1B100] =	vst v63  }
0x1d2: {  	s3 =	simm.s32 $0xE900  }
0x1d3: {  	[tilespmem:s3], [sflag:$0x1] =	stream.indirect_vreg.gather [hbm4b:s7+s5], $0x80, v57, vm0, $0xb8;
	[tilespmem:$0x1B100] =	vst v63  }
0x1d4: {  	v56 =	vld [tilespmem:$0x90];
	_ =	sdelay $0x4  }
0x1d5: {  	v61 =	vshrl.u32 v56, $0x3  }
0x1d6: {  	v57 =	vmul.u32 $0x30, v61  }
0x1d7: {  	v56 =	vand.u32 $0x7, v56  }
0x1d8: {  	v56 =	vor.u32 v56, v57  }
0x1d9: {  	v57 =	vperm.xlane v56, v54;
	_ =	sdelay $0x1  }
0x1da: {  	v57 =	vadd.s32 v53, v57;
	_ =	sdelay $0x3  }
0x1db: {  	s20 =	simm.s32 $0xF100;
	v56 =	vperm.xlane v56, v55  }
0x1dc: {  	[tilespmem:s20], [sflag:$0x1] =	stream.indirect_vreg.gather [hbm4b:s1+s5], $0x80, v57, vm0, $0xb8;
	[tilespmem:$0x1B100] =	vst v63  }
0x1dd: {  	s4 =	simm.s32 $0xF900;
	v56 =	vadd.s32 v53, v56  }
0x1de: {  	[tilespmem:s4], [sflag:$0x1] =	stream.indirect_vreg.gather [hbm4b:s6+s5], $0x80, v57, vm0, $0xb8;
	[tilespmem:$0x1B100] =	vst v63  }
0x1df: {  	s13 =	simm.s32 $0x10100  }
0x1e0: {  	[tilespmem:s13], [sflag:$0x1] =	stream.indirect_vreg.gather [hbm4b:s7+s5], $0x80, v57, vm0, $0xb8;
	[tilespmem:$0x1B100] =	vst v63  }
0x1e1: {  	s15 =	simm.s32 $0x10900  }
0x1e2: {  	[tilespmem:s15], [sflag:$0x1] =	stream.indirect_vreg.gather [hbm4b:s1+s5], $0x80, v56, vm0, $0xb8;
	[tilespmem:$0x1B100] =	vst v63  }
0x1e3: {  	s16 =	simm.s32 $0x11100  }
0x1e4: {  	[tilespmem:s16], [sflag:$0x1] =	stream.indirect_vreg.gather [hbm4b:s6+s5], $0x80, v56, vm0, $0xb8;
	[tilespmem:$0x1B100] =	vst v63  }
0x1e5: {  	s18 =	simm.s32 $0x11900  }
0x1e6: {  	[tilespmem:s18], [sflag:$0x1] =	stream.indirect_vreg.gather [hbm4b:s7+s5], $0x80, v56, vm0, $0xb8;
	[tilespmem:$0x1B100] =	vst v63  }
0x1e7: {  	_ =	swait.ge [sflag:s12], $0x6000  }
0x1e8: {  	[sflag:s12] =	ssyncset.done $0x0  }
0x1e9: {  	v62 =	vperm.xlane v38, v54;
	[sflag:s12] =	ssyncadd.s32 $0xFFFFA000  }
0x1ea: {  	_ =	swait.ge [sflag:s0], $0x6000  }
0x1eb: {  	v56 =	vadd.s32 v53, v62;
	[sflag:s0] =	ssyncset.done $0x0  }
0x1ec: {  	s29 =	rddreg [dreg:$0x15];
	[sflag:s0] =	ssyncadd.s32 $0xFFFFA000  }
0x1ed: {  	[hbm4b:s29+s5] =	stream.linear.scatter [tilespmem:s17], [sflag:$0x3], $0x6000, $0x38;
	[tilespmem:$0x1B100] =	vst v63  }
0x1ee: {  	[tilespmem:$0x80] =	vst v33  }
0x1ef: {  	v63 =	vperm.xlane v38, v55;
	[tilespmem:$0x90] =	vst v35  }
0x1f0: {  	[tilespmem:s14], [sflag:$0x1] =	stream.indirect_vreg.gather [hbm4b:s1+s5], $0x80, v56, vm0, $0xb8;
	[tilespmem:$0x1B100] =	vst v63  }
0x1f1: {  	s31 =	simm.s32 $0x12900;
	v57 =	vadd.s32 v53, v63  }
0x1f2: {  	[tilespmem:s31], [sflag:$0x1] =	stream.indirect_vreg.gather [hbm4b:s6+s5], $0x80, v56, vm0, $0xb8;
	[tilespmem:$0x1B100] =	vst v63  }
0x1f3: {  	s18 =	simm.s32 $0x13100  }
0x1f4: {  	[tilespmem:s18], [sflag:$0x1] =	stream.indirect_vreg.gather [hbm4b:s7+s5], $0x80, v56, vm0, $0xb8;
	[tilespmem:$0x1B100] =	vst v63  }
0x1f5: {  	s19 =	simm.s32 $0x13900  }
0x1f6: {  	[tilespmem:s19], [sflag:$0x1] =	stream.indirect_vreg.gather [hbm4b:s1+s5], $0x80, v57, vm0, $0xb8;
	[tilespmem:$0x1B100] =	vst v63  }
0x1f7: {  	s24 =	simm.s32 $0x14100  }
0x1f8: {  	[tilespmem:s24], [sflag:$0x1] =	stream.indirect_vreg.gather [hbm4b:s6+s5], $0x80, v57, vm0, $0xb8;
	[tilespmem:$0x1B100] =	vst v63  }
0x1f9: {  	s24 =	simm.s32 $0x14900  }
0x1fa: {  	[tilespmem:s24], [sflag:$0x1] =	stream.indirect_vreg.gather [hbm4b:s7+s5], $0x80, v57, vm0, $0xb8;
	[tilespmem:$0x1B100] =	vst v63  }
0x1fb: {  	v56 =	vld [tilespmem:$0x90];
	_ =	sdelay $0x4  }
0x1fc: {  	v60 =	vshrl.u32 v56, $0x3  }
0x1fd: {  	v57 =	vmul.u32 $0x30, v60  }
0x1fe: {  	v56 =	vand.u32 $0x7, v56  }
0x1ff: {  	v56 =	vor.u32 v56, v57  }
0x200: {  	v57 =	vperm.xlane v56, v54;
	_ =	sdelay $0x1  }
0x201: {  	v57 =	vadd.s32 v53, v57;
	_ =	sdelay $0x3  }
0x202: {  	s29 =	simm.s32 $0x15100;
	v56 =	vperm.xlane v56, v55  }
0x203: {  	[tilespmem:s29], [sflag:$0x1] =	stream.indirect_vreg.gather [hbm4b:s1+s5], $0x80, v57, vm0, $0xb8;
	[tilespmem:$0x1B100] =	vst v63  }
0x204: {  	s26 =	simm.s32 $0x15900;
	v56 =	vadd.s32 v53, v56  }
0x205: {  	[tilespmem:s26], [sflag:$0x1] =	stream.indirect_vreg.gather [hbm4b:s6+s5], $0x80, v57, vm0, $0xb8;
	[tilespmem:$0x1B100] =	vst v63  }
0x206: {  	s30 =	simm.s32 $0x16100  }
0x207: {  	[tilespmem:s30], [sflag:$0x1] =	stream.indirect_vreg.gather [hbm4b:s7+s5], $0x80, v57, vm0, $0xb8;
	[tilespmem:$0x1B100] =	vst v63  }
0x208: {  	s23 =	simm.s32 $0x16900  }
0x209: {  	[tilespmem:s23], [sflag:$0x1] =	stream.indirect_vreg.gather [hbm4b:s1+s5], $0x80, v56, vm0, $0xb8;
	[tilespmem:$0x1B100] =	vst v63  }
0x20a: {  	s30 =	simm.s32 $0x17100  }
0x20b: {  	[tilespmem:s30], [sflag:$0x1] =	stream.indirect_vreg.gather [hbm4b:s6+s5], $0x80, v56, vm0, $0xb8;
	[tilespmem:$0x1B100] =	vst v63  }
0x20c: {  	s29 =	simm.s32 $0x17900  }
0x20d: {  	[tilespmem:s29], [sflag:$0x1] =	stream.indirect_vreg.gather [hbm4b:s7+s5], $0x80, v56, vm0, $0xb8;
	[tilespmem:$0x1B100] =	vst v63  }
0x20e: {  	_ =	swait.ge [sflag:s12], $0x6000  }
0x20f: {  	[sflag:s12] =	ssyncset.done $0x0  }
0x210: {  	v61 =	vperm.xlane v40, v54;
	[sflag:s12] =	ssyncadd.s32 $0xFFFFA000  }
0x211: {  	_ =	swait.ge [sflag:s0], $0x6000  }
0x212: {  	v56 =	vadd.s32 v53, v61;
	[sflag:s0] =	ssyncset.done $0x0  }
0x213: {  	s30 =	rddreg [dreg:$0x16];
	[sflag:s0] =	ssyncadd.s32 $0xFFFFA000  }
0x214: {  	[hbm4b:s30+s5] =	stream.linear.scatter [tilespmem:s14], [sflag:$0x3], $0x6000, $0x38;
	[tilespmem:$0x1B100] =	vst v63  }
0x215: {  	[tilespmem:$0x80] =	vst v36  }
0x216: {  	v62 =	vperm.xlane v40, v55;
	[tilespmem:$0x90] =	vst v37  }
0x217: {  	[tilespmem:s17], [sflag:$0x1] =	stream.indirect_vreg.gather [hbm4b:s1+s5], $0x80, v56, vm0, $0xb8;
	[tilespmem:$0x1B100] =	vst v63  }
0x218: {  	s21 =	simm.s32 $0xC900;
	v57 =	vadd.s32 v53, v62  }
0x219: {  	[tilespmem:s21], [sflag:$0x1] =	stream.indirect_vreg.gather [hbm4b:s6+s5], $0x80, v56, vm0, $0xb8;
	[tilespmem:$0x1B100] =	vst v63  }
0x21a: {  	s22 =	simm.s32 $0xD100  }
0x21b: {  	[tilespmem:s22], [sflag:$0x1] =	stream.indirect_vreg.gather [hbm4b:s7+s5], $0x80, v56, vm0, $0xb8;
	[tilespmem:$0x1B100] =	vst v63  }
0x21c: {  	s9 =	simm.s32 $0xD900  }
0x21d: {  	[tilespmem:s9], [sflag:$0x1] =	stream.indirect_vreg.gather [hbm4b:s1+s5], $0x80, v57, vm0, $0xb8;
	[tilespmem:$0x1B100] =	vst v63  }
0x21e: {  	s10 =	simm.s32 $0xE100  }
0x21f: {  	[tilespmem:s10], [sflag:$0x1] =	stream.indirect_vreg.gather [hbm4b:s6+s5], $0x80, v57, vm0, $0xb8;
	[tilespmem:$0x1B100] =	vst v63  }
0x220: {  	s28 =	simm.s32 $0xE900  }
0x221: {  	[tilespmem:s28], [sflag:$0x1] =	stream.indirect_vreg.gather [hbm4b:s7+s5], $0x80, v57, vm0, $0xb8;
	[tilespmem:$0x1B100] =	vst v63  }
0x222: {  	v56 =	vld [tilespmem:$0x90];
	_ =	sdelay $0x4  }
0x223: {  	v63 =	vshrl.u32 v56, $0x3  }
0x224: {  	v57 =	vmul.u32 $0x30, v63  }
0x225: {  	v56 =	vand.u32 $0x7, v56  }
0x226: {  	v56 =	vor.u32 v56, v57  }
0x227: {  	v57 =	vperm.xlane v56, v54;
	_ =	sdelay $0x1  }
0x228: {  	v57 =	vadd.s32 v53, v57;
	_ =	sdelay $0x3  }
0x229: {  	s20 =	simm.s32 $0xF100;
	v56 =	vperm.xlane v56, v55  }
0x22a: {  	[tilespmem:s20], [sflag:$0x1] =	stream.indirect_vreg.gather [hbm4b:s1+s5], $0x80, v57, vm0, $0xb8;
	[tilespmem:$0x1B100] =	vst v63  }
0x22b: {  	s3 =	simm.s32 $0xF900;
	v56 =	vadd.s32 v53, v56  }
0x22c: {  	[tilespmem:s3], [sflag:$0x1] =	stream.indirect_vreg.gather [hbm4b:s6+s5], $0x80, v57, vm0, $0xb8;
	[tilespmem:$0x1B100] =	vst v63  }
0x22d: {  	s4 =	simm.s32 $0x10100  }
0x22e: {  	[tilespmem:s4], [sflag:$0x1] =	stream.indirect_vreg.gather [hbm4b:s7+s5], $0x80, v57, vm0, $0xb8;
	[tilespmem:$0x1B100] =	vst v63  }
0x22f: {  	s15 =	simm.s32 $0x10900  }
0x230: {  	[tilespmem:s15], [sflag:$0x1] =	stream.indirect_vreg.gather [hbm4b:s1+s5], $0x80, v56, vm0, $0xb8;
	[tilespmem:$0x1B100] =	vst v63  }
0x231: {  	s13 =	simm.s32 $0x11100  }
0x232: {  	[tilespmem:s13], [sflag:$0x1] =	stream.indirect_vreg.gather [hbm4b:s6+s5], $0x80, v56, vm0, $0xb8;
	[tilespmem:$0x1B100] =	vst v63  }
0x233: {  	s16 =	simm.s32 $0x11900  }
0x234: {  	[tilespmem:s16], [sflag:$0x1] =	stream.indirect_vreg.gather [hbm4b:s7+s5], $0x80, v56, vm0, $0xb8;
	[tilespmem:$0x1B100] =	vst v63  }
0x235: {  	_ =	swait.ge [sflag:s12], $0x6000  }
0x236: {  	[sflag:s12] =	ssyncset.done $0x0  }
0x237: {  	v60 =	vperm.xlane v43, v54;
	[sflag:s12] =	ssyncadd.s32 $0xFFFFA000  }
0x238: {  	_ =	swait.ge [sflag:s0], $0x6000  }
0x239: {  	v56 =	vadd.s32 v53, v60;
	[sflag:s0] =	ssyncset.done $0x0  }
0x23a: {  	s15 =	rddreg [dreg:$0x17];
	[sflag:s0] =	ssyncadd.s32 $0xFFFFA000  }
0x23b: {  	[hbm4b:s15+s5] =	stream.linear.scatter [tilespmem:s17], [sflag:$0x3], $0x6000, $0x38;
	[tilespmem:$0x1B100] =	vst v63  }
0x23c: {  	[tilespmem:$0x80] =	vst v39  }
0x23d: {  	v61 =	vperm.xlane v43, v55;
	[tilespmem:$0x90] =	vst v42  }
0x23e: {  	[tilespmem:s14], [sflag:$0x1] =	stream.indirect_vreg.gather [hbm4b:s1+s5], $0x80, v56, vm0, $0xb8;
	[tilespmem:$0x1B100] =	vst v63  }
0x23f: {  	s31 =	simm.s32 $0x12900;
	v57 =	vadd.s32 v53, v61  }
0x240: {  	[tilespmem:s31], [sflag:$0x1] =	stream.indirect_vreg.gather [hbm4b:s6+s5], $0x80, v56, vm0, $0xb8;
	[tilespmem:$0x1B100] =	vst v63  }
0x241: {  	s16 =	simm.s32 $0x13100  }
0x242: {  	[tilespmem:s16], [sflag:$0x1] =	stream.indirect_vreg.gather [hbm4b:s7+s5], $0x80, v56, vm0, $0xb8;
	[tilespmem:$0x1B100] =	vst v63  }
0x243: {  	s18 =	simm.s32 $0x13900  }
0x244: {  	[tilespmem:s18], [sflag:$0x1] =	stream.indirect_vreg.gather [hbm4b:s1+s5], $0x80, v57, vm0, $0xb8;
	[tilespmem:$0x1B100] =	vst v63  }
0x245: {  	s19 =	simm.s32 $0x14100  }
0x246: {  	[tilespmem:s19], [sflag:$0x1] =	stream.indirect_vreg.gather [hbm4b:s6+s5], $0x80, v57, vm0, $0xb8;
	[tilespmem:$0x1B100] =	vst v63  }
0x247: {  	s19 =	simm.s32 $0x14900  }
0x248: {  	[tilespmem:s19], [sflag:$0x1] =	stream.indirect_vreg.gather [hbm4b:s7+s5], $0x80, v57, vm0, $0xb8;
	[tilespmem:$0x1B100] =	vst v63  }
0x249: {  	v56 =	vld [tilespmem:$0x90];
	_ =	sdelay $0x4  }
0x24a: {  	v62 =	vshrl.u32 v56, $0x3  }
0x24b: {  	v57 =	vmul.u32 $0x30, v62  }
0x24c: {  	v56 =	vand.u32 $0x7, v56  }
0x24d: {  	v56 =	vor.u32 v56, v57  }
0x24e: {  	v57 =	vperm.xlane v56, v54;
	_ =	sdelay $0x1  }
0x24f: {  	v57 =	vadd.s32 v53, v57;
	_ =	sdelay $0x3  }
0x250: {  	s3 =	simm.s32 $0x15100;
	v56 =	vperm.xlane v56, v55  }
0x251: {  	[tilespmem:s3], [sflag:$0x1] =	stream.indirect_vreg.gather [hbm4b:s1+s5], $0x80, v57, vm0, $0xb8;
	[tilespmem:$0x1B100] =	vst v63  }
0x252: {  	s26 =	simm.s32 $0x15900;
	v56 =	vadd.s32 v53, v56  }
0x253: {  	[tilespmem:s26], [sflag:$0x1] =	stream.indirect_vreg.gather [hbm4b:s6+s5], $0x80, v57, vm0, $0xb8;
	[tilespmem:$0x1B100] =	vst v63  }
0x254: {  	s24 =	simm.s32 $0x16100  }
0x255: {  	[tilespmem:s24], [sflag:$0x1] =	stream.indirect_vreg.gather [hbm4b:s7+s5], $0x80, v57, vm0, $0xb8;
	[tilespmem:$0x1B100] =	vst v63  }
0x256: {  	s23 =	simm.s32 $0x16900  }
0x257: {  	[tilespmem:s23], [sflag:$0x1] =	stream.indirect_vreg.gather [hbm4b:s1+s5], $0x80, v56, vm0, $0xb8;
	[tilespmem:$0x1B100] =	vst v63  }
0x258: {  	s18 =	simm.s32 $0x17100  }
0x259: {  	[tilespmem:s18], [sflag:$0x1] =	stream.indirect_vreg.gather [hbm4b:s6+s5], $0x80, v56, vm0, $0xb8;
	[tilespmem:$0x1B100] =	vst v63  }
0x25a: {  	s23 =	simm.s32 $0x17900  }
0x25b: {  	[tilespmem:s23], [sflag:$0x1] =	stream.indirect_vreg.gather [hbm4b:s7+s5], $0x80, v56, vm0, $0xb8;
	[tilespmem:$0x1B100] =	vst v63  }
0x25c: {  	_ =	swait.ge [sflag:s12], $0x6000  }
0x25d: {  	[sflag:s12] =	ssyncset.done $0x0  }
0x25e: {  	v63 =	vperm.xlane v45, v54;
	[sflag:s12] =	ssyncadd.s32 $0xFFFFA000  }
0x25f: {  	_ =	swait.ge [sflag:s0], $0x6000  }
0x260: {  	v56 =	vadd.s32 v53, v63;
	[sflag:s0] =	ssyncset.done $0x0  }
0x261: {  	s26 =	rddreg [dreg:$0x18];
	[sflag:s0] =	ssyncadd.s32 $0xFFFFA000  }
0x262: {  	[hbm4b:s26+s5] =	stream.linear.scatter [tilespmem:s14], [sflag:$0x3], $0x6000, $0x38;
	[tilespmem:$0x1B100] =	vst v63  }
0x263: {  	[tilespmem:$0x80] =	vst v41  }
0x264: {  	v60 =	vperm.xlane v45, v55;
	[tilespmem:$0x90] =	vst v44  }
0x265: {  	[tilespmem:s17], [sflag:$0x1] =	stream.indirect_vreg.gather [hbm4b:s1+s5], $0x80, v56, vm0, $0xb8;
	[tilespmem:$0x1B100] =	vst v63  }
0x266: {  	s21 =	simm.s32 $0xC900;
	v57 =	vadd.s32 v53, v60  }
0x267: {  	[tilespmem:s21], [sflag:$0x1] =	stream.indirect_vreg.gather [hbm4b:s6+s5], $0x80, v56, vm0, $0xb8;
	[tilespmem:$0x1B100] =	vst v63  }
0x268: {  	s22 =	simm.s32 $0xD100  }
0x269: {  	[tilespmem:s22], [sflag:$0x1] =	stream.indirect_vreg.gather [hbm4b:s7+s5], $0x80, v56, vm0, $0xb8;
	[tilespmem:$0x1B100] =	vst v63  }
0x26a: {  	s9 =	simm.s32 $0xD900  }
0x26b: {  	[tilespmem:s9], [sflag:$0x1] =	stream.indirect_vreg.gather [hbm4b:s1+s5], $0x80, v57, vm0, $0xb8;
	[tilespmem:$0x1B100] =	vst v63  }
0x26c: {  	s10 =	simm.s32 $0xE100  }
0x26d: {  	[tilespmem:s10], [sflag:$0x1] =	stream.indirect_vreg.gather [hbm4b:s6+s5], $0x80, v57, vm0, $0xb8;
	[tilespmem:$0x1B100] =	vst v63  }
0x26e: {  	s28 =	simm.s32 $0xE900  }
0x26f: {  	[tilespmem:s28], [sflag:$0x1] =	stream.indirect_vreg.gather [hbm4b:s7+s5], $0x80, v57, vm0, $0xb8;
	[tilespmem:$0x1B100] =	vst v63  }
0x270: {  	v56 =	vld [tilespmem:$0x90];
	_ =	sdelay $0x4  }
0x271: {  	v61 =	vshrl.u32 v56, $0x3  }
0x272: {  	v57 =	vmul.u32 $0x30, v61  }
0x273: {  	v56 =	vand.u32 $0x7, v56  }
0x274: {  	v56 =	vor.u32 v56, v57  }
0x275: {  	v57 =	vperm.xlane v56, v54;
	_ =	sdelay $0x1  }
0x276: {  	v57 =	vadd.s32 v53, v57;
	_ =	sdelay $0x3  }
0x277: {  	s10 =	simm.s32 $0xF100;
	v56 =	vperm.xlane v56, v55  }
0x278: {  	[tilespmem:s10], [sflag:$0x1] =	stream.indirect_vreg.gather [hbm4b:s1+s5], $0x80, v57, vm0, $0xb8;
	[tilespmem:$0x1B100] =	vst v63  }
0x279: {  	s29 =	simm.s32 $0xF900;
	v56 =	vadd.s32 v53, v56  }
0x27a: {  	[tilespmem:s29], [sflag:$0x1] =	stream.indirect_vreg.gather [hbm4b:s6+s5], $0x80, v57, vm0, $0xb8;
	[tilespmem:$0x1B100] =	vst v63  }
0x27b: {  	s4 =	simm.s32 $0x10100  }
0x27c: {  	[tilespmem:s4], [sflag:$0x1] =	stream.indirect_vreg.gather [hbm4b:s7+s5], $0x80, v57, vm0, $0xb8;
	[tilespmem:$0x1B100] =	vst v63  }
0x27d: {  	s20 =	simm.s32 $0x10900  }
0x27e: {  	[tilespmem:s20], [sflag:$0x1] =	stream.indirect_vreg.gather [hbm4b:s1+s5], $0x80, v56, vm0, $0xb8;
	[tilespmem:$0x1B100] =	vst v63  }
0x27f: {  	s13 =	simm.s32 $0x11100  }
0x280: {  	[tilespmem:s13], [sflag:$0x1] =	stream.indirect_vreg.gather [hbm4b:s6+s5], $0x80, v56, vm0, $0xb8;
	[tilespmem:$0x1B100] =	vst v63  }
0x281: {  	s20 =	simm.s32 $0x11900  }
0x282: {  	[tilespmem:s20], [sflag:$0x1] =	stream.indirect_vreg.gather [hbm4b:s7+s5], $0x80, v56, vm0, $0xb8;
	[tilespmem:$0x1B100] =	vst v63  }
0x283: {  	_ =	swait.ge [sflag:s12], $0x6000  }
0x284: {  	[sflag:s12] =	ssyncset.done $0x0  }
0x285: {  	v62 =	vperm.xlane v49, v54;
	[sflag:s12] =	ssyncadd.s32 $0xFFFFA000  }
0x286: {  	_ =	swait.ge [sflag:s0], $0x6000  }
0x287: {  	v56 =	vadd.s32 v53, v62;
	[sflag:s0] =	ssyncset.done $0x0  }
0x288: {  	s29 =	rddreg [dreg:$0x19];
	[sflag:s0] =	ssyncadd.s32 $0xFFFFA000  }
0x289: {  	[hbm4b:s29+s5] =	stream.linear.scatter [tilespmem:s17], [sflag:$0x3], $0x6000, $0x38;
	[tilespmem:$0x1B100] =	vst v63  }
0x28a: {  	[tilespmem:$0x80] =	vst v46  }
0x28b: {  	v63 =	vperm.xlane v49, v55;
	[tilespmem:$0x90] =	vst v48  }
0x28c: {  	[tilespmem:s14], [sflag:$0x1] =	stream.indirect_vreg.gather [hbm4b:s1+s5], $0x80, v56, vm0, $0xb8;
	[tilespmem:$0x1B100] =	vst v63  }
0x28d: {  	s30 =	simm.s32 $0x12900;
	v57 =	vadd.s32 v53, v63  }
0x28e: {  	[tilespmem:s30], [sflag:$0x1] =	stream.indirect_vreg.gather [hbm4b:s6+s5], $0x80, v56, vm0, $0xb8;
	[tilespmem:$0x1B100] =	vst v63  }
0x28f: {  	s31 =	simm.s32 $0x13100  }
0x290: {  	[tilespmem:s31], [sflag:$0x1] =	stream.indirect_vreg.gather [hbm4b:s7+s5], $0x80, v56, vm0, $0xb8;
	[tilespmem:$0x1B100] =	vst v63  }
0x291: {  	s15 =	simm.s32 $0x13900  }
0x292: {  	[tilespmem:s15], [sflag:$0x1] =	stream.indirect_vreg.gather [hbm4b:s1+s5], $0x80, v57, vm0, $0xb8;
	[tilespmem:$0x1B100] =	vst v63  }
0x293: {  	s16 =	simm.s32 $0x14100  }
0x294: {  	[tilespmem:s16], [sflag:$0x1] =	stream.indirect_vreg.gather [hbm4b:s6+s5], $0x80, v57, vm0, $0xb8;
	[tilespmem:$0x1B100] =	vst v63  }
0x295: {  	s15 =	simm.s32 $0x14900  }
0x296: {  	[tilespmem:s15], [sflag:$0x1] =	stream.indirect_vreg.gather [hbm4b:s7+s5], $0x80, v57, vm0, $0xb8;
	[tilespmem:$0x1B100] =	vst v63  }
0x297: {  	v56 =	vld [tilespmem:$0x90];
	_ =	sdelay $0x4  }
0x298: {  	v60 =	vshrl.u32 v56, $0x3  }
0x299: {  	v57 =	vmul.u32 $0x30, v60  }
0x29a: {  	v56 =	vand.u32 $0x7, v56  }
0x29b: {  	v56 =	vor.u32 v56, v57  }
0x29c: {  	v57 =	vperm.xlane v56, v54;
	_ =	sdelay $0x1  }
0x29d: {  	v57 =	vadd.s32 v53, v57;
	_ =	sdelay $0x3  }
0x29e: {  	s16 =	simm.s32 $0x15100;
	v56 =	vperm.xlane v56, v55  }
0x29f: {  	[tilespmem:s16], [sflag:$0x1] =	stream.indirect_vreg.gather [hbm4b:s1+s5], $0x80, v57, vm0, $0xb8;
	[tilespmem:$0x1B100] =	vst v63  }
0x2a0: {  	s3 =	simm.s32 $0x15900;
	v56 =	vadd.s32 v53, v56  }
0x2a1: {  	[tilespmem:s3], [sflag:$0x1] =	stream.indirect_vreg.gather [hbm4b:s6+s5], $0x80, v57, vm0, $0xb8;
	[tilespmem:$0x1B100] =	vst v63  }
0x2a2: {  	s19 =	simm.s32 $0x16100  }
0x2a3: {  	[tilespmem:s19], [sflag:$0x1] =	stream.indirect_vreg.gather [hbm4b:s7+s5], $0x80, v57, vm0, $0xb8;
	[tilespmem:$0x1B100] =	vst v63  }
0x2a4: {  	s24 =	simm.s32 $0x16900  }
0x2a5: {  	[tilespmem:s24], [sflag:$0x1] =	stream.indirect_vreg.gather [hbm4b:s1+s5], $0x80, v56, vm0, $0xb8;
	[tilespmem:$0x1B100] =	vst v63  }
0x2a6: {  	s20 =	simm.s32 $0x17100  }
0x2a7: {  	[tilespmem:s20], [sflag:$0x1] =	stream.indirect_vreg.gather [hbm4b:s6+s5], $0x80, v56, vm0, $0xb8;
	[tilespmem:$0x1B100] =	vst v63  }
0x2a8: {  	s24 =	simm.s32 $0x17900  }
0x2a9: {  	[tilespmem:s24], [sflag:$0x1] =	stream.indirect_vreg.gather [hbm4b:s7+s5], $0x80, v56, vm0, $0xb8;
	[tilespmem:$0x1B100] =	vst v63  }
0x2aa: {  	_ =	swait.ge [sflag:s12], $0x6000  }
0x2ab: {  	[sflag:s12] =	ssyncset.done $0x0  }
0x2ac: {  	v61 =	vperm.xlane v51, v54;
	[sflag:s12] =	ssyncadd.s32 $0xFFFFA000  }
0x2ad: {  	_ =	swait.ge [sflag:s0], $0x6000  }
0x2ae: {  	v56 =	vadd.s32 v53, v61;
	[sflag:s0] =	ssyncset.done $0x0  }
0x2af: {  	s29 =	rddreg [dreg:$0x1a];
	[sflag:s0] =	ssyncadd.s32 $0xFFFFA000  }
0x2b0: {  	[hbm4b:s29+s5] =	stream.linear.scatter [tilespmem:s14], [sflag:$0x3], $0x6000, $0x38;
	[tilespmem:$0x1B100] =	vst v63  }
0x2b1: {  	[tilespmem:$0x80] =	vst v47  }
0x2b2: {  	v62 =	vperm.xlane v51, v55;
	[tilespmem:$0x90] =	vst v50  }
0x2b3: {  	[tilespmem:s17], [sflag:$0x1] =	stream.indirect_vreg.gather [hbm4b:s1+s5], $0x80, v56, vm0, $0xb8;
	[tilespmem:$0x1B100] =	vst v63  }
0x2b4: {  	s23 =	simm.s32 $0xC900;
	v57 =	vadd.s32 v53, v62  }
0x2b5: {  	[tilespmem:s23], [sflag:$0x1] =	stream.indirect_vreg.gather [hbm4b:s6+s5], $0x80, v56, vm0, $0xb8;
	[tilespmem:$0x1B100] =	vst v63  }
0x2b6: {  	s21 =	simm.s32 $0xD100  }
0x2b7: {  	[tilespmem:s21], [sflag:$0x1] =	stream.indirect_vreg.gather [hbm4b:s7+s5], $0x80, v56, vm0, $0xb8;
	[tilespmem:$0x1B100] =	vst v63  }
0x2b8: {  	s18 =	simm.s32 $0xD900  }
0x2b9: {  	[tilespmem:s18], [sflag:$0x1] =	stream.indirect_vreg.gather [hbm4b:s1+s5], $0x80, v57, vm0, $0xb8;
	[tilespmem:$0x1B100] =	vst v63  }
0x2ba: {  	s9 =	simm.s32 $0xE100  }
0x2bb: {  	[tilespmem:s9], [sflag:$0x1] =	stream.indirect_vreg.gather [hbm4b:s6+s5], $0x80, v57, vm0, $0xb8;
	[tilespmem:$0x1B100] =	vst v63  }
0x2bc: {  	s22 =	simm.s32 $0xE900  }
0x2bd: {  	[tilespmem:s22], [sflag:$0x1] =	stream.indirect_vreg.gather [hbm4b:s7+s5], $0x80, v57, vm0, $0xb8;
	[tilespmem:$0x1B100] =	vst v63  }
0x2be: {  	v56 =	vld [tilespmem:$0x90];
	_ =	sdelay $0x4  }
0x2bf: {  	v63 =	vshrl.u32 v56, $0x3  }
0x2c0: {  	v57 =	vmul.u32 $0x30, v63  }
0x2c1: {  	v56 =	vand.u32 $0x7, v56  }
0x2c2: {  	v56 =	vor.u32 v56, v57  }
0x2c3: {  	v54 =	vperm.xlane v56, v54;
	_ =	sdelay $0x1  }
0x2c4: {  	v54 =	vadd.s32 v53, v54;
	_ =	sdelay $0x3  }
0x2c5: {  	s30 =	simm.s32 $0xF100;
	v55 =	vperm.xlane v56, v55  }
0x2c6: {  	[tilespmem:s30], [sflag:$0x1] =	stream.indirect_vreg.gather [hbm4b:s1+s5], $0x80, v54, vm0, $0xb8;
	[tilespmem:$0x1B100] =	vst v63  }
0x2c7: {  	s28 =	simm.s32 $0xF900;
	v53 =	vadd.s32 v53, v55  }
0x2c8: {  	[tilespmem:s28], [sflag:$0x1] =	stream.indirect_vreg.gather [hbm4b:s6+s5], $0x80, v54, vm0, $0xb8;
	[tilespmem:$0x1B100] =	vst v63  }
0x2c9: {  	s10 =	simm.s32 $0x10100  }
0x2ca: {  	[tilespmem:s10], [sflag:$0x1] =	stream.indirect_vreg.gather [hbm4b:s7+s5], $0x80, v54, vm0, $0xb8;
	[tilespmem:$0x1B100] =	vst v63  }
0x2cb: {  	s26 =	simm.s32 $0x10900  }
0x2cc: {  	[tilespmem:s26], [sflag:$0x1] =	stream.indirect_vreg.gather [hbm4b:s1+s5], $0x80, v53, vm0, $0xb8;
	[tilespmem:$0x1B100] =	vst v63  }
0x2cd: {  	s4 =	simm.s32 $0x11100  }
0x2ce: {  	[tilespmem:s4], [sflag:$0x1] =	stream.indirect_vreg.gather [hbm4b:s6+s5], $0x80, v53, vm0, $0xb8;
	[tilespmem:$0x1B100] =	vst v63  }
0x2cf: {  	s13 =	simm.s32 $0x11900  }
0x2d0: {  	[tilespmem:s13], [sflag:$0x1] =	stream.indirect_vreg.gather [hbm4b:s7+s5], $0x80, v53, vm0, $0xb8;
	[tilespmem:$0x1B100] =	vst v63  }
0x2d1: {  	_ =	swait.ge [sflag:s12], $0x6000  }
0x2d2: {  	[sflag:s12] =	ssyncset.done $0x0  }
0x2d3: {  	[sflag:s12] =	ssyncadd.s32 $0xFFFFA000  }
0x2d4: {  	_ =	swait.ge [sflag:s0], $0x6000  }
0x2d5: {  	[sflag:s0] =	ssyncset.done $0x0  }
0x2d6: {  	s31 =	rddreg [dreg:$0x11];
	[sflag:s0] =	ssyncadd.s32 $0xFFFFA000  }
0x2d7: {  	[hbm4b:s31+s5] =	stream.linear.scatter [tilespmem:s17], [sflag:$0x3], $0x6000, $0x38;
	[tilespmem:$0x1B100] =	vst v63  }
0x2d8: {  	s24 =	simm.s32 $0x308;
	_ =	swait.ge [sflag:s0], $0x6000  }
0x2d9: {  	s23 =	simm.s32 $0x408;
	s9 =	simm.s32 $0x208;
	[sflag:s0] =	ssyncset.done $0x0  }
0x2da: {  	s22 =	simm.s32 $0x508;
	s10 =	simm.s32 $0x608;
	[sflag:s0] =	ssyncadd.s32 $0xFFFFA000  }
.LBB2_6:
0x2db: {  	s9 =	sadd.s32 s8, s9  }
0x2dc: {  	s2 =	stileid.u32;
	s9 =	sshrl.u32 s9, $0x3  }
0x2dd: {  	s3 =	rddreg [dreg:$0x1];
	s9 =	smul.u32 $0x300, s9  }
0x2de: {  	s13 =	rddreg [dreg:$0x2];
	s28 =	sadd.s32 s8, s24;
	s4 =	sshll.u32 s2, $0x6  }
0x2df: {  	s26 =	sshrl.u32 s13, $0x3;
	s4 =	sor.u32 $0x1C02, s4;
	s9 =	sadd.s32 s3, s9  }
0x2e0: {  	[hbm:s9], [sflag:s4] =	dma.local [spmem:s26], $0x6000  }
0x2e1: {  	s9 =	sshrl.u32 s28, $0x3  }
0x2e2: {  	s23 =	sadd.s32 s8, s23;
	s9 =	smul.u32 $0x300, s9  }
0x2e3: {  	s30 =	sadd.s32 s8, s22;
	s10 =	sadd.s32 s8, s10;
	s23 =	sshrl.u32 s23, $0x3  }
0x2e4: {  	s10 =	sshrl.u32 s10, $0x3;
	s23 =	smul.u32 $0x300, s23;
	s9 =	sadd.s32 s3, s9  }
0x2e5: {  	[hbm:s9], [sflag:s4] =	dma.local [spmem:s26], $0x6000  }
0x2e6: {  	s10 =	smul.u32 $0x300, s10;
	s9 =	sshrl.u32 s30, $0x3  }
0x2e7: {  	s29 =	sadd.s32 s3, s23;
	s9 =	smul.u32 $0x300, s9  }
0x2e8: {  	[hbm:s29], [sflag:s4] =	dma.local [spmem:s26], $0x6000  }
0x2e9: {  	s31 =	sadd.s32 s3, s10;
	s9 =	sadd.s32 s3, s9  }
0x2ea: {  	[hbm:s9], [sflag:s4] =	dma.local [spmem:s26], $0x6000  }
0x2eb: {  	[hbm:s31], [sflag:s4] =	dma.local [spmem:s26], $0x6000  }
0x2ec: {  	s2 =	sshrl.u32 @!p1 s13, $0x3;
	s3 =	rddreg [dreg:$0x12]  }
0x2ed: {  	[hbm:s3], [sflag:s4] =	dma.local @!p1 [spmem:s2], $0x6000  }
0x2ee: {  	s3 =	rddreg [dreg:$0x13]  }
0x2ef: {  	[hbm:s3], [sflag:s4] =	dma.local @!p1 [spmem:s2], $0x6000  }
0x2f0: {  	s3 =	rddreg [dreg:$0x14]  }
0x2f1: {  	[hbm:s3], [sflag:s4] =	dma.local @!p1 [spmem:s2], $0x6000  }
0x2f2: {  	s3 =	rddreg [dreg:$0x1b]  }
0x2f3: {  	[hbm:s3], [sflag:s4] =	dma.local @!p1 [spmem:s2], $0x6000  }
0x2f4: {  	s2 =	simm.s32 @!p1 $0x2  }
0x2f5: {  	_ =	swait.ge @!p1 [sflag:s2], $0x6000  }
0x2f6: {  	[sflag:s2] =	ssyncset.done @!p1 $0x0  }
0x2f7: {  	[sflag:s2] =	ssyncadd.s32 @!p1 $0xFFFFA000  }
0x2f8: {  	_ =	swait.ge @!p1 [sflag:s2], $0x6000  }
0x2f9: {  	[sflag:s2] =	ssyncset.done @!p1 $0x0  }
0x2fa: {  	[sflag:s2] =	ssyncadd.s32 @!p1 $0xFFFFA000  }
0x2fb: {  	_ =	swait.ge @!p1 [sflag:s2], $0x6000  }
0x2fc: {  	[sflag:s2] =	ssyncset.done @!p1 $0x0  }
0x2fd: {  	[sflag:s2] =	ssyncadd.s32 @!p1 $0xFFFFA000  }
0x2fe: {  	_ =	swait.ge @!p1 [sflag:s2], $0x6000  }
0x2ff: {  	[sflag:s2] =	ssyncset.done @!p1 $0x0  }
0x300: {  	[sflag:s2] =	ssyncadd.s32 @!p1 $0xFFFFA000  }
0x301: {  	_ =	swait.ge [sflag:s11], $0x6000  }
0x302: {  	[sflag:s11] =	ssyncset.done $0x0  }
0x303: {  	[sflag:s11] =	ssyncadd.s32 $0xFFFFA000  }
0x304: {  	_ =	swait.ge [sflag:s11], $0x6000  }
0x305: {  	[sflag:s11] =	ssyncset.done $0x0  }
0x306: {  	[sflag:s11] =	ssyncadd.s32 $0xFFFFA000  }
0x307: {  	_ =	swait.ge [sflag:s11], $0x6000  }
0x308: {  	[sflag:s11] =	ssyncset.done $0x0  }
0x309: {  	s25 =	sadd.s32 $0xFFFFFFFF, s25;
	[sflag:s11] =	ssyncadd.s32 $0xFFFFA000  }
0x30a: {  	p3 =	sne.s32 s25, $0x0;
	_ =	swait.ge [sflag:s11], $0x6000  }
.Ltmp1:
0x30b: {  	[sflag:s11] =	ssyncset.done $0x0;
	(pc) =	sbr.rel @!p3 .LBB2_7-.Ltmp1, $4  }
0x30c: {  	[sflag:s11] =	ssyncadd.s32 $0xFFFFA000  }
0x30d: {  	_ =	swait.ge [sflag:s11], $0x6000  }
0x30e: {  	[sflag:s11] =	ssyncset.done $0x0  }
0x30f: {  	[sflag:s11] =	ssyncadd.s32 $0xFFFFA000  }
.LBB2_1:
.Ltmp2:
0x310: {  	(pc) =	sbr.rel @p2 .LBB2_3-.Ltmp2, $1  }
0x311: {  	_ =	sdelay $0x3  }
0x312: {  	v53 =	vand.u32 $0x7, v0;
	v54 =	vshrl.u32 v0, $0x3  }
0x313: {  	v55 =	vperm.xlane v52, v53;
	v54 =	vmul.u32 $0x8, v54;
	_ =	sdelay $0x1  }
0x314: {  	v55 =	vadd.s32 v54, v55  }
0x315: {  	[tilespmem:$0x0] =	vst v52  }
0x316: {  	[tilespmem:$0x10] =	vst v52  }
0x317: {  	[tilespmem:$0x20] =	vst v52;
	v56 =	vor.u32 $0x8, v0  }
0x318: {  	[tilespmem:$0x30] =	vst v52;
	s3 =	simm.s32 $0x100;
	v57 =	vperm.xlane v52, v56  }
0x319: {  	[tilespmem:s3], [sflag:$0x1] =	stream.indirect_vreg.gather [hbm4b:s1+s5], $0x80, v55, vm0, $0xb8;
	[tilespmem:$0x1B100] =	vst v63  }
0x31a: {  	s2 =	simm.s32 $0x900;
	v57 =	vadd.s32 v54, v57  }
0x31b: {  	[tilespmem:s2], [sflag:$0x1] =	stream.indirect_vreg.gather [hbm4b:s6+s5], $0x80, v55, vm0, $0xb8;
	[tilespmem:$0x1B100] =	vst v63  }
0x31c: {  	s22 =	simm.s32 $0x1100  }
0x31d: {  	[tilespmem:s22], [sflag:$0x1] =	stream.indirect_vreg.gather [hbm4b:s7+s5], $0x80, v55, vm0, $0xb8;
	[tilespmem:$0x1B100] =	vst v63  }
0x31e: {  	s23 =	simm.s32 $0x1900  }
0x31f: {  	[tilespmem:s23], [sflag:$0x1] =	stream.indirect_vreg.gather [hbm4b:s1+s5], $0x80, v57, vm0, $0xb8;
	[tilespmem:$0x1B100] =	vst v63  }
0x320: {  	s24 =	simm.s32 $0x2100  }
0x321: {  	[tilespmem:s24], [sflag:$0x1] =	stream.indirect_vreg.gather [hbm4b:s6+s5], $0x80, v57, vm0, $0xb8;
	[tilespmem:$0x1B100] =	vst v63  }
0x322: {  	s26 =	simm.s32 $0x2900  }
0x323: {  	[tilespmem:s26], [sflag:$0x1] =	stream.indirect_vreg.gather [hbm4b:s7+s5], $0x80, v57, vm0, $0xb8;
	[tilespmem:$0x1B100] =	vst v63  }
0x324: {  	v55 =	vld [tilespmem:$0x10];
	_ =	sdelay $0x4  }
0x325: {  	v61 =	vshrl.u32 v55, $0x3  }
0x326: {  	v57 =	vmul.u32 $0x30, v61  }
0x327: {  	v55 =	vand.u32 $0x7, v55  }
0x328: {  	v55 =	vor.u32 v55, v57  }
0x329: {  	v57 =	vperm.xlane v55, v53;
	_ =	sdelay $0x1  }
0x32a: {  	v57 =	vadd.s32 v54, v57;
	_ =	sdelay $0x3  }
0x32b: {  	s28 =	simm.s32 $0x3100;
	v55 =	vperm.xlane v55, v56  }
0x32c: {  	[tilespmem:s28], [sflag:$0x1] =	stream.indirect_vreg.gather [hbm4b:s1+s5], $0x80, v57, vm0, $0xb8;
	[tilespmem:$0x1B100] =	vst v63  }
0x32d: {  	s29 =	simm.s32 $0x3900;
	v55 =	vadd.s32 v54, v55  }
0x32e: {  	[tilespmem:s29], [sflag:$0x1] =	stream.indirect_vreg.gather [hbm4b:s6+s5], $0x80, v57, vm0, $0xb8;
	[tilespmem:$0x1B100] =	vst v63  }
0x32f: {  	s30 =	simm.s32 $0x4100  }
0x330: {  	[tilespmem:s30], [sflag:$0x1] =	stream.indirect_vreg.gather [hbm4b:s7+s5], $0x80, v57, vm0, $0xb8;
	[tilespmem:$0x1B100] =	vst v63  }
0x331: {  	s31 =	simm.s32 $0x4900  }
0x332: {  	[tilespmem:s31], [sflag:$0x1] =	stream.indirect_vreg.gather [hbm4b:s1+s5], $0x80, v55, vm0, $0xb8;
	[tilespmem:$0x1B100] =	vst v63  }
0x333: {  	s4 =	simm.s32 $0x5100  }
0x334: {  	[tilespmem:s4], [sflag:$0x1] =	stream.indirect_vreg.gather [hbm4b:s6+s5], $0x80, v55, vm0, $0xb8;
	[tilespmem:$0x1B100] =	vst v63  }
0x335: {  	s9 =	simm.s32 $0x5900  }
0x336: {  	[tilespmem:s9], [sflag:$0x1] =	stream.indirect_vreg.gather [hbm4b:s7+s5], $0x80, v55, vm0, $0xb8;
	[tilespmem:$0x1B100] =	vst v63  }
0x337: {  	v55 =	vld [tilespmem:$0x20];
	_ =	sdelay $0x4  }
0x338: {  	v62 =	vshrl.u32 v55, $0x3  }
0x339: {  	v57 =	vmul.u32 $0x30, v62  }
0x33a: {  	v55 =	vand.u32 $0x7, v55  }
0x33b: {  	v55 =	vor.u32 v55, v57  }
0x33c: {  	v57 =	vperm.xlane v55, v53;
	_ =	sdelay $0x1  }
0x33d: {  	v57 =	vadd.s32 v54, v57;
	_ =	sdelay $0x3  }
0x33e: {  	s10 =	simm.s32 $0x6100;
	v55 =	vperm.xlane v55, v56  }
0x33f: {  	[tilespmem:s10], [sflag:$0x1] =	stream.indirect_vreg.gather [hbm4b:s1+s5], $0x80, v57, vm0, $0xb8;
	[tilespmem:$0x1B100] =	vst v63  }
0x340: {  	s13 =	simm.s32 $0x6900;
	v55 =	vadd.s32 v54, v55  }
0x341: {  	[tilespmem:s13], [sflag:$0x1] =	stream.indirect_vreg.gather [hbm4b:s6+s5], $0x80, v57, vm0, $0xb8;
	[tilespmem:$0x1B100] =	vst v63  }
0x342: {  	s15 =	simm.s32 $0x7100  }
0x343: {  	[tilespmem:s15], [sflag:$0x1] =	stream.indirect_vreg.gather [hbm4b:s7+s5], $0x80, v57, vm0, $0xb8;
	[tilespmem:$0x1B100] =	vst v63  }
0x344: {  	s16 =	simm.s32 $0x7900  }
0x345: {  	[tilespmem:s16], [sflag:$0x1] =	stream.indirect_vreg.gather [hbm4b:s1+s5], $0x80, v55, vm0, $0xb8;
	[tilespmem:$0x1B100] =	vst v63  }
0x346: {  	s18 =	simm.s32 $0x8100  }
0x347: {  	[tilespmem:s18], [sflag:$0x1] =	stream.indirect_vreg.gather [hbm4b:s6+s5], $0x80, v55, vm0, $0xb8;
	[tilespmem:$0x1B100] =	vst v63  }
0x348: {  	s19 =	simm.s32 $0x8900  }
0x349: {  	[tilespmem:s19], [sflag:$0x1] =	stream.indirect_vreg.gather [hbm4b:s7+s5], $0x80, v55, vm0, $0xb8;
	[tilespmem:$0x1B100] =	vst v63  }
0x34a: {  	v55 =	vld [tilespmem:$0x30];
	_ =	sdelay $0x4  }
0x34b: {  	v63 =	vshrl.u32 v55, $0x3  }
0x34c: {  	v57 =	vmul.u32 $0x30, v63  }
0x34d: {  	v55 =	vand.u32 $0x7, v55  }
0x34e: {  	v55 =	vor.u32 v55, v57  }
0x34f: {  	v53 =	vperm.xlane v55, v53;
	_ =	sdelay $0x1  }
0x350: {  	v53 =	vadd.s32 v54, v53;
	_ =	sdelay $0x3  }
0x351: {  	s20 =	simm.s32 $0x9100;
	v55 =	vperm.xlane v55, v56  }
0x352: {  	[tilespmem:s20], [sflag:$0x1] =	stream.indirect_vreg.gather [hbm4b:s1+s5], $0x80, v53, vm0, $0xb8;
	[tilespmem:$0x1B100] =	vst v63  }
0x353: {  	s21 =	simm.s32 $0x9900;
	v54 =	vadd.s32 v54, v55  }
0x354: {  	[tilespmem:s21], [sflag:$0x1] =	stream.indirect_vreg.gather [hbm4b:s6+s5], $0x80, v53, vm0, $0xb8;
	[tilespmem:$0x1B100] =	vst v63  }
0x355: {  	s22 =	simm.s32 $0xA100  }
0x356: {  	[tilespmem:s22], [sflag:$0x1] =	stream.indirect_vreg.gather [hbm4b:s7+s5], $0x80, v53, vm0, $0xb8;
	[tilespmem:$0x1B100] =	vst v63  }
0x357: {  	s23 =	simm.s32 $0xA900  }
0x358: {  	[tilespmem:s23], [sflag:$0x1] =	stream.indirect_vreg.gather [hbm4b:s1+s5], $0x80, v54, vm0, $0xb8;
	[tilespmem:$0x1B100] =	vst v63  }
0x359: {  	s24 =	simm.s32 $0xB100  }
0x35a: {  	[tilespmem:s24], [sflag:$0x1] =	stream.indirect_vreg.gather [hbm4b:s6+s5], $0x80, v54, vm0, $0xb8;
	[tilespmem:$0x1B100] =	vst v63  }
0x35b: {  	s26 =	simm.s32 $0xB900  }
0x35c: {  	[tilespmem:s26], [sflag:$0x1] =	stream.indirect_vreg.gather [hbm4b:s7+s5], $0x80, v54, vm0, $0xb8;
	[tilespmem:$0x1B100] =	vst v63  }
0x35d: {  	_ =	swait.ge [sflag:s12], $0xC000  }
0x35e: {  	[sflag:s12] =	ssyncset.done $0x0  }
0x35f: {  	[sflag:s12] =	ssyncadd.s32 $0xFFFF4000  }
0x360: {  	s4 =	simm.s32 $0x4;
	s28 =	rddreg [dreg:$0x2]  }
0x361: {  	[spmem:s28] =	stream.linear.scatter [tilespmem:s3], [sflag:$0x4], $0xC000, $0x38;
	[tilespmem:$0x1B100] =	vst v63  }
0x362: {  	_ =	swait.ge [sflag:s4], $0xC000  }
0x363: {  	[sflag:s4] =	ssyncset.done $0x0  }
0x364: {  	s29 =	rddreg [dreg:$0x4];
	[sflag:s4] =	ssyncadd.s32 $0xFFFF4000  }
0x365: {  	[spmem:s29] =	stream.linear.scatter [tilespmem:s3], [sflag:$0x4], $0xC000, $0x38;
	[tilespmem:$0x1B100] =	vst v63  }
0x366: {  	_ =	swait.ge [sflag:s4], $0xC000  }
0x367: {  	[sflag:s4] =	ssyncset.done $0x0  }
0x368: {  	s30 =	rddreg [dreg:$0x5];
	[sflag:s4] =	ssyncadd.s32 $0xFFFF4000  }
0x369: {  	[spmem:s30] =	stream.linear.scatter [tilespmem:s3], [sflag:$0x4], $0xC000, $0x38;
	[tilespmem:$0x1B100] =	vst v63  }
0x36a: {  	_ =	swait.ge [sflag:s4], $0xC000  }
0x36b: {  	[sflag:s4] =	ssyncset.done $0x0  }
0x36c: {  	s31 =	rddreg [dreg:$0x6];
	[sflag:s4] =	ssyncadd.s32 $0xFFFF4000  }
0x36d: {  	[spmem:s31] =	stream.linear.scatter [tilespmem:s3], [sflag:$0x4], $0xC000, $0x38;
	[tilespmem:$0x1B100] =	vst v63  }
0x36e: {  	_ =	swait.ge [sflag:s4], $0xC000  }
0x36f: {  	[sflag:s4] =	ssyncset.done $0x0  }
0x370: {  	[sflag:s4] =	ssyncadd.s32 $0xFFFF4000  }
.LBB2_3:
.Ltmp3:
0x371: {  	(pc) =	sbr.rel @!p0 .LBB2_5-.Ltmp3, $2  }
0x372: {  	_ =	sdelay $0x1  }
0x373: {  	[bflag:$0x0] =	sbarrier.arrive $0xFFFF;
	_ =	sdelay $0x1  }
.Ltmp4:
0x374: {  	(pc) =	sbr.rel .LBB2_6-.Ltmp4, $3  }
0x375: {  	_ =	sdelay $0x1  }
0x376: {  	s9 =	simm.s32 $0x708;
	s24 =	simm.s32 $0x808  }
0x377: {  	s23 =	simm.s32 $0x908;
	s22 =	simm.s32 $0xA08;
	s10 =	simm.s32 $0xB08  }
.LBB2_7:
0x378: {  	_ =	sfence.sel $0x180000  }
0x379: {  	[bflag:$0x0] =	sbarrier.arrive $0xFFFF  }
0x37a: {  	_ =	strace $0x90000047  }
0x37b: {  	[bflag:$0x2] =	sbarrier.arrive $0xFFFF  }
0x37c: {  	s0 =	rddreg [dreg:$0x3]  }
0x37d: {  	s0 =	sadd.s32 @!p2 $0x100000, s0  }
0x37e: {  	[sflag:s0] =	ssyncadd.tile.s32 @!p2 $0x1;
	_ =	shalt  }
.Lfunc_end2:
_tile_overlayer_lowered:
.L_overlay_start_2:
0x37f: {  	(tag) =	ssettag $0x2  }
0x380: {  	s0 =	rddreg [dreg:$0x0];
	s2 =	stileid.u32  }
0x381: {  	s1 =	rddreg [dreg:$0x1];
	p0 =	sne.s32 s2, $0x0  }
0x382: {  	s3 =	rddreg [dreg:$0x2];
	[bflag:$0x3] =	sbarrier.arrive $0xFFFF;
	s2 =	simm.s32 @!p0 $0x1C04  }
0x383: {  	[timem:s3], [sflag:s2] =	dma.local @!p0 [hbm:s0], s1  }
0x384: {  	s0 =	simm.s32 @!p0 $0x4  }
0x385: {  	_ =	swait.ge @!p0 [sflag:s0], s1  }
0x386: {  	s1 =	ssub.s32 @!p0 $0x0, s1;
	[sflag:s0] =	ssyncset.done @!p0 $0x0  }
0x387: {  	[sflag:s0] =	ssyncadd.s32 @!p0 s1  }
0x388: {  	[bflag:$0x3] =	sbarrier.arrive $0xFFFF  }
0x389: {  	_ =	shalt  }

</sc_bundles>
